<compile_context>
chip_gen: v7x
topology: tpu7x:2x2x1
jax: 0.10.2.dev20260603
libtpu: 0.0.44.dev20260713+nightly
codegen_flags: <defaults>
</compile_context>

<pallas_src>
import functools

import jax
import jax.numpy as jnp
from jax import lax
from jax.experimental import pallas as pl
from jax.experimental.pallas import tpu as pltpu
from jax.experimental.pallas import tpu_sc as plsc




def _sc_gather_rows(table, idx):
    R, C = table.shape
    Mpad = idx.shape[0]
    info = plsc.get_sparse_core_info()
    NW = info.num_cores * info.num_subcores
    bpw = Mpad // NW
    nch = bpw // 128
    mesh = plsc.VectorSubcoreMesh(core_axis_name="c", subcore_axis_name="s")

    @functools.partial(
        pl.kernel,
        mesh=mesh,
        out_type=jax.ShapeDtypeStruct((Mpad, C), jnp.float32),
        scratch_types=[
            pltpu.VMEM((128,), jnp.int32),
            pltpu.VMEM((128, C), jnp.float32),
            pltpu.SemaphoreType.DMA,
        ],
        compiler_params=pltpu.CompilerParams(use_tc_tiling_on_sc=False,
                                              needs_layout_passes=False),
    )
    def k(table_hbm, idx_hbm, out_hbm, idx_v, rows_v, sem):
        wid = lax.axis_index("s") * info.num_cores + lax.axis_index("c")
        base = wid * bpw

        def body(j, carry):
            off = base + j * 128
            pltpu.sync_copy(idx_hbm.at[pl.ds(off, 128)], idx_v)
            pltpu.async_copy(table_hbm.at[idx_v], rows_v, sem).wait()
            pltpu.sync_copy(rows_v, out_hbm.at[pl.ds(off, 128)])
            return carry

        lax.fori_loop(0, nch, body, 0)

    return k(table, idx)


def _sc_segsum_bexp(ptx_flat, point_key, B_flat, M, P, DPT, C):
    info = plsc.get_sparse_core_info()
    NW = info.num_cores * info.num_subcores
    spt = M // NW
    SGRP = 125
    ngrp = spt // SGRP
    CH = 512
    mesh = plsc.VectorSubcoreMesh(core_axis_name="c", subcore_axis_name="s")

    @functools.partial(
        pl.kernel,
        mesh=mesh,
        out_type=(
            jax.ShapeDtypeStruct((M * DPT,), jnp.float32),
            jax.ShapeDtypeStruct((P * C,), jnp.float32),
        ),
    scratch_types=[
            pltpu.VMEM((CH * DPT,), jnp.float32),
            pltpu.VMEM((CH * C,), jnp.float32),
            pltpu.VMEM(((SGRP + 1) * C,), jnp.float32),
            pltpu.VMEM(((SGRP + 1) * DPT,), jnp.float32),
            pltpu.VMEM((16,), jnp.float32),
            pltpu.VMEM((SGRP + 40,), jnp.int32),
            pltpu.SemaphoreType.DMA,
        ],
    )
    def k(ptx_hbm, pk_hbm, b_hbm, ss_hbm, be_hbm, ptx_v, be_v, b_v, ss_v,
          acc_v, pk_v, sem3):
        wid = lax.axis_index("s") * info.num_cores + lax.axis_index("c")
        zero16 = jnp.zeros((DPT,), jnp.float32)
        acc_v[...] = zero16

        def group(g, carry0):
            s0 = wid * spt + g * SGRP
            al = (s0 // 8) * 8
            off = s0 - al
            pltpu.sync_copy(pk_hbm.at[pl.ds(al, SGRP + 24)], pk_v.at[pl.ds(0, SGRP + 24)])
            pltpu.sync_copy(b_hbm.at[pl.ds(s0 * C, SGRP * C)],
                            b_v.at[pl.ds(0, SGRP * C)])
            ka = pk_v[pl.ds(off, 16)][0]
            kb = pk_v[pl.ds(off + SGRP, 16)][0]
            nch = (kb - ka + CH - 1) // CH

            def chunk(ch, cur):
                pos0 = ka + ch * CH
                cend = jnp.minimum(pos0 + CH, kb)
                pltpu.sync_copy(ptx_hbm.at[pl.ds(pos0 * DPT, CH * DPT)],
                                ptx_v)

                def step(it, st):
                    pos, cur2 = st
                    active = pos < cend
                    rel = jnp.minimum(cur2 - s0, SGRP)
                    ke = pk_v[pl.ds(off + rel + 1, 16)][0]
                    b0 = b_v[pl.ds(rel * C, 16)]
                    b1 = b_v[pl.ds(rel * C + 16, 16)]
                    take = jnp.where(
                        active,
                        jnp.maximum(jnp.minimum(ke, cend) - pos, 0), 0)

                    def row(r, c):
                        lr = pos - pos0 + r
                        acc_v[...] = acc_v[...] + ptx_v[pl.ds(lr * DPT, DPT)]
                        be_v[pl.ds(lr * C, 16)] = b0
                        be_v[pl.ds(lr * C + 16, 16)] = b1
                        return c

                    lax.fori_loop(0, take, row, 0)
                    pos2 = pos + take
                    done = active & (pos2 == ke)
                    ssi = jnp.where(done, rel, SGRP)
                    ss_v[pl.ds(ssi * DPT, DPT)] = acc_v[...]
                    acc_v[...] = acc_v[...] * jnp.where(done, 0.0, 1.0)
                    cur3 = jnp.where(done, cur2 + 1, cur2)
                    return (pos2, cur3)

                _, cur5 = lax.fori_loop(0, SGRP + 1, step, (pos0, cur))

                nrow = cend - pos0
                o = 0
                for p in range(10):
                    sz = CH >> p
                    hit = (nrow & sz) != 0

                    @pl.when(hit)
                    def _(o=o, sz=sz):
                        pltpu.sync_copy(
                            be_v.at[pl.ds(o * C, sz * C)],
                            be_hbm.at[pl.ds((pos0 + o) * C, sz * C)])

                    o = o + jnp.where(hit, sz, 0)

                return cur5

            cur6 = lax.fori_loop(0, nch, chunk, s0)

            nc = cur6 - s0

            def trail(i, c):
                ssi = jnp.where(i >= nc, i, SGRP)
                ss_v[pl.ds(ssi * DPT, DPT)] = zero16
                return c

            lax.fori_loop(0, SGRP, trail, 0)
            pltpu.sync_copy(ss_v.at[pl.ds(0, SGRP * DPT)],
                            ss_hbm.at[pl.ds(s0 * DPT, SGRP * DPT)])
            return carry0

        lax.fori_loop(0, ngrp, group, 0)

    return k(ptx_flat, point_key, B_flat)


def _sc_scatter_winner(pix, mean, HW):
    M = pix.shape[0]
    C = mean.shape[1]
    info = plsc.get_sparse_core_info()
    NW = info.num_cores * info.num_subcores
    hpw = HW // NW
    PCH = 2000
    npch = M // PCH
    nvr = PCH // 16
    ngch = hpw // 128
    mesh = plsc.VectorSubcoreMesh(core_axis_name="c", subcore_axis_name="s")

    @functools.partial(
        pl.kernel,
        mesh=mesh,
        out_type=(
            jax.ShapeDtypeStruct((HW, C), jnp.float32),
            jax.ShapeDtypeStruct((HW,), jnp.int32),
        ),
        scratch_types=[
            pltpu.VMEM((hpw,), jnp.int32),
            pltpu.VMEM((PCH,), jnp.int32),
            pltpu.VMEM((128,), jnp.int32),
            pltpu.VMEM((128, C), jnp.float32),
            pltpu.SemaphoreType.DMA,
        ],
        compiler_params=pltpu.CompilerParams(use_tc_tiling_on_sc=False,
                                              needs_layout_passes=False),
    )
    def k(pix_hbm, mean_hbm, scat_hbm, win_hbm, win_v, pix_v, idx_v, row_v,
          sem):
        wid = lax.axis_index("s") * info.num_cores + lax.axis_index("c")
        lo = wid * hpw
        hi = lo + hpw
        lanes = lax.iota(jnp.int32, 16)

        def zbody(i, c):
            win_v[pl.ds(i * 16, 16)] = jnp.zeros((16,), jnp.int32)
            return c

        lax.fori_loop(0, hpw // 16, zbody, 0)

        def scan_chunk(j, c):
            pltpu.sync_copy(pix_hbm.at[pl.ds(j * PCH, PCH)], pix_v)

            def scan_vreg(r, c2):
                v = pix_v[pl.ds(r * 16, 16)]
                m = (v >= lo) & (v < hi)
                rel = jnp.where(m, v - lo, 0)
                val = (j * PCH + r * 16 + 1) + lanes
                plsc.store_scatter(win_v, [rel], val, mask=m)
                return c2

            lax.fori_loop(0, nvr, scan_vreg, 0)
            return c

        lax.fori_loop(0, npch, scan_chunk, 0)

        def gat_chunk(cch, c):
            def mk_idx(r, c2):
                w = win_v[pl.ds(cch * 128 + r * 16, 16)]
                idx_v[pl.ds(r * 16, 16)] = jnp.maximum(w - 1, 0)
                return c2

            lax.fori_loop(0, 8, mk_idx, 0)
            pltpu.async_copy(mean_hbm.at[idx_v], row_v, sem).wait()
            pltpu.sync_copy(row_v, scat_hbm.at[pl.ds(lo + cch * 128, 128)])
            return c

        lax.fori_loop(0, ngch, gat_chunk, 0)
        pltpu.sync_copy(win_v, win_hbm.at[pl.ds(lo, hpw)])

    return k(pix, mean)




def _tc_transpose(x2d, blk=4608):
    C, HW = x2d.shape

    def body(x_ref, o_ref):
        o_ref[...] = x_ref[...].T

    return pl.pallas_call(
        body,
        grid=(HW // blk,),
        in_specs=[pl.BlockSpec((C, blk), lambda g: (0, g))],
        out_specs=pl.BlockSpec((blk, C), lambda g: (g, 0)),
        out_shape=jax.ShapeDtypeStruct((HW, C), x2d.dtype),
    )(x2d)


def _tc_linear(xf, W2, b, blk=1000):
    M, C = xf.shape

    def body(x_ref, w_ref, b_ref, o_ref):
        o_ref[...] = (
            jnp.dot(x_ref[...], w_ref[...], preferred_element_type=jnp.float32)
            + b_ref[...]
        )

    return pl.pallas_call(
        body,
        grid=(pl.cdiv(M, blk),),
        in_specs=[
            pl.BlockSpec((blk, C), lambda g: (g, 0)),
            pl.BlockSpec((C, C), lambda g: (0, 0)),
            pl.BlockSpec((1, C), lambda g: (0, 0)),
        ],
        out_specs=pl.BlockSpec((blk, C), lambda g: (g, 0)),
        out_shape=jax.ShapeDtypeStruct((M, C), jnp.float32),
    )(xf, W2, b.reshape(1, C))


def _tc_bigpass(ptx, W1, bexp, blk=4000):
    P, DPT = ptx.shape
    C = W1.shape[1]

    def body(p_ref, w_ref, e_ref, o_ref):
        o_ref[...] = (
            jnp.dot(p_ref[...], w_ref[...], preferred_element_type=jnp.float32)
            + e_ref[...]
        )

    return pl.pallas_call(
        body,
        grid=(P // blk,),
        in_specs=[
            pl.BlockSpec((blk, DPT), lambda g: (g, 0)),
            pl.BlockSpec((DPT, C), lambda g: (0, 0)),
            pl.BlockSpec((blk, C), lambda g: (g, 0)),
        ],
        out_specs=pl.BlockSpec((blk, C), lambda g: (g, 0)),
        out_shape=jax.ShapeDtypeStruct((P, C), jnp.float32),
    )(ptx, W1, bexp)


def _tc_mean(segsum, pk_a, pk_b, B, W1, blk=1000):
    M, DPT = segsum.shape
    C = W1.shape[1]

    def body(s_ref, a_ref, b_ref, bb_ref, w_ref, o_ref):
        cnt = (b_ref[...] - a_ref[...]).astype(jnp.float32)
        inv = 1.0 / jnp.maximum(cnt, 1.0)
        mean = (
            jnp.dot(s_ref[...] * inv, w_ref[...], preferred_element_type=jnp.float32)
            + bb_ref[...]
        )
        o_ref[...] = jnp.where(cnt > 0.0, mean, 0.0)

    return pl.pallas_call(
        body,
        grid=(pl.cdiv(M, blk),),
        in_specs=[
            pl.BlockSpec((blk, DPT), lambda g: (g, 0)),
            pl.BlockSpec((blk, 1), lambda g: (g, 0)),
            pl.BlockSpec((blk, 1), lambda g: (g, 0)),
            pl.BlockSpec((blk, C), lambda g: (g, 0)),
            pl.BlockSpec((DPT, C), lambda g: (0, 0)),
        ],
        out_specs=pl.BlockSpec((blk, C), lambda g: (g, 0)),
        out_shape=jax.ShapeDtypeStruct((M, C), jnp.float32),
    )(segsum, pk_a, pk_b, B, W1)


def _tc_final(x2d, scat, win, blk=512):
    C, HW = x2d.shape
    nblk = HW // blk
    win2 = win.reshape(nblk, 1, blk)

    def body(x_ref, s_ref, w_ref, o_ref):
        mask = (w_ref[...] > 0).reshape(1, blk)
        o_ref[...] = jnp.where(mask, s_ref[...].T, x_ref[...])

    return pl.pallas_call(
        body,
        grid=(nblk,),
        in_specs=[
            pl.BlockSpec((C, blk), lambda g: (0, g)),
            pl.BlockSpec((blk, C), lambda g: (g, 0)),
            pl.BlockSpec((1, 1, blk), lambda g: (g, 0, 0)),
        ],
        out_specs=pl.BlockSpec((C, blk), lambda g: (0, g)),
        out_shape=jax.ShapeDtypeStruct((C, HW), jnp.float32),
    )(x2d, scat, win2)




def kernel(x, ptx, bs, height, width, point_key, pixel_tgt_idx, W_net, b_net):
    C = x.shape[1]
    H = x.shape[2]
    W = x.shape[3]
    HW = H * W
    P, DPT = ptx.shape
    M = point_key.shape[0] - 1

    W1 = W_net[:DPT]
    W2 = W_net[DPT:]
    x2d = x.reshape(C, HW)

    xflat = _tc_transpose(x2d)

    Mpad = ((M + 4095) // 4096) * 4096
    pix_pad = jnp.pad(pixel_tgt_idx, (0, Mpad - M))
    xf = _sc_gather_rows(xflat, pix_pad)

    B = _tc_linear(xf, W2, b_net)

    ptx_flat = jnp.pad(ptx.reshape(-1), (0, 512 * DPT))
    pk_pad = jnp.pad(point_key, (0, 16))
    ss_flat, be_flat = _sc_segsum_bexp(ptx_flat, pk_pad, B.reshape(-1),
                                       M, P, DPT, C)
    segsum = ss_flat.reshape(M, DPT)
    bexp = be_flat.reshape(P, C)

    ptx_out = _tc_bigpass(ptx, W1, bexp)

    pk_a = lax.slice(point_key, (0,), (M,)).reshape(M, 1)
    pk_b = lax.slice(point_key, (1,), (M + 1,)).reshape(M, 1)
    mean = _tc_mean(segsum, pk_a, pk_b, lax.slice(B, (0, 0), (M, C)), W1)

    scat, winner = _sc_scatter_winner(pixel_tgt_idx, mean, HW)

    out2d = _tc_final(x2d, scat, winner)
    return (out2d.reshape(1, C, H, W), ptx_out)

# --- scband reference (transcript-rebuilt; emitter-appended) ---
"""Pipeline reference for scband-base-avg-79173427134545 (READ-ONLY COPY).

The authoritative reference and input builder live on the scoring server;
editing this copy changes nothing except your own understanding.
"""

import jax, jax.numpy as jnp
import numpy as np


def setup_inputs(seed: int = 0) -> dict:
    key = jax.random.key(seed)
    ks = jax.random.split(key, 6)
    H = 384; W = 384; HW = H * W
    M = 100000
    P = 1600000
    C = 32
    DPT = 16
    x = jax.random.normal(ks[0], (1, C, H, W), dtype=jnp.float32)
    ptx = jax.random.normal(ks[1], (P, DPT), dtype=jnp.float32)
    inner = jnp.sort(jax.random.randint(ks[2], (M - 1,), 0, P + 1, dtype=jnp.int32))
    point_key = jnp.concatenate([jnp.array([0], dtype=jnp.int32), inner, jnp.array([P], dtype=jnp.int32)])
    pixel_tgt_idx = jax.random.randint(ks[3], (M,), 0, HW, dtype=jnp.int32)
    W_net = jax.random.normal(ks[4], (DPT + C, C), dtype=jnp.float32) * 0.05
    b_net = jnp.zeros((C,), dtype=jnp.float32)
    return {"x": x, "ptx": ptx, "bs": 1, "height": H, "width": W, "point_key": point_key, "pixel_tgt_idx": pixel_tgt_idx, "W_net": W_net, "b_net": b_net}


def reference(x, ptx, bs, height, width, point_key, pixel_tgt_idx, W_net, b_net):
    assert x.shape[0] == 1
    xch = x.shape[1]
    h_stat = x.shape[2]
    w_stat = x.shape[3]
    x_old = x
    xf = jnp.transpose(x, (0, 2, 3, 1)).reshape(h_stat * w_stat, xch)
    xf = jnp.take(xf, pixel_tgt_idx, axis=0)
    P = ptx.shape[0]
    M = point_key.shape[0] - 1
    # gather_csr: point j in segment i for point_key[i] <= j < point_key[i+1]
    seg = jnp.searchsorted(point_key, jnp.arange(P, dtype=point_key.dtype), side='right') - 1
    xg = jnp.take(xf, seg, axis=0)
    xc = jnp.concatenate([ptx, xg], axis=1)
    # _net_forward (abstract in BaseAvg): modeled as a linear layer (DPT+C) -> C
    h = xc @ W_net + b_net
    ptx_out = h
    # segment_csr with reduce='mean'
    sums = jax.ops.segment_sum(h, seg, num_segments=M)
    counts = (point_key[1:] - point_key[:-1]).astype(h.dtype)
    mean = sums / jnp.clip(counts, 1.0, None)[:, None]
    # list_to_map: scatter per-pixel features back into dense map + validity mask
    flat = jnp.zeros((h_stat * w_stat, xch), dtype=h.dtype).at[pixel_tgt_idx].set(mean)
    maskf = jnp.zeros((h_stat * w_stat, 1), dtype=h.dtype).at[pixel_tgt_idx].set(1.0)
    xmap = jnp.transpose(flat.reshape(1, h_stat, w_stat, xch), (0, 3, 1, 2))
    mask = jnp.transpose(maskf.reshape(1, h_stat, w_stat, 1), (0, 3, 1, 2))
    out = jnp.where(mask > 0, xmap, x_old)
    dims_sum = jnp.asarray(bs) + jnp.asarray(height) + jnp.asarray(width)
    one = (dims_sum - dims_sum + 1).astype(out.dtype)
    out = out * one
    return (out, ptx_out)

if __name__ == "__main__":
    import jax
    _d = setup_inputs()
    print(jax.jit(kernel)(*tuple(_d.values())))

</pallas_src>

<mosaic_0001>
#map = affine_map<(d0, d1) -> (0)>
#map1 = affine_map<(d0, d1) -> (0, 0)>
module attributes {stable_mosaic.version = 14 : i64} {
  func.func @k(%arg0: i32, %arg1: i32, %arg2: memref<100000xi32, #tpu.memory_space<hbm>>, %arg3: memref<100000x32xf32, #tpu.memory_space<hbm>>, %arg4: memref<147456x32xf32, #tpu.memory_space<hbm>>, %arg5: memref<147456xi32, #tpu.memory_space<hbm>>, %arg6: memref<4608xi32, #tpu.memory_space<vmem>>, %arg7: memref<2000xi32, #tpu.memory_space<vmem>>, %arg8: memref<128xi32, #tpu.memory_space<vmem>>, %arg9: memref<128x32xf32, #tpu.memory_space<vmem>>, %arg10: memref<!tpu.dma_semaphore, #tpu.memory_space<semaphore_mem>>) attributes {dimension_semantics = [#tpu.dimension_semantics<core_parallel>, #tpu.dimension_semantics<subcore_parallel>], iteration_bounds = array<i64: 2, 16>, scalar_prefetch = 0 : i64, scratch_operands = 5 : i64, tpu.core_type = #tpu.core_type<sc_vector_subcore>, window_params = [{transform_indices = #map}, {transform_indices = #map1}, {transform_indices = #map1}, {transform_indices = #map}]} {
    %mul3A = arith.constant 2 : i32
    %mul3A_0 = arith.muli %arg1, %mul3A : i32
    %add3A = arith.addi %mul3A_0, %arg0 : i32
    %mul3A_1 = arith.constant 4608 : i32
    %mul3A_2 = arith.muli %add3A, %mul3A_1 : i32
    %add3A_3 = arith.constant 4608 : i32
    %add3A_4 = arith.addi %mul3A_2, %add3A_3 : i32
    %iota3A = tpu.iota {dimensions = array<i32: 0>} : vector<16xi32>
    %scan3A = arith.constant 0 : i32
    %scan3A_5 = arith.constant 0 : i32
    %scan3A_6 = arith.constant 288 : i32
    %scan3A_7 = arith.addi %scan3A_5, %scan3A_6 : i32
    %scan3A_8 = arith.constant 1 : i32
    scf.for %scan3A_22 = %scan3A_5 to %scan3A_7 step %scan3A_8  : i32 {
      %broadcast_in_dim3A = arith.constant 0 : i32
      %broadcast_in_dim3A_23 = vector.broadcast %broadcast_in_dim3A : i32 to vector<16xi32>
      %mul3A_24 = arith.constant 16 : i32
      %mul3A_25 = arith.muli %scan3A_22, %mul3A_24 : i32
      %swap3A = arith.index_cast %mul3A_25 : i32 to index
      %swap3A_26 = tpu.vector_load %arg6[%swap3A] {strides = array<i32>} : memref<4608xi32, #tpu.memory_space<vmem>>, vector<16xi32>,
      tpu.vector_store %arg6[%swap3A], %broadcast_in_dim3A_23 {strides = array<i32>} : memref<4608xi32, #tpu.memory_space<vmem>>, vector<16xi32>,
    }
    %scan3A_9 = arith.constant 288 : i32
    %scan3A_10 = arith.constant 0 : i32
    %scan3A_11 = arith.constant 0 : i32
    %scan3A_12 = arith.constant 50 : i32
    %scan3A_13 = arith.addi %scan3A_11, %scan3A_12 : i32
    %scan3A_14 = arith.constant 1 : i32
    scf.for %scan3A_22 = %scan3A_11 to %scan3A_13 step %scan3A_14  : i32 {
      %mul3A_23 = arith.constant 2000 : i32
      %mul3A_24 = arith.muli %scan3A_22, %mul3A_23 : i32
      "tpu.region"() ({
        %run_scoped3A = tpu.sem_alloc : memref<!tpu.dma_semaphore, #tpu.memory_space<semaphore_mem>>
        %dma_start3A = tpu.memref_slice %arg2[%mul3A_24] : memref<100000xi32, #tpu.memory_space<hbm>> -> memref<2000xi32, #tpu.memory_space<hbm>>
        %dma_start3A_31 = tpu.memref_slice %arg2[%mul3A_24] : memref<100000xi32, #tpu.memory_space<hbm>> -> memref<2000xi32, #tpu.memory_space<hbm>>
        tpu.enqueue_dma source(%dma_start3A_31 : memref<2000xi32, #tpu.memory_space<hbm>>) target(%arg7 : memref<2000xi32, #tpu.memory_space<vmem>>) target_semaphore(%run_scoped3A : memref<!tpu.dma_semaphore, #tpu.memory_space<semaphore_mem>>)
        %dma_wait3A = tpu.memref_slice %arg2[%mul3A_24] : memref<100000xi32, #tpu.memory_space<hbm>> -> memref<2000xi32, #tpu.memory_space<hbm>>
        %dma_wait3A_32 = tpu.memref_slice %arg2[%mul3A_24] : memref<100000xi32, #tpu.memory_space<hbm>> -> memref<2000xi32, #tpu.memory_space<hbm>>
        tpu.wait_dma2 semaphore(%run_scoped3A : memref<!tpu.dma_semaphore, #tpu.memory_space<semaphore_mem>>) src(%dma_wait3A_32 : memref<2000xi32, #tpu.memory_space<hbm>>) dst(%arg7 : memref<2000xi32, #tpu.memory_space<vmem>>)
        tpu.yield
      }) : () -> ()
      %scan3A_25 = arith.constant 0 : i32
      %scan3A_26 = arith.constant 0 : i32
      %scan3A_27 = arith.constant 125 : i32
      %scan3A_28 = arith.addi %scan3A_26, %scan3A_27 : i32
      %scan3A_29 = arith.constant 1 : i32
      scf.for %scan3A_31 = %scan3A_26 to %scan3A_28 step %scan3A_29  : i32 {
        %mul3A_32 = arith.constant 16 : i32
        %mul3A_33 = arith.muli %scan3A_31, %mul3A_32 : i32
        %get3A = arith.index_cast %mul3A_33 : i32 to index
        %get3A_34 = tpu.vector_load %arg7[%get3A] {strides = array<i32>} : memref<2000xi32, #tpu.memory_space<vmem>>, vector<16xi32>,
        %ge3A = vector.broadcast %mul3A_2 : i32 to vector<16xi32>
        %ge3A_35 = arith.cmpi sge, %get3A_34, %ge3A : vector<16xi32>
        %lt3A = vector.broadcast %add3A_4 : i32 to vector<16xi32>
        %lt3A_36 = arith.cmpi slt, %get3A_34, %lt3A : vector<16xi32>
        %and3A = arith.andi %ge3A_35, %lt3A_36 : vector<16xi1>
        %sub3A = vector.broadcast %mul3A_2 : i32 to vector<16xi32>
        %sub3A_37 = arith.subi %get3A_34, %sub3A : vector<16xi32>
        %jit3A = arith.constant 0 : i32
        %broadcast_in_dim3A = vector.broadcast %jit3A : i32 to vector<16xi32>
        %select_n3A = arith.select %and3A, %sub3A_37, %broadcast_in_dim3A : vector<16xi1>, vector<16xi32>
        %mul3A_38 = arith.constant 2000 : i32
        %mul3A_39 = arith.muli %scan3A_22, %mul3A_38 : i32
        %mul3A_40 = arith.constant 16 : i32
        %mul3A_41 = arith.muli %scan3A_31, %mul3A_40 : i32
        %add3A_42 = arith.addi %mul3A_39, %mul3A_41 : i32
        %add3A_43 = arith.constant 1 : i32
        %add3A_44 = arith.addi %add3A_42, %add3A_43 : i32
        %add3A_45 = vector.broadcast %add3A_44 : i32 to vector<16xi32>
        %add3A_46 = arith.addi %add3A_45, %iota3A : vector<16xi32>
        tpu.vector_store_idx %arg6[%select_n3A], %add3A_46 masked %and3A : memref<4608xi32, #tpu.memory_space<vmem>>[vector<16xi32>], vector<16xi32>, vector<16xi1>
      }
      %scan3A_30 = arith.constant 125 : i32
    }
    %scan3A_15 = arith.constant 50 : i32
    %scan3A_16 = arith.constant 0 : i32
    %scan3A_17 = arith.constant 0 : i32
    %scan3A_18 = arith.constant 36 : i32
    %scan3A_19 = arith.addi %scan3A_17, %scan3A_18 : i32
    %scan3A_20 = arith.constant 1 : i32
    scf.for %scan3A_22 = %scan3A_17 to %scan3A_19 step %scan3A_20  : i32 {
      %scan3A_23 = arith.constant 0 : i32
      %scan3A_24 = arith.constant 0 : i32
      %scan3A_25 = arith.constant 8 : i32
      %scan3A_26 = arith.addi %scan3A_24, %scan3A_25 : i32
      %scan3A_27 = arith.constant 1 : i32
      scf.for %scan3A_36 = %scan3A_24 to %scan3A_26 step %scan3A_27  : i32 {
        %mul3A_37 = arith.constant 128 : i32
        %mul3A_38 = arith.muli %scan3A_22, %mul3A_37 : i32
        %mul3A_39 = arith.constant 16 : i32
        %mul3A_40 = arith.muli %scan3A_36, %mul3A_39 : i32
        %add3A_41 = arith.addi %mul3A_38, %mul3A_40 : i32
        %get3A = arith.index_cast %add3A_41 : i32 to index
        %get3A_42 = tpu.vector_load %arg6[%get3A] {strides = array<i32>} : memref<4608xi32, #tpu.memory_space<vmem>>, vector<16xi32>,
        %sub3A = arith.constant 1 : i32
        %sub3A_43 = vector.broadcast %sub3A : i32 to vector<16xi32>
        %sub3A_44 = arith.subi %get3A_42, %sub3A_43 : vector<16xi32>
        %max3A = arith.constant 0 : i32
        %max3A_45 = vector.broadcast %max3A : i32 to vector<16xi32>
        %max3A_46 = arith.maxsi %sub3A_44, %max3A_45 : vector<16xi32>
        %mul3A_47 = arith.constant 16 : i32
        %mul3A_48 = arith.muli %scan3A_36, %mul3A_47 : i32
        %swap3A = arith.index_cast %mul3A_48 : i32 to index
        %swap3A_49 = tpu.vector_load %arg8[%swap3A] {strides = array<i32>} : memref<128xi32, #tpu.memory_space<vmem>>, vector<16xi32>,
        tpu.vector_store %arg8[%swap3A], %max3A_46 {strides = array<i32>} : memref<128xi32, #tpu.memory_space<vmem>>, vector<16xi32>,
      }
      %scan3A_28 = arith.constant 8 : i32
      %dma_start3A = arith.constant 0 : i32
      %dma_start3A_29 = arith.constant 0 : i32
      %dma_start3A_30 = tpu.memref_slice %arg3[%dma_start3A, %dma_start3A_29] : memref<100000x32xf32, #tpu.memory_space<hbm>> -> memref<100000x32xf32, #tpu.memory_space<hbm>>
      tpu.enqueue_indirect_dma source(%dma_start3A_30 : memref<100000x32xf32, #tpu.memory_space<hbm>>) target(%arg9 : memref<128x32xf32, #tpu.memory_space<vmem>>) offsets(%arg8 : memref<128xi32, #tpu.memory_space<vmem>>) semaphore(%arg10 : memref<!tpu.dma_semaphore, #tpu.memory_space<semaphore_mem>>)
      %dma_wait3A = arith.constant 0 : i32
      %dma_wait3A_31 = arith.constant 0 : i32
      %dma_wait3A_32 = tpu.memref_slice %arg3[%dma_wait3A, %dma_wait3A_31] : memref<100000x32xf32, #tpu.memory_space<hbm>> -> memref<100000x32xf32, #tpu.memory_space<hbm>>
      tpu.wait_indirect_dma semaphore(%arg10 : memref<!tpu.dma_semaphore, #tpu.memory_space<semaphore_mem>>) src(%dma_wait3A_32 : memref<100000x32xf32, #tpu.memory_space<hbm>>) dst(%arg9 : memref<128x32xf32, #tpu.memory_space<vmem>>)
      %mul3A_33 = arith.constant 128 : i32
      %mul3A_34 = arith.muli %scan3A_22, %mul3A_33 : i32
      %add3A_35 = arith.addi %mul3A_2, %mul3A_34 : i32
      "tpu.region"() ({
        %run_scoped3A = tpu.sem_alloc : memref<!tpu.dma_semaphore, #tpu.memory_space<semaphore_mem>>
        %dma_start3A_36 = arith.constant 0 : i32
        %dma_start3A_37 = tpu.memref_slice %arg4[%add3A_35, %dma_start3A_36] : memref<147456x32xf32, #tpu.memory_space<hbm>> -> memref<128x32xf32, #tpu.memory_space<hbm>>
        %dma_start3A_38 = arith.constant 0 : i32
        %dma_start3A_39 = tpu.memref_slice %arg4[%add3A_35, %dma_start3A_38] : memref<147456x32xf32, #tpu.memory_space<hbm>> -> memref<128x32xf32, #tpu.memory_space<hbm>>
        tpu.enqueue_dma source(%arg9 : memref<128x32xf32, #tpu.memory_space<vmem>>) target(%dma_start3A_39 : memref<128x32xf32, #tpu.memory_space<hbm>>) target_semaphore(%run_scoped3A : memref<!tpu.dma_semaphore, #tpu.memory_space<semaphore_mem>>)
        %dma_wait3A_40 = arith.constant 0 : i32
        %dma_wait3A_41 = tpu.memref_slice %arg4[%add3A_35, %dma_wait3A_40] : memref<147456x32xf32, #tpu.memory_space<hbm>> -> memref<128x32xf32, #tpu.memory_space<hbm>>
        %dma_wait3A_42 = arith.constant 0 : i32
        %dma_wait3A_43 = tpu.memref_slice %arg4[%add3A_35, %dma_wait3A_42] : memref<147456x32xf32, #tpu.memory_space<hbm>> -> memref<128x32xf32, #tpu.memory_space<hbm>>
        tpu.wait_dma2 semaphore(%run_scoped3A : memref<!tpu.dma_semaphore, #tpu.memory_space<semaphore_mem>>) src(%arg9 : memref<128x32xf32, #tpu.memory_space<vmem>>) dst(%dma_wait3A_43 : memref<128x32xf32, #tpu.memory_space<hbm>>)
        tpu.yield
      }) : () -> ()
    }
    %scan3A_21 = arith.constant 36 : i32
    "tpu.region"() ({
      %run_scoped3A = tpu.sem_alloc : memref<!tpu.dma_semaphore, #tpu.memory_space<semaphore_mem>>
      %dma_start3A = tpu.memref_slice %arg5[%mul3A_2] : memref<147456xi32, #tpu.memory_space<hbm>> -> memref<4608xi32, #tpu.memory_space<hbm>>
      %dma_start3A_22 = tpu.memref_slice %arg5[%mul3A_2] : memref<147456xi32, #tpu.memory_space<hbm>> -> memref<4608xi32, #tpu.memory_space<hbm>>
      tpu.enqueue_dma source(%arg6 : memref<4608xi32, #tpu.memory_space<vmem>>) target(%dma_start3A_22 : memref<4608xi32, #tpu.memory_space<hbm>>) target_semaphore(%run_scoped3A : memref<!tpu.dma_semaphore, #tpu.memory_space<semaphore_mem>>)
      %dma_wait3A = tpu.memref_slice %arg5[%mul3A_2] : memref<147456xi32, #tpu.memory_space<hbm>> -> memref<4608xi32, #tpu.memory_space<hbm>>
      %dma_wait3A_23 = tpu.memref_slice %arg5[%mul3A_2] : memref<147456xi32, #tpu.memory_space<hbm>> -> memref<4608xi32, #tpu.memory_space<hbm>>
      tpu.wait_dma2 semaphore(%run_scoped3A : memref<!tpu.dma_semaphore, #tpu.memory_space<semaphore_mem>>) src(%arg6 : memref<4608xi32, #tpu.memory_space<vmem>>) dst(%dma_wait3A_23 : memref<4608xi32, #tpu.memory_space<hbm>>)
      tpu.yield
    }) : () -> ()
    return
  }
}

#map = affine_map<(d0, d1) -> (0)>
module attributes {stable_mosaic.version = 14 : i64} {
  func.func @k(%arg0: i32, %arg1: i32, %arg2: memref<25608192xf32, #tpu.memory_space<hbm>>, %arg3: memref<100017xi32, #tpu.memory_space<hbm>>, %arg4: memref<3276800xf32, #tpu.memory_space<hbm>>, %arg5: memref<1600000xf32, #tpu.memory_space<hbm>>, %arg6: memref<51200000xf32, #tpu.memory_space<hbm>>, %arg7: memref<8192xf32, #tpu.memory_space<vmem>>, %arg8: memref<16384xf32, #tpu.memory_space<vmem>>, %arg9: memref<4032xf32, #tpu.memory_space<vmem>>, %arg10: memref<2016xf32, #tpu.memory_space<vmem>>, %arg11: memref<16xf32, #tpu.memory_space<vmem>>, %arg12: memref<165xi32, #tpu.memory_space<vmem>>, %arg13: memref<!tpu.dma_semaphore, #tpu.memory_space<semaphore_mem>>) attributes {dimension_semantics = [#tpu.dimension_semantics<core_parallel>, #tpu.dimension_semantics<subcore_parallel>], iteration_bounds = array<i64: 2, 16>, scalar_prefetch = 0 : i64, scratch_operands = 7 : i64, tpu.core_type = #tpu.core_type<sc_vector_subcore>, window_params = [{transform_indices = #map}, {transform_indices = #map}, {transform_indices = #map}, {transform_indices = #map}, {transform_indices = #map}]} {
    %mul3A = arith.constant 2 : i32
    %mul3A_0 = arith.muli %arg1, %mul3A : i32
    %add3A = arith.addi %mul3A_0, %arg0 : i32
    %broadcast_in_dim3A = arith.constant 0.000000e+00 : f32
    %broadcast_in_dim3A_1 = vector.broadcast %broadcast_in_dim3A : f32 to vector<16xf32>
    %swap3A = arith.constant 0 : index
    %swap3A_2 = tpu.vector_load %arg11[%swap3A] {strides = array<i32>} : memref<16xf32, #tpu.memory_space<vmem>>, vector<16xf32>,
    %swap3A_3 = vector.shape_cast %swap3A_2 : vector<16xf32> to vector<16xf32>
    %swap3A_4 = vector.shape_cast %broadcast_in_dim3A_1 : vector<16xf32> to vector<16xf32>
    tpu.vector_store %arg11[%swap3A], %swap3A_4 {strides = array<i32>} : memref<16xf32, #tpu.memory_space<vmem>>, vector<16xf32>,
    %scan3A = arith.constant 0 : i32
    %scan3A_5 = arith.constant 0 : i32
    %scan3A_6 = arith.constant 25 : i32
    %scan3A_7 = arith.addi %scan3A_5, %scan3A_6 : i32
    %scan3A_8 = arith.constant 1 : i32
    scf.for %scan3A_10 = %scan3A_5 to %scan3A_7 step %scan3A_8  : i32 {
      %mul3A_11 = arith.constant 3125 : i32
      %mul3A_12 = arith.muli %add3A, %mul3A_11 : i32
      %mul3A_13 = arith.constant 125 : i32
      %mul3A_14 = arith.muli %scan3A_10, %mul3A_13 : i32
      %add3A_15 = arith.addi %mul3A_12, %mul3A_14 : i32
      %jit3A = arith.constant 8 : i32
      %div3A = arith.divsi %add3A_15, %jit3A : i32
      %sign3A = arith.constant 0 : i32
      %sign3A_16 = arith.cmpi sgt, %add3A_15, %sign3A : i32
      %sign3A_17 = arith.extui %sign3A_16 : i1 to i32
      %sign3A_18 = arith.constant 0 : i32
      %sign3A_19 = arith.cmpi slt, %add3A_15, %sign3A_18 : i32
      %sign3A_20 = arith.extui %sign3A_19 : i1 to i32
      %sign3A_21 = arith.subi %sign3A_17, %sign3A_20 : i32
      %sign3A_22 = arith.constant 0 : i32
      %sign3A_23 = arith.cmpi sgt, %jit3A, %sign3A_22 : i32
      %sign3A_24 = arith.extui %sign3A_23 : i1 to i32
      %sign3A_25 = arith.constant 0 : i32
      %sign3A_26 = arith.cmpi slt, %jit3A, %sign3A_25 : i32
      %sign3A_27 = arith.extui %sign3A_26 : i1 to i32
      %sign3A_28 = arith.subi %sign3A_24, %sign3A_27 : i32
      %ne3A = arith.cmpi ne, %sign3A_21, %sign3A_28 : i32
      %rem3A = arith.remsi %add3A_15, %jit3A : i32
      %ne3A_29 = arith.constant 0 : i32
      %ne3A_30 = arith.cmpi ne, %rem3A, %ne3A_29 : i32
      %and3A = arith.andi %ne3A, %ne3A_30 : i1
      %sub3A = arith.constant 1 : i32
      %sub3A_31 = arith.subi %div3A, %sub3A : i32
      %select_n3A = arith.select %and3A, %sub3A_31, %div3A : i32
      %mul3A_32 = arith.constant 8 : i32
      %mul3A_33 = arith.muli %select_n3A, %mul3A_32 : i32
      %sub3A_34 = arith.subi %add3A_15, %mul3A_33 : i32
      "tpu.region"() ({
        %run_scoped3A = tpu.sem_alloc : memref<!tpu.dma_semaphore, #tpu.memory_space<semaphore_mem>>
        %dma_start3A = arith.constant 0 : i32
        %dma_start3A_94 = tpu.memref_slice %arg12[%dma_start3A] : memref<165xi32, #tpu.memory_space<vmem>> -> memref<149xi32, #tpu.memory_space<vmem>>
        %dma_start3A_95 = tpu.memref_slice %arg3[%mul3A_33] : memref<100017xi32, #tpu.memory_space<hbm>> -> memref<149xi32, #tpu.memory_space<hbm>>
        %dma_start3A_96 = arith.constant 0 : i32
        %dma_start3A_97 = tpu.memref_slice %arg12[%dma_start3A_96] : memref<165xi32, #tpu.memory_space<vmem>> -> memref<149xi32, #tpu.memory_space<vmem>>
        %dma_start3A_98 = tpu.memref_slice %arg3[%mul3A_33] : memref<100017xi32, #tpu.memory_space<hbm>> -> memref<149xi32, #tpu.memory_space<hbm>>
        tpu.enqueue_dma source(%dma_start3A_98 : memref<149xi32, #tpu.memory_space<hbm>>) target(%dma_start3A_97 : memref<149xi32, #tpu.memory_space<vmem>>) target_semaphore(%run_scoped3A : memref<!tpu.dma_semaphore, #tpu.memory_space<semaphore_mem>>)
        %dma_wait3A = arith.constant 0 : i32
        %dma_wait3A_99 = tpu.memref_slice %arg12[%dma_wait3A] : memref<165xi32, #tpu.memory_space<vmem>> -> memref<149xi32, #tpu.memory_space<vmem>>
        %dma_wait3A_100 = tpu.memref_slice %arg3[%mul3A_33] : memref<100017xi32, #tpu.memory_space<hbm>> -> memref<149xi32, #tpu.memory_space<hbm>>
        %dma_wait3A_101 = arith.constant 0 : i32
        %dma_wait3A_102 = tpu.memref_slice %arg12[%dma_wait3A_101] : memref<165xi32, #tpu.memory_space<vmem>> -> memref<149xi32, #tpu.memory_space<vmem>>
        %dma_wait3A_103 = tpu.memref_slice %arg3[%mul3A_33] : memref<100017xi32, #tpu.memory_space<hbm>> -> memref<149xi32, #tpu.memory_space<hbm>>
        tpu.wait_dma2 semaphore(%run_scoped3A : memref<!tpu.dma_semaphore, #tpu.memory_space<semaphore_mem>>) src(%dma_wait3A_103 : memref<149xi32, #tpu.memory_space<hbm>>) dst(%dma_wait3A_102 : memref<149xi32, #tpu.memory_space<vmem>>)
        tpu.yield
      }) : () -> ()
      %mul3A_35 = arith.constant 32 : i32
      %mul3A_36 = arith.muli %add3A_15, %mul3A_35 : i32
      "tpu.region"() ({
        %run_scoped3A = tpu.sem_alloc : memref<!tpu.dma_semaphore, #tpu.memory_space<semaphore_mem>>
        %dma_start3A = arith.constant 0 : i32
        %dma_start3A_94 = tpu.memref_slice %arg9[%dma_start3A] : memref<4032xf32, #tpu.memory_space<vmem>> -> memref<4000xf32, #tpu.memory_space<vmem>>
        %dma_start3A_95 = tpu.memref_slice %arg4[%mul3A_36] : memref<3276800xf32, #tpu.memory_space<hbm>> -> memref<4000xf32, #tpu.memory_space<hbm>>
        %dma_start3A_96 = arith.constant 0 : i32
        %dma_start3A_97 = tpu.memref_slice %arg9[%dma_start3A_96] : memref<4032xf32, #tpu.memory_space<vmem>> -> memref<4000xf32, #tpu.memory_space<vmem>>
        %dma_start3A_98 = tpu.memref_slice %arg4[%mul3A_36] : memref<3276800xf32, #tpu.memory_space<hbm>> -> memref<4000xf32, #tpu.memory_space<hbm>>
        tpu.enqueue_dma source(%dma_start3A_98 : memref<4000xf32, #tpu.memory_space<hbm>>) target(%dma_start3A_97 : memref<4000xf32, #tpu.memory_space<vmem>>) target_semaphore(%run_scoped3A : memref<!tpu.dma_semaphore, #tpu.memory_space<semaphore_mem>>)
        %dma_wait3A = arith.constant 0 : i32
        %dma_wait3A_99 = tpu.memref_slice %arg9[%dma_wait3A] : memref<4032xf32, #tpu.memory_space<vmem>> -> memref<4000xf32, #tpu.memory_space<vmem>>
        %dma_wait3A_100 = tpu.memref_slice %arg4[%mul3A_36] : memref<3276800xf32, #tpu.memory_space<hbm>> -> memref<4000xf32, #tpu.memory_space<hbm>>
        %dma_wait3A_101 = arith.constant 0 : i32
        %dma_wait3A_102 = tpu.memref_slice %arg9[%dma_wait3A_101] : memref<4032xf32, #tpu.memory_space<vmem>> -> memref<4000xf32, #tpu.memory_space<vmem>>
        %dma_wait3A_103 = tpu.memref_slice %arg4[%mul3A_36] : memref<3276800xf32, #tpu.memory_space<hbm>> -> memref<4000xf32, #tpu.memory_space<hbm>>
        tpu.wait_dma2 semaphore(%run_scoped3A : memref<!tpu.dma_semaphore, #tpu.memory_space<semaphore_mem>>) src(%dma_wait3A_103 : memref<4000xf32, #tpu.memory_space<hbm>>) dst(%dma_wait3A_102 : memref<4000xf32, #tpu.memory_space<vmem>>)
        tpu.yield
      }) : () -> ()
      %get3A = arith.index_cast %sub3A_34 : i32 to index
      %get3A_37 = tpu.vector_load %arg12[%get3A] {strides = array<i32>} : memref<165xi32, #tpu.memory_space<vmem>>, vector<16xi32>,
      %get3A_38 = vector.shape_cast %get3A_37 : vector<16xi32> to vector<16xi32>
      %slice3A = vector.extract_strided_slice %get3A_38 {offsets = [0], sizes = [1], strides = [1]} : vector<16xi32> to vector<1xi32>
      %squeeze3A = vector.extract %slice3A[0] : i32 from vector<1xi32>
      %add3A_39 = arith.constant 125 : i32
      %add3A_40 = arith.addi %sub3A_34, %add3A_39 : i32
      %get3A_41 = arith.index_cast %add3A_40 : i32 to index
      %get3A_42 = tpu.vector_load %arg12[%get3A_41] {strides = array<i32>} : memref<165xi32, #tpu.memory_space<vmem>>, vector<16xi32>,
      %get3A_43 = vector.shape_cast %get3A_42 : vector<16xi32> to vector<16xi32>
      %slice3A_44 = vector.extract_strided_slice %get3A_43 {offsets = [0], sizes = [1], strides = [1]} : vector<16xi32> to vector<1xi32>
      %squeeze3A_45 = vector.extract %slice3A_44[0] : i32 from vector<1xi32>
      %sub3A_46 = arith.subi %squeeze3A_45, %squeeze3A : i32
      %add3A_47 = arith.constant 512 : i32
      %add3A_48 = arith.addi %sub3A_46, %add3A_47 : i32
      %sub3A_49 = arith.constant 1 : i32
      %sub3A_50 = arith.subi %add3A_48, %sub3A_49 : i32
      %jit3A_51 = arith.constant 512 : i32
      %div3A_52 = arith.divsi %sub3A_50, %jit3A_51 : i32
      %sign3A_53 = arith.constant 0 : i32
      %sign3A_54 = arith.cmpi sgt, %sub3A_50, %sign3A_53 : i32
      %sign3A_55 = arith.extui %sign3A_54 : i1 to i32
      %sign3A_56 = arith.constant 0 : i32
      %sign3A_57 = arith.cmpi slt, %sub3A_50, %sign3A_56 : i32
      %sign3A_58 = arith.extui %sign3A_57 : i1 to i32
      %sign3A_59 = arith.subi %sign3A_55, %sign3A_58 : i32
      %sign3A_60 = arith.constant 0 : i32
      %sign3A_61 = arith.cmpi sgt, %jit3A_51, %sign3A_60 : i32
      %sign3A_62 = arith.extui %sign3A_61 : i1 to i32
      %sign3A_63 = arith.constant 0 : i32
      %sign3A_64 = arith.cmpi slt, %jit3A_51, %sign3A_63 : i32
      %sign3A_65 = arith.extui %sign3A_64 : i1 to i32
      %sign3A_66 = arith.subi %sign3A_62, %sign3A_65 : i32
      %ne3A_67 = arith.cmpi ne, %sign3A_59, %sign3A_66 : i32
      %rem3A_68 = arith.remsi %sub3A_50, %jit3A_51 : i32
      %ne3A_69 = arith.constant 0 : i32
      %ne3A_70 = arith.cmpi ne, %rem3A_68, %ne3A_69 : i32
      %and3A_71 = arith.andi %ne3A_67, %ne3A_70 : i1
      %sub3A_72 = arith.constant 1 : i32
      %sub3A_73 = arith.subi %div3A_52, %sub3A_72 : i32
      %select_n3A_74 = arith.select %and3A_71, %sub3A_73, %div3A_52 : i32
      %while3A = arith.constant 0 : i32
      %while3A_75 = arith.subi %select_n3A_74, %while3A : i32
      %while3A_76 = arith.addi %while3A, %while3A_75 : i32
      %while3A_77 = arith.constant 1 : i32
      %while3A_78 = arith.divsi %while3A_75, %while3A_77 : i32
      %while3A_79 = arith.muli %while3A_78, %while3A_77 : i32
      %while3A_80 = arith.addi %while3A, %while3A_79 : i32
      %while3A_81 = arith.constant 1 : i32
      %while3A_82 = scf.for %while3A_94 = %while3A to %while3A_80 step %while3A_81 iter_args(%while3A_95 = %add3A_15) -> (i32)  : i32 {
        %mul3A_96 = arith.constant 512 : i32
        %mul3A_97 = arith.muli %while3A_94, %mul3A_96 : i32
        %add3A_98 = arith.addi %squeeze3A, %mul3A_97 : i32
        %add3A_99 = arith.constant 512 : i32
        %add3A_100 = arith.addi %add3A_98, %add3A_99 : i32
        %min3A = arith.minsi %add3A_100, %squeeze3A_45 : i32
        %mul3A_101 = arith.constant 16 : i32
        %mul3A_102 = arith.muli %add3A_98, %mul3A_101 : i32
        "tpu.region"() ({
          %run_scoped3A = tpu.sem_alloc : memref<!tpu.dma_semaphore, #tpu.memory_space<semaphore_mem>>
          %dma_start3A = tpu.memref_slice %arg2[%mul3A_102] : memref<25608192xf32, #tpu.memory_space<hbm>> -> memref<8192xf32, #tpu.memory_space<hbm>>
          %dma_start3A_219 = tpu.memref_slice %arg2[%mul3A_102] : memref<25608192xf32, #tpu.memory_space<hbm>> -> memref<8192xf32, #tpu.memory_space<hbm>>
          tpu.enqueue_dma source(%dma_start3A_219 : memref<8192xf32, #tpu.memory_space<hbm>>) target(%arg7 : memref<8192xf32, #tpu.memory_space<vmem>>) target_semaphore(%run_scoped3A : memref<!tpu.dma_semaphore, #tpu.memory_space<semaphore_mem>>)
          %dma_wait3A = tpu.memref_slice %arg2[%mul3A_102] : memref<25608192xf32, #tpu.memory_space<hbm>> -> memref<8192xf32, #tpu.memory_space<hbm>>
          %dma_wait3A_220 = tpu.memref_slice %arg2[%mul3A_102] : memref<25608192xf32, #tpu.memory_space<hbm>> -> memref<8192xf32, #tpu.memory_space<hbm>>
          tpu.wait_dma2 semaphore(%run_scoped3A : memref<!tpu.dma_semaphore, #tpu.memory_space<semaphore_mem>>) src(%dma_wait3A_220 : memref<8192xf32, #tpu.memory_space<hbm>>) dst(%arg7 : memref<8192xf32, #tpu.memory_space<vmem>>)
          tpu.yield
        }) : () -> ()
        %scan3A_103 = arith.constant 0 : i32
        %scan3A_104 = arith.constant 126 : i32
        %scan3A_105 = arith.addi %scan3A_103, %scan3A_104 : i32
        %scan3A_106 = arith.constant 1 : i32
        %scan3A_107:2 = scf.for %scan3A_219 = %scan3A_103 to %scan3A_105 step %scan3A_106 iter_args(%scan3A_220 = %add3A_98, %scan3A_221 = %while3A_95) -> (i32, i32)  : i32 {
          %lt3A = arith.cmpi slt, %scan3A_220, %min3A : i32
          %sub3A_222 = arith.subi %scan3A_221, %add3A_15 : i32
          %min3A_223 = arith.constant 125 : i32
          %min3A_224 = arith.minsi %sub3A_222, %min3A_223 : i32
          %add3A_225 = arith.addi %sub3A_34, %min3A_224 : i32
          %add3A_226 = arith.constant 1 : i32
          %add3A_227 = arith.addi %add3A_225, %add3A_226 : i32
          %get3A_228 = arith.index_cast %add3A_227 : i32 to index
          %get3A_229 = tpu.vector_load %arg12[%get3A_228] {strides = array<i32>} : memref<165xi32, #tpu.memory_space<vmem>>, vector<16xi32>,
          %get3A_230 = vector.shape_cast %get3A_229 : vector<16xi32> to vector<16xi32>
          %slice3A_231 = vector.extract_strided_slice %get3A_230 {offsets = [0], sizes = [1], strides = [1]} : vector<16xi32> to vector<1xi32>
          %squeeze3A_232 = vector.extract %slice3A_231[0] : i32 from vector<1xi32>
          %mul3A_233 = arith.constant 32 : i32
          %mul3A_234 = arith.muli %min3A_224, %mul3A_233 : i32
          %get3A_235 = arith.index_cast %mul3A_234 : i32 to index
          %get3A_236 = tpu.vector_load %arg9[%get3A_235] {strides = array<i32>} : memref<4032xf32, #tpu.memory_space<vmem>>, vector<16xf32>,
          %get3A_237 = vector.shape_cast %get3A_236 : vector<16xf32> to vector<16xf32>
          %mul3A_238 = arith.constant 32 : i32
          %mul3A_239 = arith.muli %min3A_224, %mul3A_238 : i32
          %add3A_240 = arith.constant 16 : i32
          %add3A_241 = arith.addi %mul3A_239, %add3A_240 : i32
          %get3A_242 = arith.index_cast %add3A_241 : i32 to index
          %get3A_243 = tpu.vector_load %arg9[%get3A_242] {strides = array<i32>} : memref<4032xf32, #tpu.memory_space<vmem>>, vector<16xf32>,
          %get3A_244 = vector.shape_cast %get3A_243 : vector<16xf32> to vector<16xf32>
          %min3A_245 = arith.minsi %squeeze3A_232, %min3A : i32
          %sub3A_246 = arith.subi %min3A_245, %scan3A_220 : i32
          %max3A = arith.constant 0 : i32
          %max3A_247 = arith.maxsi %sub3A_246, %max3A : i32
          %jit3A_248 = arith.constant 0 : i32
          %select_n3A_249 = arith.select %lt3A, %max3A_247, %jit3A_248 : i32
          %while3A_250 = arith.constant 0 : i32
          %while3A_251 = arith.constant 0 : i32
          %while3A_252 = arith.subi %select_n3A_249, %while3A_251 : i32
          %while3A_253 = arith.addi %while3A_251, %while3A_252 : i32
          %while3A_254 = arith.constant 1 : i32
          %while3A_255 = arith.divsi %while3A_252, %while3A_254 : i32
          %while3A_256 = arith.muli %while3A_255, %while3A_254 : i32
          %while3A_257 = arith.addi %while3A_251, %while3A_256 : i32
          %while3A_258 = arith.constant 1 : i32
          scf.for %while3A_288 = %while3A_251 to %while3A_257 step %while3A_258  : i32 {
            %sub3A_289 = arith.subi %scan3A_220, %add3A_98 : i32
            %add3A_290 = arith.addi %sub3A_289, %while3A_288 : i32
            %get3A_291 = arith.constant 0 : index
            %get3A_292 = tpu.vector_load %arg11[%get3A_291] {strides = array<i32>} : memref<16xf32, #tpu.memory_space<vmem>>, vector<16xf32>,
            %get3A_293 = vector.shape_cast %get3A_292 : vector<16xf32> to vector<16xf32>
            %mul3A_294 = arith.constant 16 : i32
            %mul3A_295 = arith.muli %add3A_290, %mul3A_294 : i32
            %get3A_296 = arith.index_cast %mul3A_295 : i32 to index
            %get3A_297 = tpu.vector_load %arg7[%get3A_296] {strides = array<i32>} : memref<8192xf32, #tpu.memory_space<vmem>>, vector<16xf32>,
            %get3A_298 = vector.shape_cast %get3A_297 : vector<16xf32> to vector<16xf32>
            %add3A_299 = arith.addf %get3A_293, %get3A_298 : vector<16xf32>
            %swap3A_300 = arith.constant 0 : index
            %swap3A_301 = tpu.vector_load %arg11[%swap3A_300] {strides = array<i32>} : memref<16xf32, #tpu.memory_space<vmem>>, vector<16xf32>,
            %swap3A_302 = vector.shape_cast %swap3A_301 : vector<16xf32> to vector<16xf32>
            %swap3A_303 = vector.shape_cast %add3A_299 : vector<16xf32> to vector<16xf32>
            tpu.vector_store %arg11[%swap3A_300], %swap3A_303 {strides = array<i32>} : memref<16xf32, #tpu.memory_space<vmem>>, vector<16xf32>,
            %mul3A_304 = arith.constant 32 : i32
            %mul3A_305 = arith.muli %add3A_290, %mul3A_304 : i32
            %swap3A_306 = arith.index_cast %mul3A_305 : i32 to index
            %swap3A_307 = tpu.vector_load %arg8[%swap3A_306] {strides = array<i32>} : memref<16384xf32, #tpu.memory_space<vmem>>, vector<16xf32>,
            %swap3A_308 = vector.shape_cast %swap3A_307 : vector<16xf32> to vector<16xf32>
            %swap3A_309 = vector.shape_cast %get3A_237 : vector<16xf32> to vector<16xf32>
            tpu.vector_store %arg8[%swap3A_306], %swap3A_309 {strides = array<i32>} : memref<16384xf32, #tpu.memory_space<vmem>>, vector<16xf32>,
            %mul3A_310 = arith.constant 32 : i32
            %mul3A_311 = arith.muli %add3A_290, %mul3A_310 : i32
            %add3A_312 = arith.constant 16 : i32
            %add3A_313 = arith.addi %mul3A_311, %add3A_312 : i32
            %swap3A_314 = arith.index_cast %add3A_313 : i32 to index
            %swap3A_315 = tpu.vector_load %arg8[%swap3A_314] {strides = array<i32>} : memref<16384xf32, #tpu.memory_space<vmem>>, vector<16xf32>,
            %swap3A_316 = vector.shape_cast %swap3A_315 : vector<16xf32> to vector<16xf32>
            %swap3A_317 = vector.shape_cast %get3A_244 : vector<16xf32> to vector<16xf32>
            tpu.vector_store %arg8[%swap3A_314], %swap3A_317 {strides = array<i32>} : memref<16384xf32, #tpu.memory_space<vmem>>, vector<16xf32>,
          }
          %while3A_259 = arith.constant 1 : i32
          scf.for %while3A_288 = %while3A_257 to %while3A_253 step %while3A_259  : i32 {
            %sub3A_289 = arith.subi %scan3A_220, %add3A_98 : i32
            %add3A_290 = arith.addi %sub3A_289, %while3A_288 : i32
            %get3A_291 = arith.constant 0 : index
            %get3A_292 = tpu.vector_load %arg11[%get3A_291] {strides = array<i32>} : memref<16xf32, #tpu.memory_space<vmem>>, vector<16xf32>,
            %get3A_293 = vector.shape_cast %get3A_292 : vector<16xf32> to vector<16xf32>
            %mul3A_294 = arith.constant 16 : i32
            %mul3A_295 = arith.muli %add3A_290, %mul3A_294 : i32
            %get3A_296 = arith.index_cast %mul3A_295 : i32 to index
            %get3A_297 = tpu.vector_load %arg7[%get3A_296] {strides = array<i32>} : memref<8192xf32, #tpu.memory_space<vmem>>, vector<16xf32>,
            %get3A_298 = vector.shape_cast %get3A_297 : vector<16xf32> to vector<16xf32>
            %add3A_299 = arith.addf %get3A_293, %get3A_298 : vector<16xf32>
            %swap3A_300 = arith.constant 0 : index
            %swap3A_301 = tpu.vector_load %arg11[%swap3A_300] {strides = array<i32>} : memref<16xf32, #tpu.memory_space<vmem>>, vector<16xf32>,
            %swap3A_302 = vector.shape_cast %swap3A_301 : vector<16xf32> to vector<16xf32>
            %swap3A_303 = vector.shape_cast %add3A_299 : vector<16xf32> to vector<16xf32>
            tpu.vector_store %arg11[%swap3A_300], %swap3A_303 {strides = array<i32>} : memref<16xf32, #tpu.memory_space<vmem>>, vector<16xf32>,
            %mul3A_304 = arith.constant 32 : i32
            %mul3A_305 = arith.muli %add3A_290, %mul3A_304 : i32
            %swap3A_306 = arith.index_cast %mul3A_305 : i32 to index
            %swap3A_307 = tpu.vector_load %arg8[%swap3A_306] {strides = array<i32>} : memref<16384xf32, #tpu.memory_space<vmem>>, vector<16xf32>,
            %swap3A_308 = vector.shape_cast %swap3A_307 : vector<16xf32> to vector<16xf32>
            %swap3A_309 = vector.shape_cast %get3A_237 : vector<16xf32> to vector<16xf32>
            tpu.vector_store %arg8[%swap3A_306], %swap3A_309 {strides = array<i32>} : memref<16384xf32, #tpu.memory_space<vmem>>, vector<16xf32>,
            %mul3A_310 = arith.constant 32 : i32
            %mul3A_311 = arith.muli %add3A_290, %mul3A_310 : i32
            %add3A_312 = arith.constant 16 : i32
            %add3A_313 = arith.addi %mul3A_311, %add3A_312 : i32
            %swap3A_314 = arith.index_cast %add3A_313 : i32 to index
            %swap3A_315 = tpu.vector_load %arg8[%swap3A_314] {strides = array<i32>} : memref<16384xf32, #tpu.memory_space<vmem>>, vector<16xf32>,
            %swap3A_316 = vector.shape_cast %swap3A_315 : vector<16xf32> to vector<16xf32>
            %swap3A_317 = vector.shape_cast %get3A_244 : vector<16xf32> to vector<16xf32>
            tpu.vector_store %arg8[%swap3A_314], %swap3A_317 {strides = array<i32>} : memref<16384xf32, #tpu.memory_space<vmem>>, vector<16xf32>,
          }
          %add3A_260 = arith.addi %scan3A_220, %select_n3A_249 : i32
          %eq3A = arith.cmpi eq, %add3A_260, %squeeze3A_232 : i32
          %and3A_261 = arith.andi %lt3A, %eq3A : i1
          %jit3A_262 = arith.constant 125 : i32
          %select_n3A_263 = arith.select %and3A_261, %min3A_224, %jit3A_262 : i32
          %get3A_264 = arith.constant 0 : index
          %get3A_265 = tpu.vector_load %arg11[%get3A_264] {strides = array<i32>} : memref<16xf32, #tpu.memory_space<vmem>>, vector<16xf32>,
          %get3A_266 = vector.shape_cast %get3A_265 : vector<16xf32> to vector<16xf32>
          %mul3A_267 = arith.constant 16 : i32
          %mul3A_268 = arith.muli %select_n3A_263, %mul3A_267 : i32
          %swap3A_269 = arith.index_cast %mul3A_268 : i32 to index
          %swap3A_270 = tpu.vector_load %arg10[%swap3A_269] {strides = array<i32>} : memref<2016xf32, #tpu.memory_space<vmem>>, vector<16xf32>,
          %swap3A_271 = vector.shape_cast %swap3A_270 : vector<16xf32> to vector<16xf32>
          %swap3A_272 = vector.shape_cast %get3A_266 : vector<16xf32> to vector<16xf32>
          tpu.vector_store %arg10[%swap3A_269], %swap3A_272 {strides = array<i32>} : memref<2016xf32, #tpu.memory_space<vmem>>, vector<16xf32>,
          %get3A_273 = arith.constant 0 : index
          %get3A_274 = tpu.vector_load %arg11[%get3A_273] {strides = array<i32>} : memref<16xf32, #tpu.memory_space<vmem>>, vector<16xf32>,
          %get3A_275 = vector.shape_cast %get3A_274 : vector<16xf32> to vector<16xf32>
          %jit3A_276 = arith.constant 0.000000e+00 : f32
          %jit3A_277 = arith.constant 1.000000e+00 : f32
          %select_n3A_278 = arith.select %and3A_261, %jit3A_276, %jit3A_277 : f32
          %mul3A_279 = vector.broadcast %select_n3A_278 : f32 to vector<16xf32>
          %mul3A_280 = arith.mulf %get3A_275, %mul3A_279 : vector<16xf32>
          %swap3A_281 = arith.constant 0 : index
          %swap3A_282 = tpu.vector_load %arg11[%swap3A_281] {strides = array<i32>} : memref<16xf32, #tpu.memory_space<vmem>>, vector<16xf32>,
          %swap3A_283 = vector.shape_cast %swap3A_282 : vector<16xf32> to vector<16xf32>
          %swap3A_284 = vector.shape_cast %mul3A_280 : vector<16xf32> to vector<16xf32>
          tpu.vector_store %arg11[%swap3A_281], %swap3A_284 {strides = array<i32>} : memref<16xf32, #tpu.memory_space<vmem>>, vector<16xf32>,
          %add3A_285 = arith.constant 1 : i32
          %add3A_286 = arith.addi %scan3A_221, %add3A_285 : i32
          %select_n3A_287 = arith.select %and3A_261, %add3A_286, %scan3A_221 : i32
          scf.yield %add3A_260, %select_n3A_287 : i32, i32
        }
        %scan3A_108 = arith.constant 126 : i32
        %sub3A_109 = arith.subi %min3A, %add3A_98 : i32
        %and3A_110 = arith.constant 512 : i32
        %and3A_111 = arith.andi %sub3A_109, %and3A_110 : i32
        %ne3A_112 = arith.constant 0 : i32
        %ne3A_113 = arith.cmpi ne, %and3A_111, %ne3A_112 : i32
        %convert_element_type3A = arith.extui %ne3A_113 : i1 to i32
        %cond3A = arith.constant 0 : i32
        %cond3A_114 = arith.cmpi ne, %convert_element_type3A, %cond3A : i32
        scf.if %cond3A_114 {
          %add3A_219 = arith.constant 0 : i32
          %add3A_220 = arith.addi %add3A_98, %add3A_219 : i32
          %mul3A_221 = arith.constant 32 : i32
          %mul3A_222 = arith.muli %add3A_220, %mul3A_221 : i32
          "tpu.region"() ({
            %run_scoped3A = tpu.sem_alloc : memref<!tpu.dma_semaphore, #tpu.memory_space<semaphore_mem>>
            %dma_start3A = arith.constant 0 : i32
            %dma_start3A_223 = tpu.memref_slice %arg8[%dma_start3A] : memref<16384xf32, #tpu.memory_space<vmem>> -> memref<16384xf32, #tpu.memory_space<vmem>>
            %dma_start3A_224 = tpu.memref_slice %arg6[%mul3A_222] : memref<51200000xf32, #tpu.memory_space<hbm>> -> memref<16384xf32, #tpu.memory_space<hbm>>
            %dma_start3A_225 = tpu.memref_slice %arg6[%mul3A_222] : memref<51200000xf32, #tpu.memory_space<hbm>> -> memref<16384xf32, #tpu.memory_space<hbm>>
            %dma_start3A_226 = arith.constant 0 : i32
            %dma_start3A_227 = tpu.memref_slice %arg8[%dma_start3A_226] : memref<16384xf32, #tpu.memory_space<vmem>> -> memref<16384xf32, #tpu.memory_space<vmem>>
            tpu.enqueue_dma source(%dma_start3A_227 : memref<16384xf32, #tpu.memory_space<vmem>>) target(%dma_start3A_225 : memref<16384xf32, #tpu.memory_space<hbm>>) target_semaphore(%run_scoped3A : memref<!tpu.dma_semaphore, #tpu.memory_space<semaphore_mem>>)
            %dma_wait3A = arith.constant 0 : i32
            %dma_wait3A_228 = tpu.memref_slice %arg8[%dma_wait3A] : memref<16384xf32, #tpu.memory_space<vmem>> -> memref<16384xf32, #tpu.memory_space<vmem>>
            %dma_wait3A_229 = tpu.memref_slice %arg6[%mul3A_222] : memref<51200000xf32, #tpu.memory_space<hbm>> -> memref<16384xf32, #tpu.memory_space<hbm>>
            %dma_wait3A_230 = tpu.memref_slice %arg6[%mul3A_222] : memref<51200000xf32, #tpu.memory_space<hbm>> -> memref<16384xf32, #tpu.memory_space<hbm>>
            %dma_wait3A_231 = arith.constant 0 : i32
            %dma_wait3A_232 = tpu.memref_slice %arg8[%dma_wait3A_231] : memref<16384xf32, #tpu.memory_space<vmem>> -> memref<16384xf32, #tpu.memory_space<vmem>>
            tpu.wait_dma2 semaphore(%run_scoped3A : memref<!tpu.dma_semaphore, #tpu.memory_space<semaphore_mem>>) src(%dma_wait3A_232 : memref<16384xf32, #tpu.memory_space<vmem>>) dst(%dma_wait3A_230 : memref<16384xf32, #tpu.memory_space<hbm>>)
            tpu.yield
          }) : () -> ()
        } else {
        }
        %jit3A_115 = arith.constant 512 : i32
        %jit3A_116 = arith.constant 0 : i32
        %select_n3A_117 = arith.select %ne3A_113, %jit3A_115, %jit3A_116 : i32
        %add3A_118 = arith.constant 0 : i32
        %add3A_119 = arith.addi %add3A_118, %select_n3A_117 : i32
        %and3A_120 = arith.constant 256 : i32
        %and3A_121 = arith.andi %sub3A_109, %and3A_120 : i32
        %ne3A_122 = arith.constant 0 : i32
        %ne3A_123 = arith.cmpi ne, %and3A_121, %ne3A_122 : i32
        %convert_element_type3A_124 = arith.extui %ne3A_123 : i1 to i32
        %cond3A_125 = arith.constant 0 : i32
        %cond3A_126 = arith.cmpi ne, %convert_element_type3A_124, %cond3A_125 : i32
        scf.if %cond3A_126 {
          %mul3A_219 = arith.constant 32 : i32
          %mul3A_220 = arith.muli %add3A_119, %mul3A_219 : i32
          %add3A_221 = arith.addi %add3A_98, %add3A_119 : i32
          %mul3A_222 = arith.constant 32 : i32
          %mul3A_223 = arith.muli %add3A_221, %mul3A_222 : i32
          "tpu.region"() ({
            %run_scoped3A = tpu.sem_alloc : memref<!tpu.dma_semaphore, #tpu.memory_space<semaphore_mem>>
            %dma_start3A = tpu.memref_slice %arg8[%mul3A_220] : memref<16384xf32, #tpu.memory_space<vmem>> -> memref<8192xf32, #tpu.memory_space<vmem>>
            %dma_start3A_224 = tpu.memref_slice %arg6[%mul3A_223] : memref<51200000xf32, #tpu.memory_space<hbm>> -> memref<8192xf32, #tpu.memory_space<hbm>>
            %dma_start3A_225 = tpu.memref_slice %arg6[%mul3A_223] : memref<51200000xf32, #tpu.memory_space<hbm>> -> memref<8192xf32, #tpu.memory_space<hbm>>
            %dma_start3A_226 = tpu.memref_slice %arg8[%mul3A_220] : memref<16384xf32, #tpu.memory_space<vmem>> -> memref<8192xf32, #tpu.memory_space<vmem>>
            tpu.enqueue_dma source(%dma_start3A_226 : memref<8192xf32, #tpu.memory_space<vmem>>) target(%dma_start3A_225 : memref<8192xf32, #tpu.memory_space<hbm>>) target_semaphore(%run_scoped3A : memref<!tpu.dma_semaphore, #tpu.memory_space<semaphore_mem>>)
            %dma_wait3A = tpu.memref_slice %arg8[%mul3A_220] : memref<16384xf32, #tpu.memory_space<vmem>> -> memref<8192xf32, #tpu.memory_space<vmem>>
            %dma_wait3A_227 = tpu.memref_slice %arg6[%mul3A_223] : memref<51200000xf32, #tpu.memory_space<hbm>> -> memref<8192xf32, #tpu.memory_space<hbm>>
            %dma_wait3A_228 = tpu.memref_slice %arg6[%mul3A_223] : memref<51200000xf32, #tpu.memory_space<hbm>> -> memref<8192xf32, #tpu.memory_space<hbm>>
            %dma_wait3A_229 = tpu.memref_slice %arg8[%mul3A_220] : memref<16384xf32, #tpu.memory_space<vmem>> -> memref<8192xf32, #tpu.memory_space<vmem>>
            tpu.wait_dma2 semaphore(%run_scoped3A : memref<!tpu.dma_semaphore, #tpu.memory_space<semaphore_mem>>) src(%dma_wait3A_229 : memref<8192xf32, #tpu.memory_space<vmem>>) dst(%dma_wait3A_228 : memref<8192xf32, #tpu.memory_space<hbm>>)
            tpu.yield
          }) : () -> ()
        } else {
        }
        %jit3A_127 = arith.constant 256 : i32
        %jit3A_128 = arith.constant 0 : i32
        %select_n3A_129 = arith.select %ne3A_123, %jit3A_127, %jit3A_128 : i32
        %add3A_130 = arith.addi %add3A_119, %select_n3A_129 : i32
        %and3A_131 = arith.constant 128 : i32
        %and3A_132 = arith.andi %sub3A_109, %and3A_131 : i32
        %ne3A_133 = arith.constant 0 : i32
        %ne3A_134 = arith.cmpi ne, %and3A_132, %ne3A_133 : i32
        %convert_element_type3A_135 = arith.extui %ne3A_134 : i1 to i32
        %cond3A_136 = arith.constant 0 : i32
        %cond3A_137 = arith.cmpi ne, %convert_element_type3A_135, %cond3A_136 : i32
        scf.if %cond3A_137 {
          %mul3A_219 = arith.constant 32 : i32
          %mul3A_220 = arith.muli %add3A_130, %mul3A_219 : i32
          %add3A_221 = arith.addi %add3A_98, %add3A_130 : i32
          %mul3A_222 = arith.constant 32 : i32
          %mul3A_223 = arith.muli %add3A_221, %mul3A_222 : i32
          "tpu.region"() ({
            %run_scoped3A = tpu.sem_alloc : memref<!tpu.dma_semaphore, #tpu.memory_space<semaphore_mem>>
            %dma_start3A = tpu.memref_slice %arg8[%mul3A_220] : memref<16384xf32, #tpu.memory_space<vmem>> -> memref<4096xf32, #tpu.memory_space<vmem>>
            %dma_start3A_224 = tpu.memref_slice %arg6[%mul3A_223] : memref<51200000xf32, #tpu.memory_space<hbm>> -> memref<4096xf32, #tpu.memory_space<hbm>>
            %dma_start3A_225 = tpu.memref_slice %arg6[%mul3A_223] : memref<51200000xf32, #tpu.memory_space<hbm>> -> memref<4096xf32, #tpu.memory_space<hbm>>
            %dma_start3A_226 = tpu.memref_slice %arg8[%mul3A_220] : memref<16384xf32, #tpu.memory_space<vmem>> -> memref<4096xf32, #tpu.memory_space<vmem>>
            tpu.enqueue_dma source(%dma_start3A_226 : memref<4096xf32, #tpu.memory_space<vmem>>) target(%dma_start3A_225 : memref<4096xf32, #tpu.memory_space<hbm>>) target_semaphore(%run_scoped3A : memref<!tpu.dma_semaphore, #tpu.memory_space<semaphore_mem>>)
            %dma_wait3A = tpu.memref_slice %arg8[%mul3A_220] : memref<16384xf32, #tpu.memory_space<vmem>> -> memref<4096xf32, #tpu.memory_space<vmem>>
            %dma_wait3A_227 = tpu.memref_slice %arg6[%mul3A_223] : memref<51200000xf32, #tpu.memory_space<hbm>> -> memref<4096xf32, #tpu.memory_space<hbm>>
            %dma_wait3A_228 = tpu.memref_slice %arg6[%mul3A_223] : memref<51200000xf32, #tpu.memory_space<hbm>> -> memref<4096xf32, #tpu.memory_space<hbm>>
            %dma_wait3A_229 = tpu.memref_slice %arg8[%mul3A_220] : memref<16384xf32, #tpu.memory_space<vmem>> -> memref<4096xf32, #tpu.memory_space<vmem>>
            tpu.wait_dma2 semaphore(%run_scoped3A : memref<!tpu.dma_semaphore, #tpu.memory_space<semaphore_mem>>) src(%dma_wait3A_229 : memref<4096xf32, #tpu.memory_space<vmem>>) dst(%dma_wait3A_228 : memref<4096xf32, #tpu.memory_space<hbm>>)
            tpu.yield
          }) : () -> ()
        } else {
        }
        %jit3A_138 = arith.constant 128 : i32
        %jit3A_139 = arith.constant 0 : i32
        %select_n3A_140 = arith.select %ne3A_134, %jit3A_138, %jit3A_139 : i32
        %add3A_141 = arith.addi %add3A_130, %select_n3A_140 : i32
        %and3A_142 = arith.constant 64 : i32
        %and3A_143 = arith.andi %sub3A_109, %and3A_142 : i32
        %ne3A_144 = arith.constant 0 : i32
        %ne3A_145 = arith.cmpi ne, %and3A_143, %ne3A_144 : i32
        %convert_element_type3A_146 = arith.extui %ne3A_145 : i1 to i32
        %cond3A_147 = arith.constant 0 : i32
        %cond3A_148 = arith.cmpi ne, %convert_element_type3A_146, %cond3A_147 : i32
        scf.if %cond3A_148 {
          %mul3A_219 = arith.constant 32 : i32
          %mul3A_220 = arith.muli %add3A_141, %mul3A_219 : i32
          %add3A_221 = arith.addi %add3A_98, %add3A_141 : i32
          %mul3A_222 = arith.constant 32 : i32
          %mul3A_223 = arith.muli %add3A_221, %mul3A_222 : i32
          "tpu.region"() ({
            %run_scoped3A = tpu.sem_alloc : memref<!tpu.dma_semaphore, #tpu.memory_space<semaphore_mem>>
            %dma_start3A = tpu.memref_slice %arg8[%mul3A_220] : memref<16384xf32, #tpu.memory_space<vmem>> -> memref<2048xf32, #tpu.memory_space<vmem>>
            %dma_start3A_224 = tpu.memref_slice %arg6[%mul3A_223] : memref<51200000xf32, #tpu.memory_space<hbm>> -> memref<2048xf32, #tpu.memory_space<hbm>>
            %dma_start3A_225 = tpu.memref_slice %arg6[%mul3A_223] : memref<51200000xf32, #tpu.memory_space<hbm>> -> memref<2048xf32, #tpu.memory_space<hbm>>
            %dma_start3A_226 = tpu.memref_slice %arg8[%mul3A_220] : memref<16384xf32, #tpu.memory_space<vmem>> -> memref<2048xf32, #tpu.memory_space<vmem>>
            tpu.enqueue_dma source(%dma_start3A_226 : memref<2048xf32, #tpu.memory_space<vmem>>) target(%dma_start3A_225 : memref<2048xf32, #tpu.memory_space<hbm>>) target_semaphore(%run_scoped3A : memref<!tpu.dma_semaphore, #tpu.memory_space<semaphore_mem>>)
            %dma_wait3A = tpu.memref_slice %arg8[%mul3A_220] : memref<16384xf32, #tpu.memory_space<vmem>> -> memref<2048xf32, #tpu.memory_space<vmem>>
            %dma_wait3A_227 = tpu.memref_slice %arg6[%mul3A_223] : memref<51200000xf32, #tpu.memory_space<hbm>> -> memref<2048xf32, #tpu.memory_space<hbm>>
            %dma_wait3A_228 = tpu.memref_slice %arg6[%mul3A_223] : memref<51200000xf32, #tpu.memory_space<hbm>> -> memref<2048xf32, #tpu.memory_space<hbm>>
            %dma_wait3A_229 = tpu.memref_slice %arg8[%mul3A_220] : memref<16384xf32, #tpu.memory_space<vmem>> -> memref<2048xf32, #tpu.memory_space<vmem>>
            tpu.wait_dma2 semaphore(%run_scoped3A : memref<!tpu.dma_semaphore, #tpu.memory_space<semaphore_mem>>) src(%dma_wait3A_229 : memref<2048xf32, #tpu.memory_space<vmem>>) dst(%dma_wait3A_228 : memref<2048xf32, #tpu.memory_space<hbm>>)
            tpu.yield
          }) : () -> ()
        } else {
        }
        %jit3A_149 = arith.constant 64 : i32
        %jit3A_150 = arith.constant 0 : i32
        %select_n3A_151 = arith.select %ne3A_145, %jit3A_149, %jit3A_150 : i32
        %add3A_152 = arith.addi %add3A_141, %select_n3A_151 : i32
        %and3A_153 = arith.constant 32 : i32
        %and3A_154 = arith.andi %sub3A_109, %and3A_153 : i32
        %ne3A_155 = arith.constant 0 : i32
        %ne3A_156 = arith.cmpi ne, %and3A_154, %ne3A_155 : i32
        %convert_element_type3A_157 = arith.extui %ne3A_156 : i1 to i32
        %cond3A_158 = arith.constant 0 : i32
        %cond3A_159 = arith.cmpi ne, %convert_element_type3A_157, %cond3A_158 : i32
        scf.if %cond3A_159 {
          %mul3A_219 = arith.constant 32 : i32
          %mul3A_220 = arith.muli %add3A_152, %mul3A_219 : i32
          %add3A_221 = arith.addi %add3A_98, %add3A_152 : i32
          %mul3A_222 = arith.constant 32 : i32
          %mul3A_223 = arith.muli %add3A_221, %mul3A_222 : i32
          "tpu.region"() ({
            %run_scoped3A = tpu.sem_alloc : memref<!tpu.dma_semaphore, #tpu.memory_space<semaphore_mem>>
            %dma_start3A = tpu.memref_slice %arg8[%mul3A_220] : memref<16384xf32, #tpu.memory_space<vmem>> -> memref<1024xf32, #tpu.memory_space<vmem>>
            %dma_start3A_224 = tpu.memref_slice %arg6[%mul3A_223] : memref<51200000xf32, #tpu.memory_space<hbm>> -> memref<1024xf32, #tpu.memory_space<hbm>>
            %dma_start3A_225 = tpu.memref_slice %arg6[%mul3A_223] : memref<51200000xf32, #tpu.memory_space<hbm>> -> memref<1024xf32, #tpu.memory_space<hbm>>
            %dma_start3A_226 = tpu.memref_slice %arg8[%mul3A_220] : memref<16384xf32, #tpu.memory_space<vmem>> -> memref<1024xf32, #tpu.memory_space<vmem>>
            tpu.enqueue_dma source(%dma_start3A_226 : memref<1024xf32, #tpu.memory_space<vmem>>) target(%dma_start3A_225 : memref<1024xf32, #tpu.memory_space<hbm>>) target_semaphore(%run_scoped3A : memref<!tpu.dma_semaphore, #tpu.memory_space<semaphore_mem>>)
            %dma_wait3A = tpu.memref_slice %arg8[%mul3A_220] : memref<16384xf32, #tpu.memory_space<vmem>> -> memref<1024xf32, #tpu.memory_space<vmem>>
            %dma_wait3A_227 = tpu.memref_slice %arg6[%mul3A_223] : memref<51200000xf32, #tpu.memory_space<hbm>> -> memref<1024xf32, #tpu.memory_space<hbm>>
            %dma_wait3A_228 = tpu.memref_slice %arg6[%mul3A_223] : memref<51200000xf32, #tpu.memory_space<hbm>> -> memref<1024xf32, #tpu.memory_space<hbm>>
            %dma_wait3A_229 = tpu.memref_slice %arg8[%mul3A_220] : memref<16384xf32, #tpu.memory_space<vmem>> -> memref<1024xf32, #tpu.memory_space<vmem>>
            tpu.wait_dma2 semaphore(%run_scoped3A : memref<!tpu.dma_semaphore, #tpu.memory_space<semaphore_mem>>) src(%dma_wait3A_229 : memref<1024xf32, #tpu.memory_space<vmem>>) dst(%dma_wait3A_228 : memref<1024xf32, #tpu.memory_space<hbm>>)
            tpu.yield
          }) : () -> ()
        } else {
        }
        %jit3A_160 = arith.constant 32 : i32
        %jit3A_161 = arith.constant 0 : i32
        %select_n3A_162 = arith.select %ne3A_156, %jit3A_160, %jit3A_161 : i32
        %add3A_163 = arith.addi %add3A_152, %select_n3A_162 : i32
        %and3A_164 = arith.constant 16 : i32
        %and3A_165 = arith.andi %sub3A_109, %and3A_164 : i32
        %ne3A_166 = arith.constant 0 : i32
        %ne3A_167 = arith.cmpi ne, %and3A_165, %ne3A_166 : i32
        %convert_element_type3A_168 = arith.extui %ne3A_167 : i1 to i32
        %cond3A_169 = arith.constant 0 : i32
        %cond3A_170 = arith.cmpi ne, %convert_element_type3A_168, %cond3A_169 : i32
        scf.if %cond3A_170 {
          %mul3A_219 = arith.constant 32 : i32
          %mul3A_220 = arith.muli %add3A_163, %mul3A_219 : i32
          %add3A_221 = arith.addi %add3A_98, %add3A_163 : i32
          %mul3A_222 = arith.constant 32 : i32
          %mul3A_223 = arith.muli %add3A_221, %mul3A_222 : i32
          "tpu.region"() ({
            %run_scoped3A = tpu.sem_alloc : memref<!tpu.dma_semaphore, #tpu.memory_space<semaphore_mem>>
            %dma_start3A = tpu.memref_slice %arg8[%mul3A_220] : memref<16384xf32, #tpu.memory_space<vmem>> -> memref<512xf32, #tpu.memory_space<vmem>>
            %dma_start3A_224 = tpu.memref_slice %arg6[%mul3A_223] : memref<51200000xf32, #tpu.memory_space<hbm>> -> memref<512xf32, #tpu.memory_space<hbm>>
            %dma_start3A_225 = tpu.memref_slice %arg6[%mul3A_223] : memref<51200000xf32, #tpu.memory_space<hbm>> -> memref<512xf32, #tpu.memory_space<hbm>>
            %dma_start3A_226 = tpu.memref_slice %arg8[%mul3A_220] : memref<16384xf32, #tpu.memory_space<vmem>> -> memref<512xf32, #tpu.memory_space<vmem>>
            tpu.enqueue_dma source(%dma_start3A_226 : memref<512xf32, #tpu.memory_space<vmem>>) target(%dma_start3A_225 : memref<512xf32, #tpu.memory_space<hbm>>) target_semaphore(%run_scoped3A : memref<!tpu.dma_semaphore, #tpu.memory_space<semaphore_mem>>)
            %dma_wait3A = tpu.memref_slice %arg8[%mul3A_220] : memref<16384xf32, #tpu.memory_space<vmem>> -> memref<512xf32, #tpu.memory_space<vmem>>
            %dma_wait3A_227 = tpu.memref_slice %arg6[%mul3A_223] : memref<51200000xf32, #tpu.memory_space<hbm>> -> memref<512xf32, #tpu.memory_space<hbm>>
            %dma_wait3A_228 = tpu.memref_slice %arg6[%mul3A_223] : memref<51200000xf32, #tpu.memory_space<hbm>> -> memref<512xf32, #tpu.memory_space<hbm>>
            %dma_wait3A_229 = tpu.memref_slice %arg8[%mul3A_220] : memref<16384xf32, #tpu.memory_space<vmem>> -> memref<512xf32, #tpu.memory_space<vmem>>
            tpu.wait_dma2 semaphore(%run_scoped3A : memref<!tpu.dma_semaphore, #tpu.memory_space<semaphore_mem>>) src(%dma_wait3A_229 : memref<512xf32, #tpu.memory_space<vmem>>) dst(%dma_wait3A_228 : memref<512xf32, #tpu.memory_space<hbm>>)
            tpu.yield
          }) : () -> ()
        } else {
        }
        %jit3A_171 = arith.constant 16 : i32
        %jit3A_172 = arith.constant 0 : i32
        %select_n3A_173 = arith.select %ne3A_167, %jit3A_171, %jit3A_172 : i32
        %add3A_174 = arith.addi %add3A_163, %select_n3A_173 : i32
        %and3A_175 = arith.constant 8 : i32
        %and3A_176 = arith.andi %sub3A_109, %and3A_175 : i32
        %ne3A_177 = arith.constant 0 : i32
        %ne3A_178 = arith.cmpi ne, %and3A_176, %ne3A_177 : i32
        %convert_element_type3A_179 = arith.extui %ne3A_178 : i1 to i32
        %cond3A_180 = arith.constant 0 : i32
        %cond3A_181 = arith.cmpi ne, %convert_element_type3A_179, %cond3A_180 : i32
        scf.if %cond3A_181 {
          %mul3A_219 = arith.constant 32 : i32
          %mul3A_220 = arith.muli %add3A_174, %mul3A_219 : i32
          %add3A_221 = arith.addi %add3A_98, %add3A_174 : i32
          %mul3A_222 = arith.constant 32 : i32
          %mul3A_223 = arith.muli %add3A_221, %mul3A_222 : i32
          "tpu.region"() ({
            %run_scoped3A = tpu.sem_alloc : memref<!tpu.dma_semaphore, #tpu.memory_space<semaphore_mem>>
            %dma_start3A = tpu.memref_slice %arg8[%mul3A_220] : memref<16384xf32, #tpu.memory_space<vmem>> -> memref<256xf32, #tpu.memory_space<vmem>>
            %dma_start3A_224 = tpu.memref_slice %arg6[%mul3A_223] : memref<51200000xf32, #tpu.memory_space<hbm>> -> memref<256xf32, #tpu.memory_space<hbm>>
            %dma_start3A_225 = tpu.memref_slice %arg6[%mul3A_223] : memref<51200000xf32, #tpu.memory_space<hbm>> -> memref<256xf32, #tpu.memory_space<hbm>>
            %dma_start3A_226 = tpu.memref_slice %arg8[%mul3A_220] : memref<16384xf32, #tpu.memory_space<vmem>> -> memref<256xf32, #tpu.memory_space<vmem>>
            tpu.enqueue_dma source(%dma_start3A_226 : memref<256xf32, #tpu.memory_space<vmem>>) target(%dma_start3A_225 : memref<256xf32, #tpu.memory_space<hbm>>) target_semaphore(%run_scoped3A : memref<!tpu.dma_semaphore, #tpu.memory_space<semaphore_mem>>)
            %dma_wait3A = tpu.memref_slice %arg8[%mul3A_220] : memref<16384xf32, #tpu.memory_space<vmem>> -> memref<256xf32, #tpu.memory_space<vmem>>
            %dma_wait3A_227 = tpu.memref_slice %arg6[%mul3A_223] : memref<51200000xf32, #tpu.memory_space<hbm>> -> memref<256xf32, #tpu.memory_space<hbm>>
            %dma_wait3A_228 = tpu.memref_slice %arg6[%mul3A_223] : memref<51200000xf32, #tpu.memory_space<hbm>> -> memref<256xf32, #tpu.memory_space<hbm>>
            %dma_wait3A_229 = tpu.memref_slice %arg8[%mul3A_220] : memref<16384xf32, #tpu.memory_space<vmem>> -> memref<256xf32, #tpu.memory_space<vmem>>
            tpu.wait_dma2 semaphore(%run_scoped3A : memref<!tpu.dma_semaphore, #tpu.memory_space<semaphore_mem>>) src(%dma_wait3A_229 : memref<256xf32, #tpu.memory_space<vmem>>) dst(%dma_wait3A_228 : memref<256xf32, #tpu.memory_space<hbm>>)
            tpu.yield
          }) : () -> ()
        } else {
        }
        %jit3A_182 = arith.constant 8 : i32
        %jit3A_183 = arith.constant 0 : i32
        %select_n3A_184 = arith.select %ne3A_178, %jit3A_182, %jit3A_183 : i32
        %add3A_185 = arith.addi %add3A_174, %select_n3A_184 : i32
        %and3A_186 = arith.constant 4 : i32
        %and3A_187 = arith.andi %sub3A_109, %and3A_186 : i32
        %ne3A_188 = arith.constant 0 : i32
        %ne3A_189 = arith.cmpi ne, %and3A_187, %ne3A_188 : i32
        %convert_element_type3A_190 = arith.extui %ne3A_189 : i1 to i32
        %cond3A_191 = arith.constant 0 : i32
        %cond3A_192 = arith.cmpi ne, %convert_element_type3A_190, %cond3A_191 : i32
        scf.if %cond3A_192 {
          %mul3A_219 = arith.constant 32 : i32
          %mul3A_220 = arith.muli %add3A_185, %mul3A_219 : i32
          %add3A_221 = arith.addi %add3A_98, %add3A_185 : i32
          %mul3A_222 = arith.constant 32 : i32
          %mul3A_223 = arith.muli %add3A_221, %mul3A_222 : i32
          "tpu.region"() ({
            %run_scoped3A = tpu.sem_alloc : memref<!tpu.dma_semaphore, #tpu.memory_space<semaphore_mem>>
            %dma_start3A = tpu.memref_slice %arg8[%mul3A_220] : memref<16384xf32, #tpu.memory_space<vmem>> -> memref<128xf32, #tpu.memory_space<vmem>>
            %dma_start3A_224 = tpu.memref_slice %arg6[%mul3A_223] : memref<51200000xf32, #tpu.memory_space<hbm>> -> memref<128xf32, #tpu.memory_space<hbm>>
            %dma_start3A_225 = tpu.memref_slice %arg6[%mul3A_223] : memref<51200000xf32, #tpu.memory_space<hbm>> -> memref<128xf32, #tpu.memory_space<hbm>>
            %dma_start3A_226 = tpu.memref_slice %arg8[%mul3A_220] : memref<16384xf32, #tpu.memory_space<vmem>> -> memref<128xf32, #tpu.memory_space<vmem>>
            tpu.enqueue_dma source(%dma_start3A_226 : memref<128xf32, #tpu.memory_space<vmem>>) target(%dma_start3A_225 : memref<128xf32, #tpu.memory_space<hbm>>) target_semaphore(%run_scoped3A : memref<!tpu.dma_semaphore, #tpu.memory_space<semaphore_mem>>)
            %dma_wait3A = tpu.memref_slice %arg8[%mul3A_220] : memref<16384xf32, #tpu.memory_space<vmem>> -> memref<128xf32, #tpu.memory_space<vmem>>
            %dma_wait3A_227 = tpu.memref_slice %arg6[%mul3A_223] : memref<51200000xf32, #tpu.memory_space<hbm>> -> memref<128xf32, #tpu.memory_space<hbm>>
            %dma_wait3A_228 = tpu.memref_slice %arg6[%mul3A_223] : memref<51200000xf32, #tpu.memory_space<hbm>> -> memref<128xf32, #tpu.memory_space<hbm>>
            %dma_wait3A_229 = tpu.memref_slice %arg8[%mul3A_220] : memref<16384xf32, #tpu.memory_space<vmem>> -> memref<128xf32, #tpu.memory_space<vmem>>
            tpu.wait_dma2 semaphore(%run_scoped3A : memref<!tpu.dma_semaphore, #tpu.memory_space<semaphore_mem>>) src(%dma_wait3A_229 : memref<128xf32, #tpu.memory_space<vmem>>) dst(%dma_wait3A_228 : memref<128xf32, #tpu.memory_space<hbm>>)
            tpu.yield
          }) : () -> ()
        } else {
        }
        %jit3A_193 = arith.constant 4 : i32
        %jit3A_194 = arith.constant 0 : i32
        %select_n3A_195 = arith.select %ne3A_189, %jit3A_193, %jit3A_194 : i32
        %add3A_196 = arith.addi %add3A_185, %select_n3A_195 : i32
        %and3A_197 = arith.constant 2 : i32
        %and3A_198 = arith.andi %sub3A_109, %and3A_197 : i32
        %ne3A_199 = arith.constant 0 : i32
        %ne3A_200 = arith.cmpi ne, %and3A_198, %ne3A_199 : i32
        %convert_element_type3A_201 = arith.extui %ne3A_200 : i1 to i32
        %cond3A_202 = arith.constant 0 : i32
        %cond3A_203 = arith.cmpi ne, %convert_element_type3A_201, %cond3A_202 : i32
        scf.if %cond3A_203 {
          %mul3A_219 = arith.constant 32 : i32
          %mul3A_220 = arith.muli %add3A_196, %mul3A_219 : i32
          %add3A_221 = arith.addi %add3A_98, %add3A_196 : i32
          %mul3A_222 = arith.constant 32 : i32
          %mul3A_223 = arith.muli %add3A_221, %mul3A_222 : i32
          "tpu.region"() ({
            %run_scoped3A = tpu.sem_alloc : memref<!tpu.dma_semaphore, #tpu.memory_space<semaphore_mem>>
            %dma_start3A = tpu.memref_slice %arg8[%mul3A_220] : memref<16384xf32, #tpu.memory_space<vmem>> -> memref<64xf32, #tpu.memory_space<vmem>>
            %dma_start3A_224 = tpu.memref_slice %arg6[%mul3A_223] : memref<51200000xf32, #tpu.memory_space<hbm>> -> memref<64xf32, #tpu.memory_space<hbm>>
            %dma_start3A_225 = tpu.memref_slice %arg6[%mul3A_223] : memref<51200000xf32, #tpu.memory_space<hbm>> -> memref<64xf32, #tpu.memory_space<hbm>>
            %dma_start3A_226 = tpu.memref_slice %arg8[%mul3A_220] : memref<16384xf32, #tpu.memory_space<vmem>> -> memref<64xf32, #tpu.memory_space<vmem>>
            tpu.enqueue_dma source(%dma_start3A_226 : memref<64xf32, #tpu.memory_space<vmem>>) target(%dma_start3A_225 : memref<64xf32, #tpu.memory_space<hbm>>) target_semaphore(%run_scoped3A : memref<!tpu.dma_semaphore, #tpu.memory_space<semaphore_mem>>)
            %dma_wait3A = tpu.memref_slice %arg8[%mul3A_220] : memref<16384xf32, #tpu.memory_space<vmem>> -> memref<64xf32, #tpu.memory_space<vmem>>
            %dma_wait3A_227 = tpu.memref_slice %arg6[%mul3A_223] : memref<51200000xf32, #tpu.memory_space<hbm>> -> memref<64xf32, #tpu.memory_space<hbm>>
            %dma_wait3A_228 = tpu.memref_slice %arg6[%mul3A_223] : memref<51200000xf32, #tpu.memory_space<hbm>> -> memref<64xf32, #tpu.memory_space<hbm>>
            %dma_wait3A_229 = tpu.memref_slice %arg8[%mul3A_220] : memref<16384xf32, #tpu.memory_space<vmem>> -> memref<64xf32, #tpu.memory_space<vmem>>
            tpu.wait_dma2 semaphore(%run_scoped3A : memref<!tpu.dma_semaphore, #tpu.memory_space<semaphore_mem>>) src(%dma_wait3A_229 : memref<64xf32, #tpu.memory_space<vmem>>) dst(%dma_wait3A_228 : memref<64xf32, #tpu.memory_space<hbm>>)
            tpu.yield
          }) : () -> ()
        } else {
        }
        %jit3A_204 = arith.constant 2 : i32
        %jit3A_205 = arith.constant 0 : i32
        %select_n3A_206 = arith.select %ne3A_200, %jit3A_204, %jit3A_205 : i32
        %add3A_207 = arith.addi %add3A_196, %select_n3A_206 : i32
        %and3A_208 = arith.constant 1 : i32
        %and3A_209 = arith.andi %sub3A_109, %and3A_208 : i32
        %ne3A_210 = arith.constant 0 : i32
        %ne3A_211 = arith.cmpi ne, %and3A_209, %ne3A_210 : i32
        %convert_element_type3A_212 = arith.extui %ne3A_211 : i1 to i32
        %cond3A_213 = arith.constant 0 : i32
        %cond3A_214 = arith.cmpi ne, %convert_element_type3A_212, %cond3A_213 : i32
        scf.if %cond3A_214 {
          %mul3A_219 = arith.constant 32 : i32
          %mul3A_220 = arith.muli %add3A_207, %mul3A_219 : i32
          %add3A_221 = arith.addi %add3A_98, %add3A_207 : i32
          %mul3A_222 = arith.constant 32 : i32
          %mul3A_223 = arith.muli %add3A_221, %mul3A_222 : i32
          "tpu.region"() ({
            %run_scoped3A = tpu.sem_alloc : memref<!tpu.dma_semaphore, #tpu.memory_space<semaphore_mem>>
            %dma_start3A = tpu.memref_slice %arg8[%mul3A_220] : memref<16384xf32, #tpu.memory_space<vmem>> -> memref<32xf32, #tpu.memory_space<vmem>>
            %dma_start3A_224 = tpu.memref_slice %arg6[%mul3A_223] : memref<51200000xf32, #tpu.memory_space<hbm>> -> memref<32xf32, #tpu.memory_space<hbm>>
            %dma_start3A_225 = tpu.memref_slice %arg6[%mul3A_223] : memref<51200000xf32, #tpu.memory_space<hbm>> -> memref<32xf32, #tpu.memory_space<hbm>>
            %dma_start3A_226 = tpu.memref_slice %arg8[%mul3A_220] : memref<16384xf32, #tpu.memory_space<vmem>> -> memref<32xf32, #tpu.memory_space<vmem>>
            tpu.enqueue_dma source(%dma_start3A_226 : memref<32xf32, #tpu.memory_space<vmem>>) target(%dma_start3A_225 : memref<32xf32, #tpu.memory_space<hbm>>) target_semaphore(%run_scoped3A : memref<!tpu.dma_semaphore, #tpu.memory_space<semaphore_mem>>)
            %dma_wait3A = tpu.memref_slice %arg8[%mul3A_220] : memref<16384xf32, #tpu.memory_space<vmem>> -> memref<32xf32, #tpu.memory_space<vmem>>
            %dma_wait3A_227 = tpu.memref_slice %arg6[%mul3A_223] : memref<51200000xf32, #tpu.memory_space<hbm>> -> memref<32xf32, #tpu.memory_space<hbm>>
            %dma_wait3A_228 = tpu.memref_slice %arg6[%mul3A_223] : memref<51200000xf32, #tpu.memory_space<hbm>> -> memref<32xf32, #tpu.memory_space<hbm>>
            %dma_wait3A_229 = tpu.memref_slice %arg8[%mul3A_220] : memref<16384xf32, #tpu.memory_space<vmem>> -> memref<32xf32, #tpu.memory_space<vmem>>
            tpu.wait_dma2 semaphore(%run_scoped3A : memref<!tpu.dma_semaphore, #tpu.memory_space<semaphore_mem>>) src(%dma_wait3A_229 : memref<32xf32, #tpu.memory_space<vmem>>) dst(%dma_wait3A_228 : memref<32xf32, #tpu.memory_space<hbm>>)
            tpu.yield
          }) : () -> ()
        } else {
        }
        %jit3A_215 = arith.constant 1 : i32
        %jit3A_216 = arith.constant 0 : i32
        %select_n3A_217 = arith.select %ne3A_211, %jit3A_215, %jit3A_216 : i32
        %add3A_218 = arith.addi %add3A_207, %select_n3A_217 : i32
        scf.yield %scan3A_107#1 : i32
      }
      %while3A_83 = arith.constant 1 : i32
      %while3A_84 = scf.for %while3A_94 = %while3A_80 to %while3A_76 step %while3A_83 iter_args(%while3A_95 = %while3A_82) -> (i32)  : i32 {
        %mul3A_96 = arith.constant 512 : i32
        %mul3A_97 = arith.muli %while3A_94, %mul3A_96 : i32
        %add3A_98 = arith.addi %squeeze3A, %mul3A_97 : i32
        %add3A_99 = arith.constant 512 : i32
        %add3A_100 = arith.addi %add3A_98, %add3A_99 : i32
        %min3A = arith.minsi %add3A_100, %squeeze3A_45 : i32
        %mul3A_101 = arith.constant 16 : i32
        %mul3A_102 = arith.muli %add3A_98, %mul3A_101 : i32
        "tpu.region"() ({
          %run_scoped3A = tpu.sem_alloc : memref<!tpu.dma_semaphore, #tpu.memory_space<semaphore_mem>>
          %dma_start3A = tpu.memref_slice %arg2[%mul3A_102] : memref<25608192xf32, #tpu.memory_space<hbm>> -> memref<8192xf32, #tpu.memory_space<hbm>>
          %dma_start3A_219 = tpu.memref_slice %arg2[%mul3A_102] : memref<25608192xf32, #tpu.memory_space<hbm>> -> memref<8192xf32, #tpu.memory_space<hbm>>
          tpu.enqueue_dma source(%dma_start3A_219 : memref<8192xf32, #tpu.memory_space<hbm>>) target(%arg7 : memref<8192xf32, #tpu.memory_space<vmem>>) target_semaphore(%run_scoped3A : memref<!tpu.dma_semaphore, #tpu.memory_space<semaphore_mem>>)
          %dma_wait3A = tpu.memref_slice %arg2[%mul3A_102] : memref<25608192xf32, #tpu.memory_space<hbm>> -> memref<8192xf32, #tpu.memory_space<hbm>>
          %dma_wait3A_220 = tpu.memref_slice %arg2[%mul3A_102] : memref<25608192xf32, #tpu.memory_space<hbm>> -> memref<8192xf32, #tpu.memory_space<hbm>>
          tpu.wait_dma2 semaphore(%run_scoped3A : memref<!tpu.dma_semaphore, #tpu.memory_space<semaphore_mem>>) src(%dma_wait3A_220 : memref<8192xf32, #tpu.memory_space<hbm>>) dst(%arg7 : memref<8192xf32, #tpu.memory_space<vmem>>)
          tpu.yield
        }) : () -> ()
        %scan3A_103 = arith.constant 0 : i32
        %scan3A_104 = arith.constant 126 : i32
        %scan3A_105 = arith.addi %scan3A_103, %scan3A_104 : i32
        %scan3A_106 = arith.constant 1 : i32
        %scan3A_107:2 = scf.for %scan3A_219 = %scan3A_103 to %scan3A_105 step %scan3A_106 iter_args(%scan3A_220 = %add3A_98, %scan3A_221 = %while3A_95) -> (i32, i32)  : i32 {
          %lt3A = arith.cmpi slt, %scan3A_220, %min3A : i32
          %sub3A_222 = arith.subi %scan3A_221, %add3A_15 : i32
          %min3A_223 = arith.constant 125 : i32
          %min3A_224 = arith.minsi %sub3A_222, %min3A_223 : i32
          %add3A_225 = arith.addi %sub3A_34, %min3A_224 : i32
          %add3A_226 = arith.constant 1 : i32
          %add3A_227 = arith.addi %add3A_225, %add3A_226 : i32
          %get3A_228 = arith.index_cast %add3A_227 : i32 to index
          %get3A_229 = tpu.vector_load %arg12[%get3A_228] {strides = array<i32>} : memref<165xi32, #tpu.memory_space<vmem>>, vector<16xi32>,
          %get3A_230 = vector.shape_cast %get3A_229 : vector<16xi32> to vector<16xi32>
          %slice3A_231 = vector.extract_strided_slice %get3A_230 {offsets = [0], sizes = [1], strides = [1]} : vector<16xi32> to vector<1xi32>
          %squeeze3A_232 = vector.extract %slice3A_231[0] : i32 from vector<1xi32>
          %mul3A_233 = arith.constant 32 : i32
          %mul3A_234 = arith.muli %min3A_224, %mul3A_233 : i32
          %get3A_235 = arith.index_cast %mul3A_234 : i32 to index
          %get3A_236 = tpu.vector_load %arg9[%get3A_235] {strides = array<i32>} : memref<4032xf32, #tpu.memory_space<vmem>>, vector<16xf32>,
          %get3A_237 = vector.shape_cast %get3A_236 : vector<16xf32> to vector<16xf32>
          %mul3A_238 = arith.constant 32 : i32
          %mul3A_239 = arith.muli %min3A_224, %mul3A_238 : i32
          %add3A_240 = arith.constant 16 : i32
          %add3A_241 = arith.addi %mul3A_239, %add3A_240 : i32
          %get3A_242 = arith.index_cast %add3A_241 : i32 to index
          %get3A_243 = tpu.vector_load %arg9[%get3A_242] {strides = array<i32>} : memref<4032xf32, #tpu.memory_space<vmem>>, vector<16xf32>,
          %get3A_244 = vector.shape_cast %get3A_243 : vector<16xf32> to vector<16xf32>
          %min3A_245 = arith.minsi %squeeze3A_232, %min3A : i32
          %sub3A_246 = arith.subi %min3A_245, %scan3A_220 : i32
          %max3A = arith.constant 0 : i32
          %max3A_247 = arith.maxsi %sub3A_246, %max3A : i32
          %jit3A_248 = arith.constant 0 : i32
          %select_n3A_249 = arith.select %lt3A, %max3A_247, %jit3A_248 : i32
          %while3A_250 = arith.constant 0 : i32
          %while3A_251 = arith.constant 0 : i32
          %while3A_252 = arith.subi %select_n3A_249, %while3A_251 : i32
          %while3A_253 = arith.addi %while3A_251, %while3A_252 : i32
          %while3A_254 = arith.constant 1 : i32
          %while3A_255 = arith.divsi %while3A_252, %while3A_254 : i32
          %while3A_256 = arith.muli %while3A_255, %while3A_254 : i32
          %while3A_257 = arith.addi %while3A_251, %while3A_256 : i32
          %while3A_258 = arith.constant 1 : i32
          scf.for %while3A_288 = %while3A_251 to %while3A_257 step %while3A_258  : i32 {
            %sub3A_289 = arith.subi %scan3A_220, %add3A_98 : i32
            %add3A_290 = arith.addi %sub3A_289, %while3A_288 : i32
            %get3A_291 = arith.constant 0 : index
            %get3A_292 = tpu.vector_load %arg11[%get3A_291] {strides = array<i32>} : memref<16xf32, #tpu.memory_space<vmem>>, vector<16xf32>,
            %get3A_293 = vector.shape_cast %get3A_292 : vector<16xf32> to vector<16xf32>
            %mul3A_294 = arith.constant 16 : i32
            %mul3A_295 = arith.muli %add3A_290, %mul3A_294 : i32
            %get3A_296 = arith.index_cast %mul3A_295 : i32 to index
            %get3A_297 = tpu.vector_load %arg7[%get3A_296] {strides = array<i32>} : memref<8192xf32, #tpu.memory_space<vmem>>, vector<16xf32>,
            %get3A_298 = vector.shape_cast %get3A_297 : vector<16xf32> to vector<16xf32>
            %add3A_299 = arith.addf %get3A_293, %get3A_298 : vector<16xf32>
            %swap3A_300 = arith.constant 0 : index
            %swap3A_301 = tpu.vector_load %arg11[%swap3A_300] {strides = array<i32>} : memref<16xf32, #tpu.memory_space<vmem>>, vector<16xf32>,
            %swap3A_302 = vector.shape_cast %swap3A_301 : vector<16xf32> to vector<16xf32>
            %swap3A_303 = vector.shape_cast %add3A_299 : vector<16xf32> to vector<16xf32>
            tpu.vector_store %arg11[%swap3A_300], %swap3A_303 {strides = array<i32>} : memref<16xf32, #tpu.memory_space<vmem>>, vector<16xf32>,
            %mul3A_304 = arith.constant 32 : i32
            %mul3A_305 = arith.muli %add3A_290, %mul3A_304 : i32
            %swap3A_306 = arith.index_cast %mul3A_305 : i32 to index
            %swap3A_307 = tpu.vector_load %arg8[%swap3A_306] {strides = array<i32>} : memref<16384xf32, #tpu.memory_space<vmem>>, vector<16xf32>,
            %swap3A_308 = vector.shape_cast %swap3A_307 : vector<16xf32> to vector<16xf32>
            %swap3A_309 = vector.shape_cast %get3A_237 : vector<16xf32> to vector<16xf32>
            tpu.vector_store %arg8[%swap3A_306], %swap3A_309 {strides = array<i32>} : memref<16384xf32, #tpu.memory_space<vmem>>, vector<16xf32>,
            %mul3A_310 = arith.constant 32 : i32
            %mul3A_311 = arith.muli %add3A_290, %mul3A_310 : i32
            %add3A_312 = arith.constant 16 : i32
            %add3A_313 = arith.addi %mul3A_311, %add3A_312 : i32
            %swap3A_314 = arith.index_cast %add3A_313 : i32 to index
            %swap3A_315 = tpu.vector_load %arg8[%swap3A_314] {strides = array<i32>} : memref<16384xf32, #tpu.memory_space<vmem>>, vector<16xf32>,
            %swap3A_316 = vector.shape_cast %swap3A_315 : vector<16xf32> to vector<16xf32>
            %swap3A_317 = vector.shape_cast %get3A_244 : vector<16xf32> to vector<16xf32>
            tpu.vector_store %arg8[%swap3A_314], %swap3A_317 {strides = array<i32>} : memref<16384xf32, #tpu.memory_space<vmem>>, vector<16xf32>,
          }
          %while3A_259 = arith.constant 1 : i32
          scf.for %while3A_288 = %while3A_257 to %while3A_253 step %while3A_259  : i32 {
            %sub3A_289 = arith.subi %scan3A_220, %add3A_98 : i32
            %add3A_290 = arith.addi %sub3A_289, %while3A_288 : i32
            %get3A_291 = arith.constant 0 : index
            %get3A_292 = tpu.vector_load %arg11[%get3A_291] {strides = array<i32>} : memref<16xf32, #tpu.memory_space<vmem>>, vector<16xf32>,
            %get3A_293 = vector.shape_cast %get3A_292 : vector<16xf32> to vector<16xf32>
            %mul3A_294 = arith.constant 16 : i32
            %mul3A_295 = arith.muli %add3A_290, %mul3A_294 : i32
            %get3A_296 = arith.index_cast %mul3A_295 : i32 to index
            %get3A_297 = tpu.vector_load %arg7[%get3A_296] {strides = array<i32>} : memref<8192xf32, #tpu.memory_space<vmem>>, vector<16xf32>,
            %get3A_298 = vector.shape_cast %get3A_297 : vector<16xf32> to vector<16xf32>
            %add3A_299 = arith.addf %get3A_293, %get3A_298 : vector<16xf32>
            %swap3A_300 = arith.constant 0 : index
            %swap3A_301 = tpu.vector_load %arg11[%swap3A_300] {strides = array<i32>} : memref<16xf32, #tpu.memory_space<vmem>>, vector<16xf32>,
            %swap3A_302 = vector.shape_cast %swap3A_301 : vector<16xf32> to vector<16xf32>
            %swap3A_303 = vector.shape_cast %add3A_299 : vector<16xf32> to vector<16xf32>
            tpu.vector_store %arg11[%swap3A_300], %swap3A_303 {strides = array<i32>} : memref<16xf32, #tpu.memory_space<vmem>>, vector<16xf32>,
            %mul3A_304 = arith.constant 32 : i32
            %mul3A_305 = arith.muli %add3A_290, %mul3A_304 : i32
            %swap3A_306 = arith.index_cast %mul3A_305 : i32 to index
            %swap3A_307 = tpu.vector_load %arg8[%swap3A_306] {strides = array<i32>} : memref<16384xf32, #tpu.memory_space<vmem>>, vector<16xf32>,
            %swap3A_308 = vector.shape_cast %swap3A_307 : vector<16xf32> to vector<16xf32>
            %swap3A_309 = vector.shape_cast %get3A_237 : vector<16xf32> to vector<16xf32>
            tpu.vector_store %arg8[%swap3A_306], %swap3A_309 {strides = array<i32>} : memref<16384xf32, #tpu.memory_space<vmem>>, vector<16xf32>,
            %mul3A_310 = arith.constant 32 : i32
            %mul3A_311 = arith.muli %add3A_290, %mul3A_310 : i32
            %add3A_312 = arith.constant 16 : i32
            %add3A_313 = arith.addi %mul3A_311, %add3A_312 : i32
            %swap3A_314 = arith.index_cast %add3A_313 : i32 to index
            %swap3A_315 = tpu.vector_load %arg8[%swap3A_314] {strides = array<i32>} : memref<16384xf32, #tpu.memory_space<vmem>>, vector<16xf32>,
            %swap3A_316 = vector.shape_cast %swap3A_315 : vector<16xf32> to vector<16xf32>
            %swap3A_317 = vector.shape_cast %get3A_244 : vector<16xf32> to vector<16xf32>
            tpu.vector_store %arg8[%swap3A_314], %swap3A_317 {strides = array<i32>} : memref<16384xf32, #tpu.memory_space<vmem>>, vector<16xf32>,
          }
          %add3A_260 = arith.addi %scan3A_220, %select_n3A_249 : i32
          %eq3A = arith.cmpi eq, %add3A_260, %squeeze3A_232 : i32
          %and3A_261 = arith.andi %lt3A, %eq3A : i1
          %jit3A_262 = arith.constant 125 : i32
          %select_n3A_263 = arith.select %and3A_261, %min3A_224, %jit3A_262 : i32
          %get3A_264 = arith.constant 0 : index
          %get3A_265 = tpu.vector_load %arg11[%get3A_264] {strides = array<i32>} : memref<16xf32, #tpu.memory_space<vmem>>, vector<16xf32>,
          %get3A_266 = vector.shape_cast %get3A_265 : vector<16xf32> to vector<16xf32>
          %mul3A_267 = arith.constant 16 : i32
          %mul3A_268 = arith.muli %select_n3A_263, %mul3A_267 : i32
          %swap3A_269 = arith.index_cast %mul3A_268 : i32 to index
          %swap3A_270 = tpu.vector_load %arg10[%swap3A_269] {strides = array<i32>} : memref<2016xf32, #tpu.memory_space<vmem>>, vector<16xf32>,
          %swap3A_271 = vector.shape_cast %swap3A_270 : vector<16xf32> to vector<16xf32>
          %swap3A_272 = vector.shape_cast %get3A_266 : vector<16xf32> to vector<16xf32>
          tpu.vector_store %arg10[%swap3A_269], %swap3A_272 {strides = array<i32>} : memref<2016xf32, #tpu.memory_space<vmem>>, vector<16xf32>,
          %get3A_273 = arith.constant 0 : index
          %get3A_274 = tpu.vector_load %arg11[%get3A_273] {strides = array<i32>} : memref<16xf32, #tpu.memory_space<vmem>>, vector<16xf32>,
          %get3A_275 = vector.shape_cast %get3A_274 : vector<16xf32> to vector<16xf32>
          %jit3A_276 = arith.constant 0.000000e+00 : f32
          %jit3A_277 = arith.constant 1.000000e+00 : f32
          %select_n3A_278 = arith.select %and3A_261, %jit3A_276, %jit3A_277 : f32
          %mul3A_279 = vector.broadcast %select_n3A_278 : f32 to vector<16xf32>
          %mul3A_280 = arith.mulf %get3A_275, %mul3A_279 : vector<16xf32>
          %swap3A_281 = arith.constant 0 : index
          %swap3A_282 = tpu.vector_load %arg11[%swap3A_281] {strides = array<i32>} : memref<16xf32, #tpu.memory_space<vmem>>, vector<16xf32>,
          %swap3A_283 = vector.shape_cast %swap3A_282 : vector<16xf32> to vector<16xf32>
          %swap3A_284 = vector.shape_cast %mul3A_280 : vector<16xf32> to vector<16xf32>
          tpu.vector_store %arg11[%swap3A_281], %swap3A_284 {strides = array<i32>} : memref<16xf32, #tpu.memory_space<vmem>>, vector<16xf32>,
          %add3A_285 = arith.constant 1 : i32
          %add3A_286 = arith.addi %scan3A_221, %add3A_285 : i32
          %select_n3A_287 = arith.select %and3A_261, %add3A_286, %scan3A_221 : i32
          scf.yield %add3A_260, %select_n3A_287 : i32, i32
        }
        %scan3A_108 = arith.constant 126 : i32
        %sub3A_109 = arith.subi %min3A, %add3A_98 : i32
        %and3A_110 = arith.constant 512 : i32
        %and3A_111 = arith.andi %sub3A_109, %and3A_110 : i32
        %ne3A_112 = arith.constant 0 : i32
        %ne3A_113 = arith.cmpi ne, %and3A_111, %ne3A_112 : i32
        %convert_element_type3A = arith.extui %ne3A_113 : i1 to i32
        %cond3A = arith.constant 0 : i32
        %cond3A_114 = arith.cmpi ne, %convert_element_type3A, %cond3A : i32
        scf.if %cond3A_114 {
          %add3A_219 = arith.constant 0 : i32
          %add3A_220 = arith.addi %add3A_98, %add3A_219 : i32
          %mul3A_221 = arith.constant 32 : i32
          %mul3A_222 = arith.muli %add3A_220, %mul3A_221 : i32
          "tpu.region"() ({
            %run_scoped3A = tpu.sem_alloc : memref<!tpu.dma_semaphore, #tpu.memory_space<semaphore_mem>>
            %dma_start3A = arith.constant 0 : i32
            %dma_start3A_223 = tpu.memref_slice %arg8[%dma_start3A] : memref<16384xf32, #tpu.memory_space<vmem>> -> memref<16384xf32, #tpu.memory_space<vmem>>
            %dma_start3A_224 = tpu.memref_slice %arg6[%mul3A_222] : memref<51200000xf32, #tpu.memory_space<hbm>> -> memref<16384xf32, #tpu.memory_space<hbm>>
            %dma_start3A_225 = tpu.memref_slice %arg6[%mul3A_222] : memref<51200000xf32, #tpu.memory_space<hbm>> -> memref<16384xf32, #tpu.memory_space<hbm>>
            %dma_start3A_226 = arith.constant 0 : i32
            %dma_start3A_227 = tpu.memref_slice %arg8[%dma_start3A_226] : memref<16384xf32, #tpu.memory_space<vmem>> -> memref<16384xf32, #tpu.memory_space<vmem>>
            tpu.enqueue_dma source(%dma_start3A_227 : memref<16384xf32, #tpu.memory_space<vmem>>) target(%dma_start3A_225 : memref<16384xf32, #tpu.memory_space<hbm>>) target_semaphore(%run_scoped3A : memref<!tpu.dma_semaphore, #tpu.memory_space<semaphore_mem>>)
            %dma_wait3A = arith.constant 0 : i32
            %dma_wait3A_228 = tpu.memref_slice %arg8[%dma_wait3A] : memref<16384xf32, #tpu.memory_space<vmem>> -> memref<16384xf32, #tpu.memory_space<vmem>>
            %dma_wait3A_229 = tpu.memref_slice %arg6[%mul3A_222] : memref<51200000xf32, #tpu.memory_space<hbm>> -> memref<16384xf32, #tpu.memory_space<hbm>>
            %dma_wait3A_230 = tpu.memref_slice %arg6[%mul3A_222] : memref<51200000xf32, #tpu.memory_space<hbm>> -> memref<16384xf32, #tpu.memory_space<hbm>>
            %dma_wait3A_231 = arith.constant 0 : i32
            %dma_wait3A_232 = tpu.memref_slice %arg8[%dma_wait3A_231] : memref<16384xf32, #tpu.memory_space<vmem>> -> memref<16384xf32, #tpu.memory_space<vmem>>
            tpu.wait_dma2 semaphore(%run_scoped3A : memref<!tpu.dma_semaphore, #tpu.memory_space<semaphore_mem>>) src(%dma_wait3A_232 : memref<16384xf32, #tpu.memory_space<vmem>>) dst(%dma_wait3A_230 : memref<16384xf32, #tpu.memory_space<hbm>>)
            tpu.yield
          }) : () -> ()
        } else {
        }
        %jit3A_115 = arith.constant 512 : i32
        %jit3A_116 = arith.constant 0 : i32
        %select_n3A_117 = arith.select %ne3A_113, %jit3A_115, %jit3A_116 : i32
        %add3A_118 = arith.constant 0 : i32
        %add3A_119 = arith.addi %add3A_118, %select_n3A_117 : i32
        %and3A_120 = arith.constant 256 : i32
        %and3A_121 = arith.andi %sub3A_109, %and3A_120 : i32
        %ne3A_122 = arith.constant 0 : i32
        %ne3A_123 = arith.cmpi ne, %and3A_121, %ne3A_122 : i32
        %convert_element_type3A_124 = arith.extui %ne3A_123 : i1 to i32
        %cond3A_125 = arith.constant 0 : i32
        %cond3A_126 = arith.cmpi ne, %convert_element_type3A_124, %cond3A_125 : i32
        scf.if %cond3A_126 {
          %mul3A_219 = arith.constant 32 : i32
          %mul3A_220 = arith.muli %add3A_119, %mul3A_219 : i32
          %add3A_221 = arith.addi %add3A_98, %add3A_119 : i32
          %mul3A_222 = arith.constant 32 : i32
          %mul3A_223 = arith.muli %add3A_221, %mul3A_222 : i32
          "tpu.region"() ({
            %run_scoped3A = tpu.sem_alloc : memref<!tpu.dma_semaphore, #tpu.memory_space<semaphore_mem>>
            %dma_start3A = tpu.memref_slice %arg8[%mul3A_220] : memref<16384xf32, #tpu.memory_space<vmem>> -> memref<8192xf32, #tpu.memory_space<vmem>>
            %dma_start3A_224 = tpu.memref_slice %arg6[%mul3A_223] : memref<51200000xf32, #tpu.memory_space<hbm>> -> memref<8192xf32, #tpu.memory_space<hbm>>
            %dma_start3A_225 = tpu.memref_slice %arg6[%mul3A_223] : memref<51200000xf32, #tpu.memory_space<hbm>> -> memref<8192xf32, #tpu.memory_space<hbm>>
            %dma_start3A_226 = tpu.memref_slice %arg8[%mul3A_220] : memref<16384xf32, #tpu.memory_space<vmem>> -> memref<8192xf32, #tpu.memory_space<vmem>>
            tpu.enqueue_dma source(%dma_start3A_226 : memref<8192xf32, #tpu.memory_space<vmem>>) target(%dma_start3A_225 : memref<8192xf32, #tpu.memory_space<hbm>>) target_semaphore(%run_scoped3A : memref<!tpu.dma_semaphore, #tpu.memory_space<semaphore_mem>>)
            %dma_wait3A = tpu.memref_slice %arg8[%mul3A_220] : memref<16384xf32, #tpu.memory_space<vmem>> -> memref<8192xf32, #tpu.memory_space<vmem>>
            %dma_wait3A_227 = tpu.memref_slice %arg6[%mul3A_223] : memref<51200000xf32, #tpu.memory_space<hbm>> -> memref<8192xf32, #tpu.memory_space<hbm>>
            %dma_wait3A_228 = tpu.memref_slice %arg6[%mul3A_223] : memref<51200000xf32, #tpu.memory_space<hbm>> -> memref<8192xf32, #tpu.memory_space<hbm>>
            %dma_wait3A_229 = tpu.memref_slice %arg8[%mul3A_220] : memref<16384xf32, #tpu.memory_space<vmem>> -> memref<8192xf32, #tpu.memory_space<vmem>>
            tpu.wait_dma2 semaphore(%run_scoped3A : memref<!tpu.dma_semaphore, #tpu.memory_space<semaphore_mem>>) src(%dma_wait3A_229 : memref<8192xf32, #tpu.memory_space<vmem>>) dst(%dma_wait3A_228 : memref<8192xf32, #tpu.memory_space<hbm>>)
            tpu.yield
          }) : () -> ()
        } else {
        }
        %jit3A_127 = arith.constant 256 : i32
        %jit3A_128 = arith.constant 0 : i32
        %select_n3A_129 = arith.select %ne3A_123, %jit3A_127, %jit3A_128 : i32
        %add3A_130 = arith.addi %add3A_119, %select_n3A_129 : i32
        %and3A_131 = arith.constant 128 : i32
        %and3A_132 = arith.andi %sub3A_109, %and3A_131 : i32
        %ne3A_133 = arith.constant 0 : i32
        %ne3A_134 = arith.cmpi ne, %and3A_132, %ne3A_133 : i32
        %convert_element_type3A_135 = arith.extui %ne3A_134 : i1 to i32
        %cond3A_136 = arith.constant 0 : i32
        %cond3A_137 = arith.cmpi ne, %convert_element_type3A_135, %cond3A_136 : i32
        scf.if %cond3A_137 {
          %mul3A_219 = arith.constant 32 : i32
          %mul3A_220 = arith.muli %add3A_130, %mul3A_219 : i32
          %add3A_221 = arith.addi %add3A_98, %add3A_130 : i32
          %mul3A_222 = arith.constant 32 : i32
          %mul3A_223 = arith.muli %add3A_221, %mul3A_222 : i32
          "tpu.region"() ({
            %run_scoped3A = tpu.sem_alloc : memref<!tpu.dma_semaphore, #tpu.memory_space<semaphore_mem>>
            %dma_start3A = tpu.memref_slice %arg8[%mul3A_220] : memref<16384xf32, #tpu.memory_space<vmem>> -> memref<4096xf32, #tpu.memory_space<vmem>>
            %dma_start3A_224 = tpu.memref_slice %arg6[%mul3A_223] : memref<51200000xf32, #tpu.memory_space<hbm>> -> memref<4096xf32, #tpu.memory_space<hbm>>
            %dma_start3A_225 = tpu.memref_slice %arg6[%mul3A_223] : memref<51200000xf32, #tpu.memory_space<hbm>> -> memref<4096xf32, #tpu.memory_space<hbm>>
            %dma_start3A_226 = tpu.memref_slice %arg8[%mul3A_220] : memref<16384xf32, #tpu.memory_space<vmem>> -> memref<4096xf32, #tpu.memory_space<vmem>>
            tpu.enqueue_dma source(%dma_start3A_226 : memref<4096xf32, #tpu.memory_space<vmem>>) target(%dma_start3A_225 : memref<4096xf32, #tpu.memory_space<hbm>>) target_semaphore(%run_scoped3A : memref<!tpu.dma_semaphore, #tpu.memory_space<semaphore_mem>>)
            %dma_wait3A = tpu.memref_slice %arg8[%mul3A_220] : memref<16384xf32, #tpu.memory_space<vmem>> -> memref<4096xf32, #tpu.memory_space<vmem>>
            %dma_wait3A_227 = tpu.memref_slice %arg6[%mul3A_223] : memref<51200000xf32, #tpu.memory_space<hbm>> -> memref<4096xf32, #tpu.memory_space<hbm>>
            %dma_wait3A_228 = tpu.memref_slice %arg6[%mul3A_223] : memref<51200000xf32, #tpu.memory_space<hbm>> -> memref<4096xf32, #tpu.memory_space<hbm>>
            %dma_wait3A_229 = tpu.memref_slice %arg8[%mul3A_220] : memref<16384xf32, #tpu.memory_space<vmem>> -> memref<4096xf32, #tpu.memory_space<vmem>>
            tpu.wait_dma2 semaphore(%run_scoped3A : memref<!tpu.dma_semaphore, #tpu.memory_space<semaphore_mem>>) src(%dma_wait3A_229 : memref<4096xf32, #tpu.memory_space<vmem>>) dst(%dma_wait3A_228 : memref<4096xf32, #tpu.memory_space<hbm>>)
            tpu.yield
          }) : () -> ()
        } else {
        }
        %jit3A_138 = arith.constant 128 : i32
        %jit3A_139 = arith.constant 0 : i32
        %select_n3A_140 = arith.select %ne3A_134, %jit3A_138, %jit3A_139 : i32
        %add3A_141 = arith.addi %add3A_130, %select_n3A_140 : i32
        %and3A_142 = arith.constant 64 : i32
        %and3A_143 = arith.andi %sub3A_109, %and3A_142 : i32
        %ne3A_144 = arith.constant 0 : i32
        %ne3A_145 = arith.cmpi ne, %and3A_143, %ne3A_144 : i32
        %convert_element_type3A_146 = arith.extui %ne3A_145 : i1 to i32
        %cond3A_147 = arith.constant 0 : i32
        %cond3A_148 = arith.cmpi ne, %convert_element_type3A_146, %cond3A_147 : i32
        scf.if %cond3A_148 {
          %mul3A_219 = arith.constant 32 : i32
          %mul3A_220 = arith.muli %add3A_141, %mul3A_219 : i32
          %add3A_221 = arith.addi %add3A_98, %add3A_141 : i32
          %mul3A_222 = arith.constant 32 : i32
          %mul3A_223 = arith.muli %add3A_221, %mul3A_222 : i32
          "tpu.region"() ({
            %run_scoped3A = tpu.sem_alloc : memref<!tpu.dma_semaphore, #tpu.memory_space<semaphore_mem>>
            %dma_start3A = tpu.memref_slice %arg8[%mul3A_220] : memref<16384xf32, #tpu.memory_space<vmem>> -> memref<2048xf32, #tpu.memory_space<vmem>>
            %dma_start3A_224 = tpu.memref_slice %arg6[%mul3A_223] : memref<51200000xf32, #tpu.memory_space<hbm>> -> memref<2048xf32, #tpu.memory_space<hbm>>
            %dma_start3A_225 = tpu.memref_slice %arg6[%mul3A_223] : memref<51200000xf32, #tpu.memory_space<hbm>> -> memref<2048xf32, #tpu.memory_space<hbm>>
            %dma_start3A_226 = tpu.memref_slice %arg8[%mul3A_220] : memref<16384xf32, #tpu.memory_space<vmem>> -> memref<2048xf32, #tpu.memory_space<vmem>>
            tpu.enqueue_dma source(%dma_start3A_226 : memref<2048xf32, #tpu.memory_space<vmem>>) target(%dma_start3A_225 : memref<2048xf32, #tpu.memory_space<hbm>>) target_semaphore(%run_scoped3A : memref<!tpu.dma_semaphore, #tpu.memory_space<semaphore_mem>>)
            %dma_wait3A = tpu.memref_slice %arg8[%mul3A_220] : memref<16384xf32, #tpu.memory_space<vmem>> -> memref<2048xf32, #tpu.memory_space<vmem>>
            %dma_wait3A_227 = tpu.memref_slice %arg6[%mul3A_223] : memref<51200000xf32, #tpu.memory_space<hbm>> -> memref<2048xf32, #tpu.memory_space<hbm>>
            %dma_wait3A_228 = tpu.memref_slice %arg6[%mul3A_223] : memref<51200000xf32, #tpu.memory_space<hbm>> -> memref<2048xf32, #tpu.memory_space<hbm>>
            %dma_wait3A_229 = tpu.memref_slice %arg8[%mul3A_220] : memref<16384xf32, #tpu.memory_space<vmem>> -> memref<2048xf32, #tpu.memory_space<vmem>>
            tpu.wait_dma2 semaphore(%run_scoped3A : memref<!tpu.dma_semaphore, #tpu.memory_space<semaphore_mem>>) src(%dma_wait3A_229 : memref<2048xf32, #tpu.memory_space<vmem>>) dst(%dma_wait3A_228 : memref<2048xf32, #tpu.memory_space<hbm>>)
            tpu.yield
          }) : () -> ()
        } else {
        }
        %jit3A_149 = arith.constant 64 : i32
        %jit3A_150 = arith.constant 0 : i32
        %select_n3A_151 = arith.select %ne3A_145, %jit3A_149, %jit3A_150 : i32
        %add3A_152 = arith.addi %add3A_141, %select_n3A_151 : i32
        %and3A_153 = arith.constant 32 : i32
        %and3A_154 = arith.andi %sub3A_109, %and3A_153 : i32
        %ne3A_155 = arith.constant 0 : i32
        %ne3A_156 = arith.cmpi ne, %and3A_154, %ne3A_155 : i32
        %convert_element_type3A_157 = arith.extui %ne3A_156 : i1 to i32
        %cond3A_158 = arith.constant 0 : i32
        %cond3A_159 = arith.cmpi ne, %convert_element_type3A_157, %cond3A_158 : i32
        scf.if %cond3A_159 {
          %mul3A_219 = arith.constant 32 : i32
          %mul3A_220 = arith.muli %add3A_152, %mul3A_219 : i32
          %add3A_221 = arith.addi %add3A_98, %add3A_152 : i32
          %mul3A_222 = arith.constant 32 : i32
          %mul3A_223 = arith.muli %add3A_221, %mul3A_222 : i32
          "tpu.region"() ({
            %run_scoped3A = tpu.sem_alloc : memref<!tpu.dma_semaphore, #tpu.memory_space<semaphore_mem>>
            %dma_start3A = tpu.memref_slice %arg8[%mul3A_220] : memref<16384xf32, #tpu.memory_space<vmem>> -> memref<1024xf32, #tpu.memory_space<vmem>>
            %dma_start3A_224 = tpu.memref_slice %arg6[%mul3A_223] : memref<51200000xf32, #tpu.memory_space<hbm>> -> memref<1024xf32, #tpu.memory_space<hbm>>
            %dma_start3A_225 = tpu.memref_slice %arg6[%mul3A_223] : memref<51200000xf32, #tpu.memory_space<hbm>> -> memref<1024xf32, #tpu.memory_space<hbm>>
            %dma_start3A_226 = tpu.memref_slice %arg8[%mul3A_220] : memref<16384xf32, #tpu.memory_space<vmem>> -> memref<1024xf32, #tpu.memory_space<vmem>>
            tpu.enqueue_dma source(%dma_start3A_226 : memref<1024xf32, #tpu.memory_space<vmem>>) target(%dma_start3A_225 : memref<1024xf32, #tpu.memory_space<hbm>>) target_semaphore(%run_scoped3A : memref<!tpu.dma_semaphore, #tpu.memory_space<semaphore_mem>>)
            %dma_wait3A = tpu.memref_slice %arg8[%mul3A_220] : memref<16384xf32, #tpu.memory_space<vmem>> -> memref<1024xf32, #tpu.memory_space<vmem>>
            %dma_wait3A_227 = tpu.memref_slice %arg6[%mul3A_223] : memref<51200000xf32, #tpu.memory_space<hbm>> -> memref<1024xf32, #tpu.memory_space<hbm>>
            %dma_wait3A_228 = tpu.memref_slice %arg6[%mul3A_223] : memref<51200000xf32, #tpu.memory_space<hbm>> -> memref<1024xf32, #tpu.memory_space<hbm>>
            %dma_wait3A_229 = tpu.memref_slice %arg8[%mul3A_220] : memref<16384xf32, #tpu.memory_space<vmem>> -> memref<1024xf32, #tpu.memory_space<vmem>>
            tpu.wait_dma2 semaphore(%run_scoped3A : memref<!tpu.dma_semaphore, #tpu.memory_space<semaphore_mem>>) src(%dma_wait3A_229 : memref<1024xf32, #tpu.memory_space<vmem>>) dst(%dma_wait3A_228 : memref<1024xf32, #tpu.memory_space<hbm>>)
            tpu.yield
          }) : () -> ()
        } else {
        }
        %jit3A_160 = arith.constant 32 : i32
        %jit3A_161 = arith.constant 0 : i32
        %select_n3A_162 = arith.select %ne3A_156, %jit3A_160, %jit3A_161 : i32
        %add3A_163 = arith.addi %add3A_152, %select_n3A_162 : i32
        %and3A_164 = arith.constant 16 : i32
        %and3A_165 = arith.andi %sub3A_109, %and3A_164 : i32
        %ne3A_166 = arith.constant 0 : i32
        %ne3A_167 = arith.cmpi ne, %and3A_165, %ne3A_166 : i32
        %convert_element_type3A_168 = arith.extui %ne3A_167 : i1 to i32
        %cond3A_169 = arith.constant 0 : i32
        %cond3A_170 = arith.cmpi ne, %convert_element_type3A_168, %cond3A_169 : i32
        scf.if %cond3A_170 {
          %mul3A_219 = arith.constant 32 : i32
          %mul3A_220 = arith.muli %add3A_163, %mul3A_219 : i32
          %add3A_221 = arith.addi %add3A_98, %add3A_163 : i32
          %mul3A_222 = arith.constant 32 : i32
          %mul3A_223 = arith.muli %add3A_221, %mul3A_222 : i32
          "tpu.region"() ({
            %run_scoped3A = tpu.sem_alloc : memref<!tpu.dma_semaphore, #tpu.memory_space<semaphore_mem>>
            %dma_start3A = tpu.memref_slice %arg8[%mul3A_220] : memref<16384xf32, #tpu.memory_space<vmem>> -> memref<512xf32, #tpu.memory_space<vmem>>
            %dma_start3A_224 = tpu.memref_slice %arg6[%mul3A_223] : memref<51200000xf32, #tpu.memory_space<hbm>> -> memref<512xf32, #tpu.memory_space<hbm>>
            %dma_start3A_225 = tpu.memref_slice %arg6[%mul3A_223] : memref<51200000xf32, #tpu.memory_space<hbm>> -> memref<512xf32, #tpu.memory_space<hbm>>
            %dma_start3A_226 = tpu.memref_slice %arg8[%mul3A_220] : memref<16384xf32, #tpu.memory_space<vmem>> -> memref<512xf32, #tpu.memory_space<vmem>>
            tpu.enqueue_dma source(%dma_start3A_226 : memref<512xf32, #tpu.memory_space<vmem>>) target(%dma_start3A_225 : memref<512xf32, #tpu.memory_space<hbm>>) target_semaphore(%run_scoped3A : memref<!tpu.dma_semaphore, #tpu.memory_space<semaphore_mem>>)
            %dma_wait3A = tpu.memref_slice %arg8[%mul3A_220] : memref<16384xf32, #tpu.memory_space<vmem>> -> memref<512xf32, #tpu.memory_space<vmem>>
            %dma_wait3A_227 = tpu.memref_slice %arg6[%mul3A_223] : memref<51200000xf32, #tpu.memory_space<hbm>> -> memref<512xf32, #tpu.memory_space<hbm>>
            %dma_wait3A_228 = tpu.memref_slice %arg6[%mul3A_223] : memref<51200000xf32, #tpu.memory_space<hbm>> -> memref<512xf32, #tpu.memory_space<hbm>>
            %dma_wait3A_229 = tpu.memref_slice %arg8[%mul3A_220] : memref<16384xf32, #tpu.memory_space<vmem>> -> memref<512xf32, #tpu.memory_space<vmem>>
            tpu.wait_dma2 semaphore(%run_scoped3A : memref<!tpu.dma_semaphore, #tpu.memory_space<semaphore_mem>>) src(%dma_wait3A_229 : memref<512xf32, #tpu.memory_space<vmem>>) dst(%dma_wait3A_228 : memref<512xf32, #tpu.memory_space<hbm>>)
            tpu.yield
          }) : () -> ()
        } else {
        }
        %jit3A_171 = arith.constant 16 : i32
        %jit3A_172 = arith.constant 0 : i32
        %select_n3A_173 = arith.select %ne3A_167, %jit3A_171, %jit3A_172 : i32
        %add3A_174 = arith.addi %add3A_163, %select_n3A_173 : i32
        %and3A_175 = arith.constant 8 : i32
        %and3A_176 = arith.andi %sub3A_109, %and3A_175 : i32
        %ne3A_177 = arith.constant 0 : i32
        %ne3A_178 = arith.cmpi ne, %and3A_176, %ne3A_177 : i32
        %convert_element_type3A_179 = arith.extui %ne3A_178 : i1 to i32
        %cond3A_180 = arith.constant 0 : i32
        %cond3A_181 = arith.cmpi ne, %convert_element_type3A_179, %cond3A_180 : i32
        scf.if %cond3A_181 {
          %mul3A_219 = arith.constant 32 : i32
          %mul3A_220 = arith.muli %add3A_174, %mul3A_219 : i32
          %add3A_221 = arith.addi %add3A_98, %add3A_174 : i32
          %mul3A_222 = arith.constant 32 : i32
          %mul3A_223 = arith.muli %add3A_221, %mul3A_222 : i32
          "tpu.region"() ({
            %run_scoped3A = tpu.sem_alloc : memref<!tpu.dma_semaphore, #tpu.memory_space<semaphore_mem>>
            %dma_start3A = tpu.memref_slice %arg8[%mul3A_220] : memref<16384xf32, #tpu.memory_space<vmem>> -> memref<256xf32, #tpu.memory_space<vmem>>
            %dma_start3A_224 = tpu.memref_slice %arg6[%mul3A_223] : memref<51200000xf32, #tpu.memory_space<hbm>> -> memref<256xf32, #tpu.memory_space<hbm>>
            %dma_start3A_225 = tpu.memref_slice %arg6[%mul3A_223] : memref<51200000xf32, #tpu.memory_space<hbm>> -> memref<256xf32, #tpu.memory_space<hbm>>
            %dma_start3A_226 = tpu.memref_slice %arg8[%mul3A_220] : memref<16384xf32, #tpu.memory_space<vmem>> -> memref<256xf32, #tpu.memory_space<vmem>>
            tpu.enqueue_dma source(%dma_start3A_226 : memref<256xf32, #tpu.memory_space<vmem>>) target(%dma_start3A_225 : memref<256xf32, #tpu.memory_space<hbm>>) target_semaphore(%run_scoped3A : memref<!tpu.dma_semaphore, #tpu.memory_space<semaphore_mem>>)
            %dma_wait3A = tpu.memref_slice %arg8[%mul3A_220] : memref<16384xf32, #tpu.memory_space<vmem>> -> memref<256xf32, #tpu.memory_space<vmem>>
            %dma_wait3A_227 = tpu.memref_slice %arg6[%mul3A_223] : memref<51200000xf32, #tpu.memory_space<hbm>> -> memref<256xf32, #tpu.memory_space<hbm>>
            %dma_wait3A_228 = tpu.memref_slice %arg6[%mul3A_223] : memref<51200000xf32, #tpu.memory_space<hbm>> -> memref<256xf32, #tpu.memory_space<hbm>>
            %dma_wait3A_229 = tpu.memref_slice %arg8[%mul3A_220] : memref<16384xf32, #tpu.memory_space<vmem>> -> memref<256xf32, #tpu.memory_space<vmem>>
            tpu.wait_dma2 semaphore(%run_scoped3A : memref<!tpu.dma_semaphore, #tpu.memory_space<semaphore_mem>>) src(%dma_wait3A_229 : memref<256xf32, #tpu.memory_space<vmem>>) dst(%dma_wait3A_228 : memref<256xf32, #tpu.memory_space<hbm>>)
            tpu.yield
          }) : () -> ()
        } else {
        }
        %jit3A_182 = arith.constant 8 : i32
        %jit3A_183 = arith.constant 0 : i32
        %select_n3A_184 = arith.select %ne3A_178, %jit3A_182, %jit3A_183 : i32
        %add3A_185 = arith.addi %add3A_174, %select_n3A_184 : i32
        %and3A_186 = arith.constant 4 : i32
        %and3A_187 = arith.andi %sub3A_109, %and3A_186 : i32
        %ne3A_188 = arith.constant 0 : i32
        %ne3A_189 = arith.cmpi ne, %and3A_187, %ne3A_188 : i32
        %convert_element_type3A_190 = arith.extui %ne3A_189 : i1 to i32
        %cond3A_191 = arith.constant 0 : i32
        %cond3A_192 = arith.cmpi ne, %convert_element_type3A_190, %cond3A_191 : i32
        scf.if %cond3A_192 {
          %mul3A_219 = arith.constant 32 : i32
          %mul3A_220 = arith.muli %add3A_185, %mul3A_219 : i32
          %add3A_221 = arith.addi %add3A_98, %add3A_185 : i32
          %mul3A_222 = arith.constant 32 : i32
          %mul3A_223 = arith.muli %add3A_221, %mul3A_222 : i32
          "tpu.region"() ({
            %run_scoped3A = tpu.sem_alloc : memref<!tpu.dma_semaphore, #tpu.memory_space<semaphore_mem>>
            %dma_start3A = tpu.memref_slice %arg8[%mul3A_220] : memref<16384xf32, #tpu.memory_space<vmem>> -> memref<128xf32, #tpu.memory_space<vmem>>
            %dma_start3A_224 = tpu.memref_slice %arg6[%mul3A_223] : memref<51200000xf32, #tpu.memory_space<hbm>> -> memref<128xf32, #tpu.memory_space<hbm>>
            %dma_start3A_225 = tpu.memref_slice %arg6[%mul3A_223] : memref<51200000xf32, #tpu.memory_space<hbm>> -> memref<128xf32, #tpu.memory_space<hbm>>
            %dma_start3A_226 = tpu.memref_slice %arg8[%mul3A_220] : memref<16384xf32, #tpu.memory_space<vmem>> -> memref<128xf32, #tpu.memory_space<vmem>>
            tpu.enqueue_dma source(%dma_start3A_226 : memref<128xf32, #tpu.memory_space<vmem>>) target(%dma_start3A_225 : memref<128xf32, #tpu.memory_space<hbm>>) target_semaphore(%run_scoped3A : memref<!tpu.dma_semaphore, #tpu.memory_space<semaphore_mem>>)
            %dma_wait3A = tpu.memref_slice %arg8[%mul3A_220] : memref<16384xf32, #tpu.memory_space<vmem>> -> memref<128xf32, #tpu.memory_space<vmem>>
            %dma_wait3A_227 = tpu.memref_slice %arg6[%mul3A_223] : memref<51200000xf32, #tpu.memory_space<hbm>> -> memref<128xf32, #tpu.memory_space<hbm>>
            %dma_wait3A_228 = tpu.memref_slice %arg6[%mul3A_223] : memref<51200000xf32, #tpu.memory_space<hbm>> -> memref<128xf32, #tpu.memory_space<hbm>>
            %dma_wait3A_229 = tpu.memref_slice %arg8[%mul3A_220] : memref<16384xf32, #tpu.memory_space<vmem>> -> memref<128xf32, #tpu.memory_space<vmem>>
            tpu.wait_dma2 semaphore(%run_scoped3A : memref<!tpu.dma_semaphore, #tpu.memory_space<semaphore_mem>>) src(%dma_wait3A_229 : memref<128xf32, #tpu.memory_space<vmem>>) dst(%dma_wait3A_228 : memref<128xf32, #tpu.memory_space<hbm>>)
            tpu.yield
          }) : () -> ()
        } else {
        }
        %jit3A_193 = arith.constant 4 : i32
        %jit3A_194 = arith.constant 0 : i32
        %select_n3A_195 = arith.select %ne3A_189, %jit3A_193, %jit3A_194 : i32
        %add3A_196 = arith.addi %add3A_185, %select_n3A_195 : i32
        %and3A_197 = arith.constant 2 : i32
        %and3A_198 = arith.andi %sub3A_109, %and3A_197 : i32
        %ne3A_199 = arith.constant 0 : i32
        %ne3A_200 = arith.cmpi ne, %and3A_198, %ne3A_199 : i32
        %convert_element_type3A_201 = arith.extui %ne3A_200 : i1 to i32
        %cond3A_202 = arith.constant 0 : i32
        %cond3A_203 = arith.cmpi ne, %convert_element_type3A_201, %cond3A_202 : i32
        scf.if %cond3A_203 {
          %mul3A_219 = arith.constant 32 : i32
          %mul3A_220 = arith.muli %add3A_196, %mul3A_219 : i32
          %add3A_221 = arith.addi %add3A_98, %add3A_196 : i32
          %mul3A_222 = arith.constant 32 : i32
          %mul3A_223 = arith.muli %add3A_221, %mul3A_222 : i32
          "tpu.region"() ({
            %run_scoped3A = tpu.sem_alloc : memref<!tpu.dma_semaphore, #tpu.memory_space<semaphore_mem>>
            %dma_start3A = tpu.memref_slice %arg8[%mul3A_220] : memref<16384xf32, #tpu.memory_space<vmem>> -> memref<64xf32, #tpu.memory_space<vmem>>
            %dma_start3A_224 = tpu.memref_slice %arg6[%mul3A_223] : memref<51200000xf32, #tpu.memory_space<hbm>> -> memref<64xf32, #tpu.memory_space<hbm>>
            %dma_start3A_225 = tpu.memref_slice %arg6[%mul3A_223] : memref<51200000xf32, #tpu.memory_space<hbm>> -> memref<64xf32, #tpu.memory_space<hbm>>
            %dma_start3A_226 = tpu.memref_slice %arg8[%mul3A_220] : memref<16384xf32, #tpu.memory_space<vmem>> -> memref<64xf32, #tpu.memory_space<vmem>>
            tpu.enqueue_dma source(%dma_start3A_226 : memref<64xf32, #tpu.memory_space<vmem>>) target(%dma_start3A_225 : memref<64xf32, #tpu.memory_space<hbm>>) target_semaphore(%run_scoped3A : memref<!tpu.dma_semaphore, #tpu.memory_space<semaphore_mem>>)
            %dma_wait3A = tpu.memref_slice %arg8[%mul3A_220] : memref<16384xf32, #tpu.memory_space<vmem>> -> memref<64xf32, #tpu.memory_space<vmem>>
            %dma_wait3A_227 = tpu.memref_slice %arg6[%mul3A_223] : memref<51200000xf32, #tpu.memory_space<hbm>> -> memref<64xf32, #tpu.memory_space<hbm>>
            %dma_wait3A_228 = tpu.memref_slice %arg6[%mul3A_223] : memref<51200000xf32, #tpu.memory_space<hbm>> -> memref<64xf32, #tpu.memory_space<hbm>>
            %dma_wait3A_229 = tpu.memref_slice %arg8[%mul3A_220] : memref<16384xf32, #tpu.memory_space<vmem>> -> memref<64xf32, #tpu.memory_space<vmem>>
            tpu.wait_dma2 semaphore(%run_scoped3A : memref<!tpu.dma_semaphore, #tpu.memory_space<semaphore_mem>>) src(%dma_wait3A_229 : memref<64xf32, #tpu.memory_space<vmem>>) dst(%dma_wait3A_228 : memref<64xf32, #tpu.memory_space<hbm>>)
            tpu.yield
          }) : () -> ()
        } else {
        }
        %jit3A_204 = arith.constant 2 : i32
        %jit3A_205 = arith.constant 0 : i32
        %select_n3A_206 = arith.select %ne3A_200, %jit3A_204, %jit3A_205 : i32
        %add3A_207 = arith.addi %add3A_196, %select_n3A_206 : i32
        %and3A_208 = arith.constant 1 : i32
        %and3A_209 = arith.andi %sub3A_109, %and3A_208 : i32
        %ne3A_210 = arith.constant 0 : i32
        %ne3A_211 = arith.cmpi ne, %and3A_209, %ne3A_210 : i32
        %convert_element_type3A_212 = arith.extui %ne3A_211 : i1 to i32
        %cond3A_213 = arith.constant 0 : i32
        %cond3A_214 = arith.cmpi ne, %convert_element_type3A_212, %cond3A_213 : i32
        scf.if %cond3A_214 {
          %mul3A_219 = arith.constant 32 : i32
          %mul3A_220 = arith.muli %add3A_207, %mul3A_219 : i32
          %add3A_221 = arith.addi %add3A_98, %add3A_207 : i32
          %mul3A_222 = arith.constant 32 : i32
          %mul3A_223 = arith.muli %add3A_221, %mul3A_222 : i32
          "tpu.region"() ({
            %run_scoped3A = tpu.sem_alloc : memref<!tpu.dma_semaphore, #tpu.memory_space<semaphore_mem>>
            %dma_start3A = tpu.memref_slice %arg8[%mul3A_220] : memref<16384xf32, #tpu.memory_space<vmem>> -> memref<32xf32, #tpu.memory_space<vmem>>
            %dma_start3A_224 = tpu.memref_slice %arg6[%mul3A_223] : memref<51200000xf32, #tpu.memory_space<hbm>> -> memref<32xf32, #tpu.memory_space<hbm>>
            %dma_start3A_225 = tpu.memref_slice %arg6[%mul3A_223] : memref<51200000xf32, #tpu.memory_space<hbm>> -> memref<32xf32, #tpu.memory_space<hbm>>
            %dma_start3A_226 = tpu.memref_slice %arg8[%mul3A_220] : memref<16384xf32, #tpu.memory_space<vmem>> -> memref<32xf32, #tpu.memory_space<vmem>>
            tpu.enqueue_dma source(%dma_start3A_226 : memref<32xf32, #tpu.memory_space<vmem>>) target(%dma_start3A_225 : memref<32xf32, #tpu.memory_space<hbm>>) target_semaphore(%run_scoped3A : memref<!tpu.dma_semaphore, #tpu.memory_space<semaphore_mem>>)
            %dma_wait3A = tpu.memref_slice %arg8[%mul3A_220] : memref<16384xf32, #tpu.memory_space<vmem>> -> memref<32xf32, #tpu.memory_space<vmem>>
            %dma_wait3A_227 = tpu.memref_slice %arg6[%mul3A_223] : memref<51200000xf32, #tpu.memory_space<hbm>> -> memref<32xf32, #tpu.memory_space<hbm>>
            %dma_wait3A_228 = tpu.memref_slice %arg6[%mul3A_223] : memref<51200000xf32, #tpu.memory_space<hbm>> -> memref<32xf32, #tpu.memory_space<hbm>>
            %dma_wait3A_229 = tpu.memref_slice %arg8[%mul3A_220] : memref<16384xf32, #tpu.memory_space<vmem>> -> memref<32xf32, #tpu.memory_space<vmem>>
            tpu.wait_dma2 semaphore(%run_scoped3A : memref<!tpu.dma_semaphore, #tpu.memory_space<semaphore_mem>>) src(%dma_wait3A_229 : memref<32xf32, #tpu.memory_space<vmem>>) dst(%dma_wait3A_228 : memref<32xf32, #tpu.memory_space<hbm>>)
            tpu.yield
          }) : () -> ()
        } else {
        }
        %jit3A_215 = arith.constant 1 : i32
        %jit3A_216 = arith.constant 0 : i32
        %select_n3A_217 = arith.select %ne3A_211, %jit3A_215, %jit3A_216 : i32
        %add3A_218 = arith.addi %add3A_207, %select_n3A_217 : i32
        scf.yield %scan3A_107#1 : i32
      }
      %sub3A_85 = arith.subi %while3A_84, %add3A_15 : i32
      %scan3A_86 = arith.constant 0 : i32
      %scan3A_87 = arith.constant 0 : i32
      %scan3A_88 = arith.constant 125 : i32
      %scan3A_89 = arith.addi %scan3A_87, %scan3A_88 : i32
      %scan3A_90 = arith.constant 1 : i32
      scf.for %scan3A_94 = %scan3A_87 to %scan3A_89 step %scan3A_90  : i32 {
        %ge3A = arith.cmpi sge, %scan3A_94, %sub3A_85 : i32
        %jit3A_95 = arith.constant 125 : i32
        %select_n3A_96 = arith.select %ge3A, %scan3A_94, %jit3A_95 : i32
        %mul3A_97 = arith.constant 16 : i32
        %mul3A_98 = arith.muli %select_n3A_96, %mul3A_97 : i32
        %swap3A_99 = arith.index_cast %mul3A_98 : i32 to index
        %swap3A_100 = tpu.vector_load %arg10[%swap3A_99] {strides = array<i32>} : memref<2016xf32, #tpu.memory_space<vmem>>, vector<16xf32>,
        %swap3A_101 = vector.shape_cast %swap3A_100 : vector<16xf32> to vector<16xf32>
        %swap3A_102 = vector.shape_cast %broadcast_in_dim3A_1 : vector<16xf32> to vector<16xf32>
        tpu.vector_store %arg10[%swap3A_99], %swap3A_102 {strides = array<i32>} : memref<2016xf32, #tpu.memory_space<vmem>>, vector<16xf32>,
      }
      %scan3A_91 = arith.constant 125 : i32
      %mul3A_92 = arith.constant 16 : i32
      %mul3A_93 = arith.muli %add3A_15, %mul3A_92 : i32
      "tpu.region"() ({
        %run_scoped3A = tpu.sem_alloc : memref<!tpu.dma_semaphore, #tpu.memory_space<semaphore_mem>>
        %dma_start3A = arith.constant 0 : i32
        %dma_start3A_94 = tpu.memref_slice %arg10[%dma_start3A] : memref<2016xf32, #tpu.memory_space<vmem>> -> memref<2000xf32, #tpu.memory_space<vmem>>
        %dma_start3A_95 = tpu.memref_slice %arg5[%mul3A_93] : memref<1600000xf32, #tpu.memory_space<hbm>> -> memref<2000xf32, #tpu.memory_space<hbm>>
        %dma_start3A_96 = tpu.memref_slice %arg5[%mul3A_93] : memref<1600000xf32, #tpu.memory_space<hbm>> -> memref<2000xf32, #tpu.memory_space<hbm>>
        %dma_start3A_97 = arith.constant 0 : i32
        %dma_start3A_98 = tpu.memref_slice %arg10[%dma_start3A_97] : memref<2016xf32, #tpu.memory_space<vmem>> -> memref<2000xf32, #tpu.memory_space<vmem>>
        tpu.enqueue_dma source(%dma_start3A_98 : memref<2000xf32, #tpu.memory_space<vmem>>) target(%dma_start3A_96 : memref<2000xf32, #tpu.memory_space<hbm>>) target_semaphore(%run_scoped3A : memref<!tpu.dma_semaphore, #tpu.memory_space<semaphore_mem>>)
        %dma_wait3A = arith.constant 0 : i32
        %dma_wait3A_99 = tpu.memref_slice %arg10[%dma_wait3A] : memref<2016xf32, #tpu.memory_space<vmem>> -> memref<2000xf32, #tpu.memory_space<vmem>>
        %dma_wait3A_100 = tpu.memref_slice %arg5[%mul3A_93] : memref<1600000xf32, #tpu.memory_space<hbm>> -> memref<2000xf32, #tpu.memory_space<hbm>>
        %dma_wait3A_101 = tpu.memref_slice %arg5[%mul3A_93] : memref<1600000xf32, #tpu.memory_space<hbm>> -> memref<2000xf32, #tpu.memory_space<hbm>>
        %dma_wait3A_102 = arith.constant 0 : i32
        %dma_wait3A_103 = tpu.memref_slice %arg10[%dma_wait3A_102] : memref<2016xf32, #tpu.memory_space<vmem>> -> memref<2000xf32, #tpu.memory_space<vmem>>
        tpu.wait_dma2 semaphore(%run_scoped3A : memref<!tpu.dma_semaphore, #tpu.memory_space<semaphore_mem>>) src(%dma_wait3A_103 : memref<2000xf32, #tpu.memory_space<vmem>>) dst(%dma_wait3A_101 : memref<2000xf32, #tpu.memory_space<hbm>>)
        tpu.yield
      }) : () -> ()
    }
    %scan3A_9 = arith.constant 25 : i32
    return
  }
}

#map = affine_map<(d0, d1) -> (0, 0)>
#map1 = affine_map<(d0, d1) -> (0)>
module attributes {stable_mosaic.version = 14 : i64} {
  func.func @k(%arg0: i32, %arg1: i32, %arg2: memref<147456x32xf32, #tpu.memory_space<hbm>>, %arg3: memref<102400xi32, #tpu.memory_space<hbm>>, %arg4: memref<102400x32xf32, #tpu.memory_space<hbm>>, %arg5: memref<128xi32, #tpu.memory_space<vmem>>, %arg6: memref<128x32xf32, #tpu.memory_space<vmem>>, %arg7: memref<!tpu.dma_semaphore, #tpu.memory_space<semaphore_mem>>) attributes {dimension_semantics = [#tpu.dimension_semantics<core_parallel>, #tpu.dimension_semantics<subcore_parallel>], iteration_bounds = array<i64: 2, 16>, scalar_prefetch = 0 : i64, scratch_operands = 3 : i64, tpu.core_type = #tpu.core_type<sc_vector_subcore>, window_params = [{transform_indices = #map}, {transform_indices = #map1}, {transform_indices = #map}]} {
    %mul3A = arith.constant 2 : i32
    %mul3A_0 = arith.muli %arg1, %mul3A : i32
    %add3A = arith.addi %mul3A_0, %arg0 : i32
    %mul3A_1 = arith.constant 3200 : i32
    %mul3A_2 = arith.muli %add3A, %mul3A_1 : i32
    %scan3A = arith.constant 0 : i32
    %scan3A_3 = arith.constant 0 : i32
    %scan3A_4 = arith.constant 25 : i32
    %scan3A_5 = arith.addi %scan3A_3, %scan3A_4 : i32
    %scan3A_6 = arith.constant 1 : i32
    scf.for %scan3A_8 = %scan3A_3 to %scan3A_5 step %scan3A_6  : i32 {
      %mul3A_9 = arith.constant 128 : i32
      %mul3A_10 = arith.muli %scan3A_8, %mul3A_9 : i32
      %add3A_11 = arith.addi %mul3A_2, %mul3A_10 : i32
      "tpu.region"() ({
        %run_scoped3A = tpu.sem_alloc : memref<!tpu.dma_semaphore, #tpu.memory_space<semaphore_mem>>
        %dma_start3A_16 = tpu.memref_slice %arg3[%add3A_11] : memref<102400xi32, #tpu.memory_space<hbm>> -> memref<128xi32, #tpu.memory_space<hbm>>
        %dma_start3A_17 = tpu.memref_slice %arg3[%add3A_11] : memref<102400xi32, #tpu.memory_space<hbm>> -> memref<128xi32, #tpu.memory_space<hbm>>
        tpu.enqueue_dma source(%dma_start3A_17 : memref<128xi32, #tpu.memory_space<hbm>>) target(%arg5 : memref<128xi32, #tpu.memory_space<vmem>>) target_semaphore(%run_scoped3A : memref<!tpu.dma_semaphore, #tpu.memory_space<semaphore_mem>>)
        %dma_wait3A_18 = tpu.memref_slice %arg3[%add3A_11] : memref<102400xi32, #tpu.memory_space<hbm>> -> memref<128xi32, #tpu.memory_space<hbm>>
        %dma_wait3A_19 = tpu.memref_slice %arg3[%add3A_11] : memref<102400xi32, #tpu.memory_space<hbm>> -> memref<128xi32, #tpu.memory_space<hbm>>
        tpu.wait_dma2 semaphore(%run_scoped3A : memref<!tpu.dma_semaphore, #tpu.memory_space<semaphore_mem>>) src(%dma_wait3A_19 : memref<128xi32, #tpu.memory_space<hbm>>) dst(%arg5 : memref<128xi32, #tpu.memory_space<vmem>>)
        tpu.yield
      }) : () -> ()
      %dma_start3A = arith.constant 0 : i32
      %dma_start3A_12 = arith.constant 0 : i32
      %dma_start3A_13 = tpu.memref_slice %arg2[%dma_start3A, %dma_start3A_12] : memref<147456x32xf32, #tpu.memory_space<hbm>> -> memref<147456x32xf32, #tpu.memory_space<hbm>>
      tpu.enqueue_indirect_dma source(%dma_start3A_13 : memref<147456x32xf32, #tpu.memory_space<hbm>>) target(%arg6 : memref<128x32xf32, #tpu.memory_space<vmem>>) offsets(%arg5 : memref<128xi32, #tpu.memory_space<vmem>>) semaphore(%arg7 : memref<!tpu.dma_semaphore, #tpu.memory_space<semaphore_mem>>)
      %dma_wait3A = arith.constant 0 : i32
      %dma_wait3A_14 = arith.constant 0 : i32
      %dma_wait3A_15 = tpu.memref_slice %arg2[%dma_wait3A, %dma_wait3A_14] : memref<147456x32xf32, #tpu.memory_space<hbm>> -> memref<147456x32xf32, #tpu.memory_space<hbm>>
      tpu.wait_indirect_dma semaphore(%arg7 : memref<!tpu.dma_semaphore, #tpu.memory_space<semaphore_mem>>) src(%dma_wait3A_15 : memref<147456x32xf32, #tpu.memory_space<hbm>>) dst(%arg6 : memref<128x32xf32, #tpu.memory_space<vmem>>)
      "tpu.region"() ({
        %run_scoped3A = tpu.sem_alloc : memref<!tpu.dma_semaphore, #tpu.memory_space<semaphore_mem>>
        %dma_start3A_16 = arith.constant 0 : i32
        %dma_start3A_17 = tpu.memref_slice %arg4[%add3A_11, %dma_start3A_16] : memref<102400x32xf32, #tpu.memory_space<hbm>> -> memref<128x32xf32, #tpu.memory_space<hbm>>
        %dma_start3A_18 = arith.constant 0 : i32
        %dma_start3A_19 = tpu.memref_slice %arg4[%add3A_11, %dma_start3A_18] : memref<102400x32xf32, #tpu.memory_space<hbm>> -> memref<128x32xf32, #tpu.memory_space<hbm>>
        tpu.enqueue_dma source(%arg6 : memref<128x32xf32, #tpu.memory_space<vmem>>) target(%dma_start3A_19 : memref<128x32xf32, #tpu.memory_space<hbm>>) target_semaphore(%run_scoped3A : memref<!tpu.dma_semaphore, #tpu.memory_space<semaphore_mem>>)
        %dma_wait3A_20 = arith.constant 0 : i32
        %dma_wait3A_21 = tpu.memref_slice %arg4[%add3A_11, %dma_wait3A_20] : memref<102400x32xf32, #tpu.memory_space<hbm>> -> memref<128x32xf32, #tpu.memory_space<hbm>>
        %dma_wait3A_22 = arith.constant 0 : i32
        %dma_wait3A_23 = tpu.memref_slice %arg4[%add3A_11, %dma_wait3A_22] : memref<102400x32xf32, #tpu.memory_space<hbm>> -> memref<128x32xf32, #tpu.memory_space<hbm>>
        tpu.wait_dma2 semaphore(%run_scoped3A : memref<!tpu.dma_semaphore, #tpu.memory_space<semaphore_mem>>) src(%arg6 : memref<128x32xf32, #tpu.memory_space<vmem>>) dst(%dma_wait3A_23 : memref<128x32xf32, #tpu.memory_space<hbm>>)
        tpu.yield
      }) : () -> ()
    }
    %scan3A_7 = arith.constant 25 : i32
    return
  }
}

module attributes {stable_mosaic.version = 14 : i64} {
  func.func @body(%arg0: i32, %arg1: memref<32x4608xf32, #tpu.memory_space<vmem>>, %arg2: memref<4608x32xf32, #tpu.memory_space<vmem>>) attributes {dimension_semantics = [#tpu.dimension_semantics<arbitrary>], iteration_bounds = array<i64: 32>, scalar_prefetch = 0 : i64, scratch_operands = 0 : i64, tpu.core_type = #tpu.core_type<tc>, window_params = [{transform_indices = @transform_0, window_bounds = array<i64: 32, 4608>}, {transform_indices = @transform_1, window_bounds = array<i64: 4608, 32>}]} {
    %get3A = arith.constant 0 : index
    %get3A_0 = arith.constant 0 : index
    %get3A_1 = vector.load %arg1[%get3A, %get3A_0] : memref<32x4608xf32, #tpu.memory_space<vmem>>, vector<32x4608xf32>
    %transpose3A = tpu.transpose %get3A_1, [1, 0] : vector<32x4608xf32> -> vector<4608x32xf32>
    %swap3A = arith.constant 0 : index
    %swap3A_2 = arith.constant 0 : index
    %swap3A_3 = vector.load %arg2[%swap3A, %swap3A_2] : memref<4608x32xf32, #tpu.memory_space<vmem>>, vector<4608x32xf32>
    tpu.vector_store %arg2[%swap3A, %swap3A_2], %transpose3A {strides = array<i32>} : memref<4608x32xf32, #tpu.memory_space<vmem>>, vector<4608x32xf32>,
    return
  }
  func.func @transform_0(%arg0: i32) -> (i32, i32) {
    %c0_i32 = arith.constant 0 : i32
    %c0_i32_0 = arith.constant 0 : i32
    return %c0_i32, %arg0 : i32, i32
  }
  func.func @transform_1(%arg0: i32) -> (i32, i32) {
    %c0_i32 = arith.constant 0 : i32
    %c0_i32_0 = arith.constant 0 : i32
    return %arg0, %c0_i32 : i32, i32
  }
}

module attributes {stable_mosaic.version = 14 : i64} {
  func.func @body(%arg0: i32, %arg1: memref<1000x32xf32, #tpu.memory_space<vmem>>, %arg2: memref<32x32xf32, #tpu.memory_space<vmem>>, %arg3: memref<1x32xf32, #tpu.memory_space<vmem>>, %arg4: memref<1000x32xf32, #tpu.memory_space<vmem>>) attributes {dimension_semantics = [#tpu.dimension_semantics<arbitrary>], iteration_bounds = array<i64: 103>, scalar_prefetch = 0 : i64, scratch_operands = 0 : i64, tpu.core_type = #tpu.core_type<tc>, window_params = [{transform_indices = @transform_0, window_bounds = array<i64: 1000, 32>}, {pipeline_mode = #tpu.pipeline_mode<synchronous>, transform_indices = @transform_1, window_bounds = array<i64: 32, 32>}, {pipeline_mode = #tpu.pipeline_mode<synchronous>, transform_indices = @transform_2, window_bounds = array<i64: 1, 32>}, {transform_indices = @transform_3, window_bounds = array<i64: 1000, 32>}]} {
    %get3A = arith.constant 0 : index
    %get3A_0 = arith.constant 0 : index
    %get3A_1 = vector.load %arg1[%get3A, %get3A_0] : memref<1000x32xf32, #tpu.memory_space<vmem>>, vector<1000x32xf32>
    %get3A_2 = arith.constant 0 : index
    %get3A_3 = arith.constant 0 : index
    %get3A_4 = vector.load %arg2[%get3A_2, %get3A_3] : memref<32x32xf32, #tpu.memory_space<vmem>>, vector<32x32xf32>
    %dot_general3A = arith.constant dense<0.000000e+00> : vector<1000x32xf32>
    %dot_general3A_5 = tpu.matmul %get3A_1, %get3A_4, %dot_general3A {dimension_numbers = #tpu.dot_dimension_numbers<[1], [0], [0], [1], [0, 0, 1, 1], [], []>, transpose_lhs_hint = false} : vector<1000x32xf32>, vector<32x32xf32>, vector<1000x32xf32> -> vector<1000x32xf32>
    %get3A_6 = arith.constant 0 : index
    %get3A_7 = arith.constant 0 : index
    %get3A_8 = vector.load %arg3[%get3A_6, %get3A_7] : memref<1x32xf32, #tpu.memory_space<vmem>>, vector<1x32xf32>
    %add3A = vector.broadcast %get3A_8 : vector<1x32xf32> to vector<1000x32xf32>
    %add3A_9 = arith.addf %dot_general3A_5, %add3A : vector<1000x32xf32>
    %swap3A = arith.constant 0 : index
    %swap3A_10 = arith.constant 0 : index
    %swap3A_11 = vector.load %arg4[%swap3A, %swap3A_10] : memref<1000x32xf32, #tpu.memory_space<vmem>>, vector<1000x32xf32>
    tpu.vector_store %arg4[%swap3A, %swap3A_10], %add3A_9 {strides = array<i32>} : memref<1000x32xf32, #tpu.memory_space<vmem>>, vector<1000x32xf32>,
    return
  }
  func.func @transform_0(%arg0: i32) -> (i32, i32) {
    %c0_i32 = arith.constant 0 : i32
    %c0_i32_0 = arith.constant 0 : i32
    return %arg0, %c0_i32 : i32, i32
  }
  func.func @transform_1(%arg0: i32) -> (i32, i32) {
    %c0_i32 = arith.constant 0 : i32
    %c0_i32_0 = arith.constant 0 : i32
    %c0_i32_1 = arith.constant 0 : i32
    return %c0_i32, %c0_i32_0 : i32, i32
  }
  func.func @transform_2(%arg0: i32) -> (i32, i32) {
    %c0_i32 = arith.constant 0 : i32
    %c0_i32_0 = arith.constant 0 : i32
    %c0_i32_1 = arith.constant 0 : i32
    return %c0_i32, %c0_i32_0 : i32, i32
  }
  func.func @transform_3(%arg0: i32) -> (i32, i32) {
    %c0_i32 = arith.constant 0 : i32
    %c0_i32_0 = arith.constant 0 : i32
    return %arg0, %c0_i32 : i32, i32
  }
}

module attributes {stable_mosaic.version = 14 : i64} {
  func.func @body(%arg0: i32, %arg1: memref<1000x16xf32, #tpu.memory_space<vmem>>, %arg2: memref<1000x1xi32, #tpu.memory_space<vmem>>, %arg3: memref<1000x1xi32, #tpu.memory_space<vmem>>, %arg4: memref<1000x32xf32, #tpu.memory_space<vmem>>, %arg5: memref<16x32xf32, #tpu.memory_space<vmem>>, %arg6: memref<1000x32xf32, #tpu.memory_space<vmem>>) attributes {dimension_semantics = [#tpu.dimension_semantics<arbitrary>], iteration_bounds = array<i64: 100>, scalar_prefetch = 0 : i64, scratch_operands = 0 : i64, tpu.core_type = #tpu.core_type<tc>, window_params = [{transform_indices = @transform_0, window_bounds = array<i64: 1000, 16>}, {transform_indices = @transform_1, window_bounds = array<i64: 1000, 1>}, {transform_indices = @transform_2, window_bounds = array<i64: 1000, 1>}, {transform_indices = @transform_3, window_bounds = array<i64: 1000, 32>}, {pipeline_mode = #tpu.pipeline_mode<synchronous>, transform_indices = @transform_4, window_bounds = array<i64: 16, 32>}, {transform_indices = @transform_5, window_bounds = array<i64: 1000, 32>}]} {
    %get3A = arith.constant 0 : index
    %get3A_0 = arith.constant 0 : index
    %get3A_1 = vector.load %arg3[%get3A, %get3A_0] : memref<1000x1xi32, #tpu.memory_space<vmem>>, vector<1000x1xi32>
    %get3A_2 = arith.constant 0 : index
    %get3A_3 = arith.constant 0 : index
    %get3A_4 = vector.load %arg2[%get3A_2, %get3A_3] : memref<1000x1xi32, #tpu.memory_space<vmem>>, vector<1000x1xi32>
    %sub3A = arith.subi %get3A_1, %get3A_4 : vector<1000x1xi32>
    %convert_element_type3A = arith.sitofp %sub3A : vector<1000x1xi32> to vector<1000x1xf32>
    %max3A = arith.constant 1.000000e+00 : f32
    %max3A_5 = vector.broadcast %max3A : f32 to vector<1000x1xf32>
    %max3A_6 = arith.maximumf %convert_element_type3A, %max3A_5 : vector<1000x1xf32>
    %div3A = arith.constant 1.000000e+00 : f32
    %div3A_7 = vector.broadcast %div3A : f32 to vector<1000x1xf32>
    %div3A_8 = arith.divf %div3A_7, %max3A_6 : vector<1000x1xf32>
    %get3A_9 = arith.constant 0 : index
    %get3A_10 = arith.constant 0 : index
    %get3A_11 = vector.load %arg1[%get3A_9, %get3A_10] : memref<1000x16xf32, #tpu.memory_space<vmem>>, vector<1000x16xf32>
    %mul3A = vector.broadcast %div3A_8 : vector<1000x1xf32> to vector<1000x16xf32>
    %mul3A_12 = arith.mulf %get3A_11, %mul3A : vector<1000x16xf32>
    %get3A_13 = arith.constant 0 : index
    %get3A_14 = arith.constant 0 : index
    %get3A_15 = vector.load %arg5[%get3A_13, %get3A_14] : memref<16x32xf32, #tpu.memory_space<vmem>>, vector<16x32xf32>
    %dot_general3A = arith.constant dense<0.000000e+00> : vector<1000x32xf32>
    %dot_general3A_16 = tpu.matmul %mul3A_12, %get3A_15, %dot_general3A {dimension_numbers = #tpu.dot_dimension_numbers<[1], [0], [0], [1], [0, 0, 1, 1], [], []>, transpose_lhs_hint = false} : vector<1000x16xf32>, vector<16x32xf32>, vector<1000x32xf32> -> vector<1000x32xf32>
    %get3A_17 = arith.constant 0 : index
    %get3A_18 = arith.constant 0 : index
    %get3A_19 = vector.load %arg4[%get3A_17, %get3A_18] : memref<1000x32xf32, #tpu.memory_space<vmem>>, vector<1000x32xf32>
    %add3A = arith.addf %dot_general3A_16, %get3A_19 : vector<1000x32xf32>
    %gt3A = arith.constant 0.000000e+00 : f32
    %gt3A_20 = vector.broadcast %gt3A : f32 to vector<1000x1xf32>
    %gt3A_21 = arith.cmpf ogt, %convert_element_type3A, %gt3A_20 : vector<1000x1xf32>
    %jit3A = arith.constant 0.000000e+00 : f32
    %broadcast_in_dim3A = vector.shape_cast %gt3A_21 : vector<1000x1xi1> to vector<1000x1xi1>
    %broadcast_in_dim3A_22 = vector.broadcast %broadcast_in_dim3A : vector<1000x1xi1> to vector<1000x32xi1>
    %broadcast_in_dim3A_23 = vector.broadcast %jit3A : f32 to vector<1000x32xf32>
    %select_n3A = arith.select %broadcast_in_dim3A_22, %add3A, %broadcast_in_dim3A_23 : vector<1000x32xi1>, vector<1000x32xf32>
    %swap3A = arith.constant 0 : index
    %swap3A_24 = arith.constant 0 : index
    %swap3A_25 = vector.load %arg6[%swap3A, %swap3A_24] : memref<1000x32xf32, #tpu.memory_space<vmem>>, vector<1000x32xf32>
    tpu.vector_store %arg6[%swap3A, %swap3A_24], %select_n3A {strides = array<i32>} : memref<1000x32xf32, #tpu.memory_space<vmem>>, vector<1000x32xf32>,
    return
  }
  func.func @transform_0(%arg0: i32) -> (i32, i32) {
    %c0_i32 = arith.constant 0 : i32
    %c0_i32_0 = arith.constant 0 : i32
    return %arg0, %c0_i32 : i32, i32
  }
  func.func @transform_1(%arg0: i32) -> (i32, i32) {
    %c0_i32 = arith.constant 0 : i32
    %c0_i32_0 = arith.constant 0 : i32
    return %arg0, %c0_i32 : i32, i32
  }
  func.func @transform_2(%arg0: i32) -> (i32, i32) {
    %c0_i32 = arith.constant 0 : i32
    %c0_i32_0 = arith.constant 0 : i32
    return %arg0, %c0_i32 : i32, i32
  }
  func.func @transform_3(%arg0: i32) -> (i32, i32) {
    %c0_i32 = arith.constant 0 : i32
    %c0_i32_0 = arith.constant 0 : i32
    return %arg0, %c0_i32 : i32, i32
  }
  func.func @transform_4(%arg0: i32) -> (i32, i32) {
    %c0_i32 = arith.constant 0 : i32
    %c0_i32_0 = arith.constant 0 : i32
    %c0_i32_1 = arith.constant 0 : i32
    return %c0_i32, %c0_i32_0 : i32, i32
  }
  func.func @transform_5(%arg0: i32) -> (i32, i32) {
    %c0_i32 = arith.constant 0 : i32
    %c0_i32_0 = arith.constant 0 : i32
    return %arg0, %c0_i32 : i32, i32
  }
}

module attributes {stable_mosaic.version = 14 : i64} {
  func.func @body(%arg0: i32, %arg1: memref<4000x16xf32, #tpu.memory_space<vmem>>, %arg2: memref<16x32xf32, #tpu.memory_space<vmem>>, %arg3: memref<4000x32xf32, #tpu.memory_space<vmem>>, %arg4: memref<4000x32xf32, #tpu.memory_space<vmem>>) attributes {dimension_semantics = [#tpu.dimension_semantics<arbitrary>], iteration_bounds = array<i64: 400>, scalar_prefetch = 0 : i64, scratch_operands = 0 : i64, tpu.core_type = #tpu.core_type<tc>, window_params = [{transform_indices = @transform_0, window_bounds = array<i64: 4000, 16>}, {pipeline_mode = #tpu.pipeline_mode<synchronous>, transform_indices = @transform_1, window_bounds = array<i64: 16, 32>}, {transform_indices = @transform_2, window_bounds = array<i64: 4000, 32>}, {transform_indices = @transform_3, window_bounds = array<i64: 4000, 32>}]} {
    %get3A = arith.constant 0 : index
    %get3A_0 = arith.constant 0 : index
    %get3A_1 = vector.load %arg1[%get3A, %get3A_0] : memref<4000x16xf32, #tpu.memory_space<vmem>>, vector<4000x16xf32>
    %get3A_2 = arith.constant 0 : index
    %get3A_3 = arith.constant 0 : index
    %get3A_4 = vector.load %arg2[%get3A_2, %get3A_3] : memref<16x32xf32, #tpu.memory_space<vmem>>, vector<16x32xf32>
    %dot_general3A = arith.constant dense<0.000000e+00> : vector<4000x32xf32>
    %dot_general3A_5 = tpu.matmul %get3A_1, %get3A_4, %dot_general3A {dimension_numbers = #tpu.dot_dimension_numbers<[1], [0], [0], [1], [0, 0, 1, 1], [], []>, transpose_lhs_hint = false} : vector<4000x16xf32>, vector<16x32xf32>, vector<4000x32xf32> -> vector<4000x32xf32>
    %get3A_6 = arith.constant 0 : index
    %get3A_7 = arith.constant 0 : index
    %get3A_8 = vector.load %arg3[%get3A_6, %get3A_7] : memref<4000x32xf32, #tpu.memory_space<vmem>>, vector<4000x32xf32>
    %add3A = arith.addf %dot_general3A_5, %get3A_8 : vector<4000x32xf32>
    %swap3A = arith.constant 0 : index
    %swap3A_9 = arith.constant 0 : index
    %swap3A_10 = vector.load %arg4[%swap3A, %swap3A_9] : memref<4000x32xf32, #tpu.memory_space<vmem>>, vector<4000x32xf32>
    tpu.vector_store %arg4[%swap3A, %swap3A_9], %add3A {strides = array<i32>} : memref<4000x32xf32, #tpu.memory_space<vmem>>, vector<4000x32xf32>,
    return
  }
  func.func @transform_0(%arg0: i32) -> (i32, i32) {
    %c0_i32 = arith.constant 0 : i32
    %c0_i32_0 = arith.constant 0 : i32
    return %arg0, %c0_i32 : i32, i32
  }
  func.func @transform_1(%arg0: i32) -> (i32, i32) {
    %c0_i32 = arith.constant 0 : i32
    %c0_i32_0 = arith.constant 0 : i32
    %c0_i32_1 = arith.constant 0 : i32
    return %c0_i32, %c0_i32_0 : i32, i32
  }
  func.func @transform_2(%arg0: i32) -> (i32, i32) {
    %c0_i32 = arith.constant 0 : i32
    %c0_i32_0 = arith.constant 0 : i32
    return %arg0, %c0_i32 : i32, i32
  }
  func.func @transform_3(%arg0: i32) -> (i32, i32) {
    %c0_i32 = arith.constant 0 : i32
    %c0_i32_0 = arith.constant 0 : i32
    return %arg0, %c0_i32 : i32, i32
  }
}

module attributes {stable_mosaic.version = 14 : i64} {
  func.func @body(%arg0: i32, %arg1: memref<32x512xf32, #tpu.memory_space<vmem>>, %arg2: memref<512x32xf32, #tpu.memory_space<vmem>>, %arg3: memref<1x1x512xi32, #tpu.memory_space<vmem>>, %arg4: memref<32x512xf32, #tpu.memory_space<vmem>>) attributes {dimension_semantics = [#tpu.dimension_semantics<arbitrary>], iteration_bounds = array<i64: 288>, scalar_prefetch = 0 : i64, scratch_operands = 0 : i64, tpu.core_type = #tpu.core_type<tc>, window_params = [{transform_indices = @transform_0, window_bounds = array<i64: 32, 512>}, {transform_indices = @transform_1, window_bounds = array<i64: 512, 32>}, {transform_indices = @transform_2, window_bounds = array<i64: 1, 1, 512>}, {transform_indices = @transform_3, window_bounds = array<i64: 32, 512>}]} {
    %get3A = arith.constant 0 : index
    %get3A_0 = arith.constant 0 : index
    %get3A_1 = arith.constant 0 : index
    %get3A_2 = vector.load %arg3[%get3A, %get3A_0, %get3A_1] : memref<1x1x512xi32, #tpu.memory_space<vmem>>, vector<1x1x512xi32>
    %gt3A = arith.constant 0 : i32
    %gt3A_3 = vector.broadcast %gt3A : i32 to vector<1x1x512xi32>
    %gt3A_4 = arith.cmpi sgt, %get3A_2, %gt3A_3 : vector<1x1x512xi32>
    %reshape3A = vector.shape_cast %gt3A_4 : vector<1x1x512xi1> to vector<1x512xi1>
    %get3A_5 = arith.constant 0 : index
    %get3A_6 = arith.constant 0 : index
    %get3A_7 = vector.load %arg2[%get3A_5, %get3A_6] : memref<512x32xf32, #tpu.memory_space<vmem>>, vector<512x32xf32>
    %transpose3A = tpu.transpose %get3A_7, [1, 0] : vector<512x32xf32> -> vector<32x512xf32>
    %get3A_8 = arith.constant 0 : index
    %get3A_9 = arith.constant 0 : index
    %get3A_10 = vector.load %arg1[%get3A_8, %get3A_9] : memref<32x512xf32, #tpu.memory_space<vmem>>, vector<32x512xf32>
    %broadcast_in_dim3A = vector.shape_cast %reshape3A : vector<1x512xi1> to vector<1x512xi1>
    %broadcast_in_dim3A_11 = vector.broadcast %broadcast_in_dim3A : vector<1x512xi1> to vector<32x512xi1>
    %select_n3A = arith.select %broadcast_in_dim3A_11, %transpose3A, %get3A_10 : vector<32x512xi1>, vector<32x512xf32>
    %swap3A = arith.constant 0 : index
    %swap3A_12 = arith.constant 0 : index
    %swap3A_13 = vector.load %arg4[%swap3A, %swap3A_12] : memref<32x512xf32, #tpu.memory_space<vmem>>, vector<32x512xf32>
    tpu.vector_store %arg4[%swap3A, %swap3A_12], %select_n3A {strides = array<i32>} : memref<32x512xf32, #tpu.memory_space<vmem>>, vector<32x512xf32>,
    return
  }
  func.func @transform_0(%arg0: i32) -> (i32, i32) {
    %c0_i32 = arith.constant 0 : i32
    %c0_i32_0 = arith.constant 0 : i32
    return %c0_i32, %arg0 : i32, i32
  }
  func.func @transform_1(%arg0: i32) -> (i32, i32) {
    %c0_i32 = arith.constant 0 : i32
    %c0_i32_0 = arith.constant 0 : i32
    return %arg0, %c0_i32 : i32, i32
  }
  func.func @transform_2(%arg0: i32) -> (i32, i32, i32) {
    %c0_i32 = arith.constant 0 : i32
    %c0_i32_0 = arith.constant 0 : i32
    %c0_i32_1 = arith.constant 0 : i32
    return %arg0, %c0_i32, %c0_i32_0 : i32, i32, i32
  }
  func.func @transform_3(%arg0: i32) -> (i32, i32) {
    %c0_i32 = arith.constant 0 : i32
    %c0_i32_0 = arith.constant 0 : i32
    return %c0_i32, %arg0 : i32, i32
  }
}

</mosaic_0001>

<sc_bundles>
// kernel: kernel.10.cloned.1.call-start
scs
__scs_entry_jumppad:
0x0: {  	(pc) =	sbr.rel $0x88, $3  }
0x1: {  	(tag) =	ssettag $0x0;
	lr =	simm.s32 $0x1  }
0x2: {  	[smem:$0x3F9B] =	sst lr;
	_ =	strace $0xD0000000  }
0x3: {  	_ = 	snop  }
0x4: {  	_ = 	snop  }
0x5: {  	_ = 	snop  }
0x6: {  	_ = 	snop  }
0x7: {  	_ = 	snop  }
__scs_overlays_trampoline_lowered:
0x8: {  	[smem:$0x3FAA] =	sst s0  }
0x9: {  	[smem:$0x3FAB] =	sst s1  }
0xa: {  	[smem:$0x3FAC] =	sst s2  }
0xb: {  	[smem:$0x3FAD] =	sst s3  }
0xc: {  	[smem:$0x3FAE] =	sst s4  }
0xd: {  	[smem:$0x3FAF] =	sst s5  }
0xe: {  	[smem:$0x3FB0] =	sst s6  }
0xf: {  	[smem:$0x3FB1] =	sst s7  }
0x10: {  	[smem:$0x3FB2] =	sst s8  }
0x11: {  	[smem:$0x3FB3] =	sst s9;
	s0 =	simm.s32 @!p0 $0x0  }
0x12: {  	s1 =	sld [smem:$0x3F99];
	s0 =	simm.s32 @p0 $0x1  }
0x13: {  	[smem:$0x3FB4] =	sst s0;
	s0 =	simm.s32 @!p1 $0x0  }
0x14: {  	s2 =	sld [smem:$0x3F98];
	s0 =	simm.s32 @p1 $0x1  }
0x15: {  	[smem:$0x3FB5] =	sst s0;
	s0 =	simm.s32 @!p2 $0x0  }
0x16: {  	s3 =	sld [smem:$0x3FDB];
	s0 =	simm.s32 @p2 $0x1  }
0x17: {  	s4 =	simm.s32 $0x1BF5;
	[smem:$0x3FB7] =	sst s0  }
0x18: {  	s0 =	sld [smem:$0x3F9A];
	_ =	swait.ge [sflag:s4], $0x0  }
0x19: {  	s7 =	sld [smem:$0x3F9B]  }
0x1a: {  	s8 =	sadd.s32 $0xFFFFE003, lr  }
0x1b: {  	s9 =	sadd.s32 $0xFFFFFEF7, lr;
	s5 =	simm.s32 $0xFFFFFFFF;
	p2 =	slt.u32 s8, $0xFFFFF086  }
0x1c: {  	p1 =	slt.u32 s9, $0xF7A;
	s5 =	simm.s32 @!p2 $0x0  }
0x1d: {  	s5 =	simm.s32 @p1 $0x1;
	p0 =	seq.s32 s7, s2  }
0x1e: {  	s7 =	smul.u32 @!p0 $0xF7A, s2;
	p2 =	seq.s32 @!p0 s5, $0x0  }
0x1f: {  	s9 =	smul.u32 $0xF7A, s1;
	s8 =	simm.s32 @!p0 $0x1BF5;
	p2 =	por !p2, p0  }
0x20: {  	[sflag:s8] =	ssyncset.s32 @!p0 $0xFFFFF086;
	s6 =	sadd.s32 @!p0 s3, s7;
	s7 =	simm.s32 @!p0 $0x108  }
0x21: {  	s3 =	sadd.s32 s3, s9;
	s6 =	sadd.s32 @!p0 $0x88, s6;
	s7 =	simm.s32 @p2 $0x1082  }
0x22: {  	[simem:s7], [sflag:s8] =	dma.local @!p0 [hbm:s6], $0xF7A  }
0x23: {  	s9 =	sor.u32 $0xD0000000, s2;
	s6 =	simm.s32 $0x108;
	_ =	swait.ge @!p0 [sflag:s8], $0x0  }
0x24: {  	s3 =	sadd.s32 $0x88, s3;
	s6 =	simm.s32 @!p1 $0x1082;
	[sflag:s4] =	ssyncset.s32 $0xFFFFF086  }
0x25: {  	[simem:s6], [sflag:s4] =	dma.local [hbm:s3], $0xF7A  }
0x26: {  	[smem:$0x3F9B] =	sst s1;
	(tag) =	ssettag s2;
	_ =	strace s9  }
0x27: {  	s1 =	sld [smem:$0x3FAB]  }
0x28: {  	s2 =	sld [smem:$0x3FAC]  }
0x29: {  	s4 =	sld [smem:$0x3FAE]  }
0x2a: {  	p0 =	seq.s32 s5, $0x0;
	s5 =	sld [smem:$0x3FAF]  }
0x2b: {  	s6 =	sld [smem:$0x3FB0]  }
0x2c: {  	s7 =	sld [smem:$0x3FB1]  }
0x2d: {  	s3 =	simm.s32 $0x108;
	s8 =	sld [smem:$0x3FB2]  }
0x2e: {  	s3 =	simm.s32 @!p0 $0x1082;
	s9 =	sld [smem:$0x3FB3]  }
0x2f: {  	lr =	sadd.s32 s0, s3;
	s0 =	sld [smem:$0x3FAA]  }
0x30: {  	s3 =	sld [smem:$0x3FAD]  }
0x31: {  	[smem:$0x3FB6] =	sst s10  }
0x32: {  	s10 =	sld [smem:$0x3FB4];
	_ =	sdelay $0x3  }
0x33: {  	p0 =	seq.s32 s10, $0x1;
	s10 =	sld [smem:$0x3FB6];
	_ =	sdelay $0x3  }
0x34: {  	[smem:$0x3FB6] =	sst s10  }
0x35: {  	s10 =	sld [smem:$0x3FB5];
	_ =	sdelay $0x3  }
0x36: {  	p1 =	seq.s32 s10, $0x1;
	s10 =	sld [smem:$0x3FB6];
	_ =	sdelay $0x3  }
0x37: {  	[smem:$0x3FB6] =	sst s10  }
0x38: {  	s10 =	sld [smem:$0x3FB7]  }
0x39: {  	_ = 	snop;
	(pc) =	sbr.ind lr, $3  }
0x3a: {  	_ = 	snop  }
0x3b: {  	_ = 	snop  }
0x3c: {  	p2 =	seq.s32 s10, $0x1;
	s10 =	sld [smem:$0x3FB6]  }
0x3d: {  	_ =	shalt  }
0x3e: {  	_ =	shalt  }
0x3f: {  	_ =	shalt  }
0x40: {  	_ =	shalt  }
0x41: {  	_ =	shalt  }
0x42: {  	_ =	shalt  }
0x43: {  	_ =	shalt  }
0x44: {  	_ =	shalt  }
0x45: {  	_ =	shalt  }
0x46: {  	_ =	shalt  }
0x47: {  	_ =	shalt  }
0x48: {  	_ =	shalt  }
0x49: {  	_ =	shalt  }
0x4a: {  	_ =	shalt  }
0x4b: {  	_ =	shalt  }
0x4c: {  	_ =	shalt  }
0x4d: {  	_ =	shalt  }
0x4e: {  	_ =	shalt  }
0x4f: {  	_ =	shalt  }
0x50: {  	_ =	shalt  }
0x51: {  	_ =	shalt  }
0x52: {  	_ =	shalt  }
0x53: {  	_ =	shalt  }
0x54: {  	_ =	shalt  }
0x55: {  	_ =	shalt  }
0x56: {  	_ =	shalt  }
0x57: {  	_ =	shalt  }
0x58: {  	_ =	shalt  }
0x59: {  	_ =	shalt  }
0x5a: {  	_ =	shalt  }
0x5b: {  	_ =	shalt  }
0x5c: {  	_ =	shalt  }
0x5d: {  	_ =	shalt  }
0x5e: {  	_ =	shalt  }
0x5f: {  	_ =	shalt  }
0x60: {  	_ =	shalt  }
0x61: {  	_ =	shalt  }
0x62: {  	_ =	shalt  }
0x63: {  	_ =	shalt  }
0x64: {  	_ =	shalt  }
0x65: {  	_ =	shalt  }
0x66: {  	_ =	shalt  }
0x67: {  	_ =	shalt  }
0x68: {  	_ =	shalt  }
0x69: {  	_ =	shalt  }
0x6a: {  	_ =	shalt  }
0x6b: {  	_ =	shalt  }
0x6c: {  	_ =	shalt  }
0x6d: {  	_ =	shalt  }
0x6e: {  	_ =	shalt  }
0x6f: {  	_ =	shalt  }
0x70: {  	_ =	shalt  }
0x71: {  	_ =	shalt  }
0x72: {  	_ =	shalt  }
0x73: {  	_ =	shalt  }
0x74: {  	_ =	shalt  }
0x75: {  	_ =	shalt  }
0x76: {  	_ =	shalt  }
0x77: {  	_ =	shalt  }
0x78: {  	_ =	shalt  }
0x79: {  	_ =	shalt  }
0x7a: {  	_ =	shalt  }
0x7b: {  	_ =	shalt  }
0x7c: {  	_ =	shalt  }
0x7d: {  	_ =	shalt  }
0x7e: {  	_ =	shalt  }
0x7f: {  	_ =	shalt  }
0x80: {  	_ =	shalt  }
0x81: {  	_ =	shalt  }
0x82: {  	_ =	shalt  }
0x83: {  	_ =	shalt  }
0x84: {  	_ =	shalt  }
0x85: {  	_ =	shalt  }
0x86: {  	_ =	shalt  }
0x87: {  	_ =	shalt  }
.Lfunc_end0:
.L_simem_size_0:
called_computation_lowered:
.L_overlay_start_0:
0x88: {  	s2 =	sld [smem:$0x3FD9]  }
0x89: {  	s3 =	sld [smem:$0x3FFE];
	_ =	sdelay $0x1  }
0x8a: {  	s1 =	srdreg.scid  }
0x8b: {  	s0 =	sand.u32 $0x1, s1  }
0x8c: {  	s16 =	sshll.u32 s0, $0xA;
	s2 =	sadd.s32 s3, s2  }
0x8d: {  	s2 =	sadd.s32 s2, s16  }
0x8e: {  	[smem:$0x3FC2] =	sst s2  }
0x8f: {  	_ = 	snop  }
0x90: {  	(tm) =	ssettm $0x1  }
0x91: {  	s17 =	sld [smem:$0x3FFB];
	_ =	sdelay $0x3  }
0x92: {  	_ =	strace s17  }
0x93: {  	s2 =	sld [smem:$0x3FFC];
	_ =	sdelay $0x3  }
0x94: {  	_ =	strace s2  }
0x95: {  	s2 =	sld [smem:$0x3FFD];
	_ =	sdelay $0x3  }
0x96: {  	_ =	strace s2  }
0x97: {  	_ =	strace $0x8FFFFFFF  }
0x98: {  	s18 =	sld [smem:$0x3FDB];
	_ =	sdelay $0x1  }
0x99: {  	s19 =	simm.s32 $_scs_section_size  }
0x9a: {  	s4 =	simm.s32 $_size__tile_overlayer_lowered;
	s5 =	simm.s32 $_tile_overlayer_lowered  }
0x9b: {  	s22 =	simm.s32 $0x1BFF;
	s21 =	sshll.u32 s5, $0x1;
	s2 =	sadd.s32 s19, s18  }
0x9c: {  	s6 =	simm.s32 $0x0;
	s20 =	sshll.u32 s4, $0x1;
	s4 =	sadd.s32 s21, s2  }
0x9d: {  	[timem:s6], [sflag:s22] =	dma.local [hbm:s4], s20  }
0x9e: {  	_ =	swait.ge [sflag:s22], s20  }
0x9f: {  	s3 =	ssub.s32 $0x0, s20;
	[sflag:s22] =	ssyncset.done $0x0  }
0xa0: {  	[sflag:s22] =	ssyncadd.s32 s3;
	_ =	sdelay $0x1  }
0xa1: {  	s23 =	simm.s32 $0x1B8B  }
0xa2: {  	_ =	swait.ge [sflag:s23], $0x1  }
0xa3: {  	[sflag:s23] =	ssyncset.done $0x0  }
0xa4: {  	s25 =	simm.s32 $0x1B8E;
	s24 =	sld [smem:$0x3FFE];
	[sflag:s23] =	ssyncadd.s32 $0xFFFFFFFF  }
0xa5: {  	s26 =	simm.s32 $execute0_lowered;
	[smem:$0x3FD2] =	sst s25  }
0xa6: {  	s4 =	sshll.u32 s26, $0x1;
	_ =	strace $0x80000046;
	[dreg:$0x1] =	wrdreg $0xFFFFFFFF  }
0xa7: {  	s28 =	simm.s32 $_size_execute0_lowered;
	s2 =	sadd.s32 s2, s4;
	[dreg:$0x0] =	wrdreg $0x0  }
0xa8: {  	s4 =	sshll.u32 s28, $0x1;
	[dreg:$0x2] =	wrdreg s2  }
0xa9: {  	[dreg:$0x3] =	wrdreg s4  }
0xaa: {  	[dreg:$0x4] =	wrdreg $0xC0  }
0xab: {  	_ =	task [dreg:s6], $0x5FFFF  }
0xac: {  	[dreg:$0x1] =	wrdreg $0xFFFFFFFF  }
0xad: {  	[dreg:$0x0] =	wrdreg $0x60  }
0xae: {  	[dreg:$0x2] =	wrdreg s24  }
0xaf: {  	[dreg:$0x3] =	wrdreg $0x9  }
0xb0: {  	_ =	task.clear_ibuf [dreg:s6], $0x4FFFF;
	_ =	strace $0x90000046  }
0xb1: {  	s29 =	simm.s32 $0x9;
	_ =	strace $0x80000048  }
0xb2: {  	_ =	swait.ge [sflag:s29], $0x1  }
0xb3: {  	[sflag:s29] =	ssyncadd.s32 $0xFFFFFFFF  }
0xb4: {  	_ =	strace $0x90000048  }
0xb5: {  	_ =	sfence  }
0xb6: {  	s30 =	sld [smem:$0x0];
	_ =	sdelay $0x2  }
0xb7: {  	s31 =	sshll.u32 s1, $0xD;
	s1 =	sshrl.u32 s1, $0x2  }
0xb8: {  	s3 =	sand.u32 $0x4000, s31;
	s1 =	sadd.s32 s1, s30  }
0xb9: {  	s0 =	sor.u32 s3, s0;
	s1 =	sshll.u32 s1, $0x11  }
0xba: {  	s0 =	sor.u32 s1, s0  }
0xbb: {  	s0 =	sadd.s32 $0x8F2B, s0  }
0xbc: {  	[sflag:s0] =	ssyncadd.remote.s32 $0x1  }
0xbd: {  	_ =	sfence.sel $0xFFFF  }
0xbe: {  	[dreg:$0x0] =	wrdreg $0xFFFFFFFF;
	(pc) =	sbr.abs _section_cstart, $3  }
0xbf: {  	[dreg:$0x1] =	wrdreg $0xFFFFFFFF  }
0xc0: {  	_ =	task.clear_ibuf [dreg:s6], $0x2FFFF;
	_ =	strace $0x9FFFFFFF  }
0xc1: {  	(tm) =	ssettm $0x7FFFFFFF  }
tec
execute0_lowered:
.L_overlay_start_1:
0x0: {  	(tag) =	ssettag $0x1  }
0x1: {  	s4 =	rddreg [dreg:$0x0]  }
0x2: {  	s0 =	rddreg [dreg:$0x1];
	s2 =	simm.s32 $0x0;
	s1 =	stileid.u32  }
0x3: {  	s3 =	srdreg.scid;
	s10 =	simm.s32 $0x0;
	s6 =	smul.u32 $0x1900, s1  }
0x4: {  	[smem:$0x7FF] =	sst s2;
	s5 =	sand.u32 $0x1, s3;
	s8 =	smul.u32 $0x6400, s1  }
0x5: {  	s3 =	sadd.s32 $0x2C00, s4;
	s7 =	smul.u32 $0xC80, s5;
	s9 =	ssub.s32 $0x2, s5  }
0x6: {  	_ =	strace $0x80000047;
	s5 =	smul.u32 $0x3200, s5;
	s31 =	sshrl.u32 s9, $0x1  }
0x7: {  	s8 =	sadd.s32 s8, s4;
	s6 =	sadd.s32 s7, s6;
	s7 =	ssub.s32 s9, s31  }
0x8: {  	s5 =	sadd.s32 s5, s8;
	s8 =	simm.s32 $0x80;
	s6 =	sshrl.u32 s6, $0x3  }
0x9: {  	s9 =	simm.s32 $0x1;
	s5 =	sadd.s32 $0x95E00, s5;
	s6 =	sadd.s32 s6, s4  }
0xa: {  	s4 =	smax.u32 s7, $0x1;
	s7 =	simm.s32 $0x2;
	s6 =	sadd.s32 $0x92C00, s6  }
.LBB2_1:
0xb: {  	s11 =	sadd.s32 $0x0, s6  }
0xc: {  	[tilespmem:s2], [sflag:$0x2] =	stream.linear.gather [hbm4b:s11+s2], $0x80, $0x38;
	[tilespmem:$0x1080] =	vst v63  }
0xd: {  	_ =	swait.ge [sflag:s7], $0x80  }
0xe: {  	[sflag:s7] =	ssyncset.done $0x0  }
0xf: {  	[sflag:s7] =	ssyncadd.s32 $0xFFFFFF80  }
0x10: {  	[tilespmem:s8], [sflag:$0x1] =	stream.indirect.gather [hbm4b:s3+s8], $0x20, s2, s8, $0xb8;
	[tilespmem:$0x1080] =	vst v63  }
0x11: {  	_ =	swait.ge [sflag:s9], $0x1000  }
0x12: {  	[sflag:s9] =	ssyncset.done $0x0  }
0x13: {  	[sflag:s9] =	ssyncadd.s32 $0xFFFFF000  }
0x14: {  	[hbm4b:s5+s2] =	stream.linear.scatter [tilespmem:s8], [sflag:$0x2], $0x1000, $0x38;
	[tilespmem:$0x1080] =	vst v63  }
0x15: {  	s12 =	simm.s32 $0x10;
	_ =	swait.ge [sflag:s7], $0x1000  }
0x16: {  	s13 =	simm.s32 $0x20;
	s11 =	sadd.s32 $0x200, s5;
	[sflag:s7] =	ssyncset.done $0x0  }
.LBB2_2:
0x17: {  	s14 =	sadd.s32 s12, s6  }
0x18: {  	[sflag:s7] =	ssyncadd.s32 $0xFFFFF000;
	s12 =	smov.u32 s13;
	s15 =	sadd.s32 $0x10, s13  }
0x19: {  	[tilespmem:s2], [sflag:$0x2] =	stream.linear.gather [hbm4b:s14+s2], $0x80, $0x38;
	[tilespmem:$0x1080] =	vst v63  }
0x1a: {  	p0 =	sne.s32 s13, $0x180;
	_ =	swait.ge [sflag:s7], $0x80  }
0x1b: {  	[sflag:s7] =	ssyncset.done $0x0  }
0x1c: {  	[sflag:s7] =	ssyncadd.s32 $0xFFFFFF80  }
0x1d: {  	[tilespmem:s8], [sflag:$0x1] =	stream.indirect.gather [hbm4b:s3+s8], $0x20, s2, s8, $0xb8;
	[tilespmem:$0x1080] =	vst v63  }
0x1e: {  	_ =	swait.ge [sflag:s9], $0x1000  }
.Ltmp0:
0x1f: {  	[sflag:s9] =	ssyncset.done $0x0;
	(pc) =	sbr.rel @p0 .LBB2_2-.Ltmp0, $4  }
0x20: {  	[sflag:s9] =	ssyncadd.s32 $0xFFFFF000  }
0x21: {  	[hbm4b:s11+s2] =	stream.linear.scatter [tilespmem:s8], [sflag:$0x2], $0x1000, $0x38;
	[tilespmem:$0x1080] =	vst v63  }
0x22: {  	_ =	swait.ge [sflag:s7], $0x1000  }
0x23: {  	s13 =	smov.u32 s15;
	s11 =	sadd.s32 $0x200, s11;
	[sflag:s7] =	ssyncset.done $0x0  }
0x24: {  	s12 =	sadd.s32 s12, s6;
	[sflag:s7] =	ssyncadd.s32 $0xFFFFF000  }
0x25: {  	[tilespmem:s2], [sflag:$0x2] =	stream.linear.gather [hbm4b:s12+s2], $0x80, $0x38;
	[tilespmem:$0x1080] =	vst v63  }
0x26: {  	_ =	swait.ge [sflag:s7], $0x80  }
0x27: {  	[sflag:s7] =	ssyncset.done $0x0  }
0x28: {  	[sflag:s7] =	ssyncadd.s32 $0xFFFFFF80  }
0x29: {  	[tilespmem:s8], [sflag:$0x1] =	stream.indirect.gather [hbm4b:s3+s8], $0x20, s2, s8, $0xb8;
	[tilespmem:$0x1080] =	vst v63  }
0x2a: {  	s10 =	sadd.s32 $0x1, s10;
	_ =	swait.ge [sflag:s9], $0x1000  }
0x2b: {  	p0 =	sne.s32 s10, s4;
	[sflag:s9] =	ssyncset.done $0x0  }
.Ltmp1:
0x2c: {  	[sflag:s9] =	ssyncadd.s32 $0xFFFFF000;
	(pc) =	sbr.rel @p0 .LBB2_1-.Ltmp1, $4  }
0x2d: {  	[hbm4b:s11+s2] =	stream.linear.scatter [tilespmem:s8], [sflag:$0x2], $0x1000, $0x38;
	[tilespmem:$0x1080] =	vst v63  }
0x2e: {  	_ =	swait.ge [sflag:s7], $0x1000  }
0x2f: {  	[sflag:s7] =	ssyncset.done $0x0  }
0x30: {  	[sflag:s7] =	ssyncadd.s32 $0xFFFFF000  }
0x31: {  	_ =	sfence.sel $0x180000  }
0x32: {  	[bflag:$0x0] =	sbarrier.arrive $0xFFFF  }
0x33: {  	p0 =	sne.s32 s1, $0x0;
	_ =	strace $0x90000047  }
0x34: {  	s0 =	sadd.s32 @!p0 $0x100000, s0;
	[bflag:$0x2] =	sbarrier.arrive $0xFFFF  }
0x35: {  	[sflag:s0] =	ssyncadd.tile.s32 @!p0 $0x1;
	_ =	shalt  }
.Lfunc_end2:
_tile_overlayer_lowered:
.L_overlay_start_2:
0x36: {  	(tag) =	ssettag $0x2  }
0x37: {  	s0 =	rddreg [dreg:$0x0];
	s2 =	stileid.u32  }
0x38: {  	s1 =	rddreg [dreg:$0x1];
	p0 =	sne.s32 s2, $0x0  }
0x39: {  	s3 =	rddreg [dreg:$0x2];
	[bflag:$0x3] =	sbarrier.arrive $0xFFFF;
	s2 =	simm.s32 @!p0 $0x1C02  }
0x3a: {  	[timem:s3], [sflag:s2] =	dma.local @!p0 [hbm:s0], s1  }
0x3b: {  	s0 =	simm.s32 @!p0 $0x2  }
0x3c: {  	_ =	swait.ge @!p0 [sflag:s0], s1  }
0x3d: {  	s1 =	ssub.s32 @!p0 $0x0, s1;
	[sflag:s0] =	ssyncset.done @!p0 $0x0  }
0x3e: {  	[sflag:s0] =	ssyncadd.s32 @!p0 s1  }
0x3f: {  	[bflag:$0x3] =	sbarrier.arrive $0xFFFF  }
0x40: {  	_ =	shalt  }

// kernel: kernel.13.cloned.1.call-start
scs
__scs_entry_jumppad:
0x0: {  	(pc) =	sbr.rel $0x88, $3  }
0x1: {  	(tag) =	ssettag $0x0;
	lr =	simm.s32 $0x1  }
0x2: {  	[smem:$0x3F9B] =	sst lr;
	_ =	strace $0xD0000000  }
0x3: {  	_ = 	snop  }
0x4: {  	_ = 	snop  }
0x5: {  	_ = 	snop  }
0x6: {  	_ = 	snop  }
0x7: {  	_ = 	snop  }
__scs_overlays_trampoline_lowered:
0x8: {  	[smem:$0x3FAA] =	sst s0  }
0x9: {  	[smem:$0x3FAB] =	sst s1  }
0xa: {  	[smem:$0x3FAC] =	sst s2  }
0xb: {  	[smem:$0x3FAD] =	sst s3  }
0xc: {  	[smem:$0x3FAE] =	sst s4  }
0xd: {  	[smem:$0x3FAF] =	sst s5  }
0xe: {  	[smem:$0x3FB0] =	sst s6  }
0xf: {  	[smem:$0x3FB1] =	sst s7  }
0x10: {  	[smem:$0x3FB2] =	sst s8  }
0x11: {  	[smem:$0x3FB3] =	sst s9;
	s0 =	simm.s32 @!p0 $0x0  }
0x12: {  	s1 =	sld [smem:$0x3F99];
	s0 =	simm.s32 @p0 $0x1  }
0x13: {  	[smem:$0x3FB4] =	sst s0;
	s0 =	simm.s32 @!p1 $0x0  }
0x14: {  	s2 =	sld [smem:$0x3F98];
	s0 =	simm.s32 @p1 $0x1  }
0x15: {  	[smem:$0x3FB5] =	sst s0;
	s0 =	simm.s32 @!p2 $0x0  }
0x16: {  	s3 =	sld [smem:$0x3FDB];
	s0 =	simm.s32 @p2 $0x1  }
0x17: {  	s4 =	simm.s32 $0x1BF5;
	[smem:$0x3FB7] =	sst s0  }
0x18: {  	s0 =	sld [smem:$0x3F9A];
	_ =	swait.ge [sflag:s4], $0x0  }
0x19: {  	s7 =	sld [smem:$0x3F9B]  }
0x1a: {  	s8 =	sadd.s32 $0xFFFFE003, lr  }
0x1b: {  	s9 =	sadd.s32 $0xFFFFFEF7, lr;
	s5 =	simm.s32 $0xFFFFFFFF;
	p2 =	slt.u32 s8, $0xFFFFF086  }
0x1c: {  	p1 =	slt.u32 s9, $0xF7A;
	s5 =	simm.s32 @!p2 $0x0  }
0x1d: {  	s5 =	simm.s32 @p1 $0x1;
	p0 =	seq.s32 s7, s2  }
0x1e: {  	s7 =	smul.u32 @!p0 $0xF7A, s2;
	p2 =	seq.s32 @!p0 s5, $0x0  }
0x1f: {  	s9 =	smul.u32 $0xF7A, s1;
	s8 =	simm.s32 @!p0 $0x1BF5;
	p2 =	por !p2, p0  }
0x20: {  	[sflag:s8] =	ssyncset.s32 @!p0 $0xFFFFF086;
	s6 =	sadd.s32 @!p0 s3, s7;
	s7 =	simm.s32 @!p0 $0x108  }
0x21: {  	s3 =	sadd.s32 s3, s9;
	s6 =	sadd.s32 @!p0 $0x88, s6;
	s7 =	simm.s32 @p2 $0x1082  }
0x22: {  	[simem:s7], [sflag:s8] =	dma.local @!p0 [hbm:s6], $0xF7A  }
0x23: {  	s9 =	sor.u32 $0xD0000000, s2;
	s6 =	simm.s32 $0x108;
	_ =	swait.ge @!p0 [sflag:s8], $0x0  }
0x24: {  	s3 =	sadd.s32 $0x88, s3;
	s6 =	simm.s32 @!p1 $0x1082;
	[sflag:s4] =	ssyncset.s32 $0xFFFFF086  }
0x25: {  	[simem:s6], [sflag:s4] =	dma.local [hbm:s3], $0xF7A  }
0x26: {  	[smem:$0x3F9B] =	sst s1;
	(tag) =	ssettag s2;
	_ =	strace s9  }
0x27: {  	s1 =	sld [smem:$0x3FAB]  }
0x28: {  	s2 =	sld [smem:$0x3FAC]  }
0x29: {  	s4 =	sld [smem:$0x3FAE]  }
0x2a: {  	p0 =	seq.s32 s5, $0x0;
	s5 =	sld [smem:$0x3FAF]  }
0x2b: {  	s6 =	sld [smem:$0x3FB0]  }
0x2c: {  	s7 =	sld [smem:$0x3FB1]  }
0x2d: {  	s3 =	simm.s32 $0x108;
	s8 =	sld [smem:$0x3FB2]  }
0x2e: {  	s3 =	simm.s32 @!p0 $0x1082;
	s9 =	sld [smem:$0x3FB3]  }
0x2f: {  	lr =	sadd.s32 s0, s3;
	s0 =	sld [smem:$0x3FAA]  }
0x30: {  	s3 =	sld [smem:$0x3FAD]  }
0x31: {  	[smem:$0x3FB6] =	sst s10  }
0x32: {  	s10 =	sld [smem:$0x3FB4];
	_ =	sdelay $0x3  }
0x33: {  	p0 =	seq.s32 s10, $0x1;
	s10 =	sld [smem:$0x3FB6];
	_ =	sdelay $0x3  }
0x34: {  	[smem:$0x3FB6] =	sst s10  }
0x35: {  	s10 =	sld [smem:$0x3FB5];
	_ =	sdelay $0x3  }
0x36: {  	p1 =	seq.s32 s10, $0x1;
	s10 =	sld [smem:$0x3FB6];
	_ =	sdelay $0x3  }
0x37: {  	[smem:$0x3FB6] =	sst s10  }
0x38: {  	s10 =	sld [smem:$0x3FB7]  }
0x39: {  	_ = 	snop;
	(pc) =	sbr.ind lr, $3  }
0x3a: {  	_ = 	snop  }
0x3b: {  	_ = 	snop  }
0x3c: {  	p2 =	seq.s32 s10, $0x1;
	s10 =	sld [smem:$0x3FB6]  }
0x3d: {  	_ =	shalt  }
0x3e: {  	_ =	shalt  }
0x3f: {  	_ =	shalt  }
0x40: {  	_ =	shalt  }
0x41: {  	_ =	shalt  }
0x42: {  	_ =	shalt  }
0x43: {  	_ =	shalt  }
0x44: {  	_ =	shalt  }
0x45: {  	_ =	shalt  }
0x46: {  	_ =	shalt  }
0x47: {  	_ =	shalt  }
0x48: {  	_ =	shalt  }
0x49: {  	_ =	shalt  }
0x4a: {  	_ =	shalt  }
0x4b: {  	_ =	shalt  }
0x4c: {  	_ =	shalt  }
0x4d: {  	_ =	shalt  }
0x4e: {  	_ =	shalt  }
0x4f: {  	_ =	shalt  }
0x50: {  	_ =	shalt  }
0x51: {  	_ =	shalt  }
0x52: {  	_ =	shalt  }
0x53: {  	_ =	shalt  }
0x54: {  	_ =	shalt  }
0x55: {  	_ =	shalt  }
0x56: {  	_ =	shalt  }
0x57: {  	_ =	shalt  }
0x58: {  	_ =	shalt  }
0x59: {  	_ =	shalt  }
0x5a: {  	_ =	shalt  }
0x5b: {  	_ =	shalt  }
0x5c: {  	_ =	shalt  }
0x5d: {  	_ =	shalt  }
0x5e: {  	_ =	shalt  }
0x5f: {  	_ =	shalt  }
0x60: {  	_ =	shalt  }
0x61: {  	_ =	shalt  }
0x62: {  	_ =	shalt  }
0x63: {  	_ =	shalt  }
0x64: {  	_ =	shalt  }
0x65: {  	_ =	shalt  }
0x66: {  	_ =	shalt  }
0x67: {  	_ =	shalt  }
0x68: {  	_ =	shalt  }
0x69: {  	_ =	shalt  }
0x6a: {  	_ =	shalt  }
0x6b: {  	_ =	shalt  }
0x6c: {  	_ =	shalt  }
0x6d: {  	_ =	shalt  }
0x6e: {  	_ =	shalt  }
0x6f: {  	_ =	shalt  }
0x70: {  	_ =	shalt  }
0x71: {  	_ =	shalt  }
0x72: {  	_ =	shalt  }
0x73: {  	_ =	shalt  }
0x74: {  	_ =	shalt  }
0x75: {  	_ =	shalt  }
0x76: {  	_ =	shalt  }
0x77: {  	_ =	shalt  }
0x78: {  	_ =	shalt  }
0x79: {  	_ =	shalt  }
0x7a: {  	_ =	shalt  }
0x7b: {  	_ =	shalt  }
0x7c: {  	_ =	shalt  }
0x7d: {  	_ =	shalt  }
0x7e: {  	_ =	shalt  }
0x7f: {  	_ =	shalt  }
0x80: {  	_ =	shalt  }
0x81: {  	_ =	shalt  }
0x82: {  	_ =	shalt  }
0x83: {  	_ =	shalt  }
0x84: {  	_ =	shalt  }
0x85: {  	_ =	shalt  }
0x86: {  	_ =	shalt  }
0x87: {  	_ =	shalt  }
.Lfunc_end0:
.L_simem_size_0:
called_computation.1_lowered:
.L_overlay_start_0:
0x88: {  	s2 =	sld [smem:$0x3FD9]  }
0x89: {  	s3 =	sld [smem:$0x3FFE];
	_ =	sdelay $0x1  }
0x8a: {  	s1 =	srdreg.scid  }
0x8b: {  	s0 =	sand.u32 $0x1, s1  }
0x8c: {  	s14 =	sshll.u32 s0, $0xA;
	s2 =	sadd.s32 s3, s2  }
0x8d: {  	s2 =	sadd.s32 s2, s14  }
0x8e: {  	[smem:$0x3FC2] =	sst s2  }
0x8f: {  	_ = 	snop  }
0x90: {  	s2 =	sld [smem:$0x3FD0];
	_ =	sdelay $0x2  }
0x91: {  	s15 =	simm.s32 $0xA;
	s4 =	simm.s32 $0x10  }
0x92: {  	[smem:s4], [sflag:s15] =	dma.local [hbm:s2], $0x1  }
0x93: {  	_ =	swait.eq [sflag:s15], $0x1  }
0x94: {  	[sflag:s15] =	ssyncset.done $0x0  }
0x95: {  	[sflag:s15] =	ssyncadd.s32 $0xFFFFFFFF  }
0x96: {  	s16 =	sld [smem:$0x11];
	(tm) =	ssettm $0x1  }
0x97: {  	s17 =	sld [smem:$0x3FFB];
	_ =	sdelay $0x3  }
0x98: {  	_ =	strace s17  }
0x99: {  	s3 =	sld [smem:$0x3FFC];
	_ =	sdelay $0x3  }
0x9a: {  	_ =	strace s3  }
0x9b: {  	s3 =	sld [smem:$0x3FFD];
	_ =	sdelay $0x3  }
0x9c: {  	_ =	strace s3  }
0x9d: {  	_ =	strace $0x8FFFFFFF  }
0x9e: {  	s18 =	sld [smem:$0x3FDB];
	_ =	sdelay $0x1  }
0x9f: {  	s19 =	simm.s32 $_scs_section_size  }
0xa0: {  	s5 =	simm.s32 $_size__tile_overlayer_lowered;
	s6 =	simm.s32 $_tile_overlayer_lowered  }
0xa1: {  	s22 =	simm.s32 $0x1BFF;
	s21 =	sshll.u32 s6, $0x1;
	s3 =	sadd.s32 s19, s18  }
0xa2: {  	s7 =	simm.s32 $0x0;
	s20 =	sshll.u32 s5, $0x1;
	s5 =	sadd.s32 s21, s3  }
0xa3: {  	[timem:s7], [sflag:s22] =	dma.local [hbm:s5], s20  }
0xa4: {  	_ =	swait.ge [sflag:s22], s20  }
0xa5: {  	s4 =	ssub.s32 $0x0, s20;
	[sflag:s22] =	ssyncset.done $0x0  }
0xa6: {  	[sflag:s22] =	ssyncadd.s32 s4;
	_ =	sdelay $0x1  }
0xa7: {  	s23 =	simm.s32 $0x1B8B  }
0xa8: {  	_ =	swait.ge [sflag:s23], $0x1  }
0xa9: {  	[sflag:s23] =	ssyncset.done $0x0  }
0xaa: {  	s25 =	simm.s32 $0x1B8E;
	s24 =	sld [smem:$0x3FFE];
	[sflag:s23] =	ssyncadd.s32 $0xFFFFFFFF  }
0xab: {  	s26 =	simm.s32 $execute0_lowered;
	[smem:$0x3FD2] =	sst s25  }
0xac: {  	s5 =	sshll.u32 s26, $0x1;
	_ =	strace $0x80000049;
	[dreg:$0x1] =	wrdreg $0xFFFFFFFF  }
0xad: {  	s28 =	simm.s32 $_size_execute0_lowered;
	s3 =	sadd.s32 s3, s5;
	[dreg:$0x0] =	wrdreg $0x0  }
0xae: {  	s5 =	sshll.u32 s28, $0x1;
	[dreg:$0x2] =	wrdreg s3  }
0xaf: {  	[dreg:$0x3] =	wrdreg s5  }
0xb0: {  	[dreg:$0x4] =	wrdreg $0xC0  }
0xb1: {  	_ =	task [dreg:s7], $0x5FFFF  }
0xb2: {  	[dreg:$0x1] =	wrdreg $0xFFFFFFFF  }
0xb3: {  	[dreg:$0x0] =	wrdreg $0x60  }
0xb4: {  	[dreg:$0x2] =	wrdreg s24  }
0xb5: {  	[dreg:$0x3] =	wrdreg s16  }
0xb6: {  	[dreg:$0x4] =	wrdreg $0x9  }
0xb7: {  	_ =	task.clear_ibuf [dreg:s7], $0x5FFFF;
	_ =	strace $0x90000049  }
0xb8: {  	s29 =	simm.s32 $0x9;
	_ =	strace $0x8000004B  }
0xb9: {  	_ =	swait.ge [sflag:s29], $0x1  }
0xba: {  	[sflag:s29] =	ssyncadd.s32 $0xFFFFFFFF  }
0xbb: {  	_ =	strace $0x9000004B  }
0xbc: {  	_ =	sfence  }
0xbd: {  	s30 =	sld [smem:$0x0];
	_ =	sdelay $0x2  }
0xbe: {  	s31 =	sshll.u32 s1, $0xD;
	s1 =	sshrl.u32 s1, $0x2  }
0xbf: {  	s3 =	sand.u32 $0x4000, s31;
	s1 =	sadd.s32 s1, s30  }
0xc0: {  	s0 =	sor.u32 s3, s0;
	s1 =	sshll.u32 s1, $0x11  }
0xc1: {  	s0 =	sor.u32 s1, s0  }
0xc2: {  	s0 =	sadd.s32 $0x8F2B, s0  }
0xc3: {  	[sflag:s0] =	ssyncadd.remote.s32 $0x1  }
0xc4: {  	_ =	sfence.sel $0xFFFF  }
0xc5: {  	[dreg:$0x0] =	wrdreg $0xFFFFFFFF;
	(pc) =	sbr.abs _section_cstart, $3  }
0xc6: {  	[dreg:$0x1] =	wrdreg $0xFFFFFFFF  }
0xc7: {  	_ =	task.clear_ibuf [dreg:s7], $0x2FFFF;
	_ =	strace $0x9FFFFFFF  }
0xc8: {  	(tm) =	ssettm $0x7FFFFFFF  }
0xc9: {  	_ =	shalt  }
tec
execute0_lowered:
.L_overlay_start_1:
0x0: {  	(tag) =	ssettag $0x1  }
0x1: {  	s0 =	rddreg [dreg:$0x0]  }
0x2: {  	s1 =	rddreg [dreg:$0x1]  }
0x3: {  	s2 =	simm.s32 $0x0;
	s3 =	srdreg.scid;
	s6 =	stileid.u32  }
0x4: {  	s11 =	simm.s32 $0x1;
	s12 =	simm.s32 $0x6000;
	s13 =	simm.s32 $0x2  }
0x5: {  	s14 =	simm.s32 $0x7000;
	s23 =	simm.s32 $0x0;
	s3 =	sand.u32 $0x1, s3  }
0x6: {  	[smem:$0x7FF] =	sst s2;
	s4 =	sadd.s32 $0x1967200, s0;
	s7 =	ssub.s32 $0x2, s3  }
0x7: {  	s5 =	sadd.s32 $0xFA000, s0;
	s9 =	sshll.u32 s6, $0x1;
	s8 =	sshrl.u32 s7, $0x1  }
0x8: {  	s6 =	sadd.s32 $0x2C00, s0;
	_ =	strace $0x8000004A;
	s10 =	ssub.s32 s7, s8  }
0x9: {  	s3 =	sor.u32 s3, s9;
	s7 =	sadd.s32 $0x66C00, s0;
	s31 =	smax.u32 s10, $0x1  }
0xa: {  	v0 =	vimm.f32 $0.0e+00;
	s8 =	smul.u32 $0xC35, s3;
	s3 =	simm.s32 $0x0;
	[dreg:$0x3] =	wrdreg s31  }
.LBB2_1:
0xb: {  	[dreg:$0x4] =	wrdreg s3;
	[tilespmem:$0x7800] =	vst v0;
	s16 =	simm.s32 $0x0  }
.LBB2_2:
0xc: {  	s0 =	smul.u32 $0x7D, s16;
	_ =	sdelay $0x1  }
0xd: {  	s17 =	sadd.s32 s8, s0  }
0xe: {  	s0 =	sshrl.u32 s17, $0x3  }
0xf: {  	s3 =	simm.s32 $0x7880;
	s0 =	sadd.s32 s5, s0  }
0x10: {  	[tilespmem:s3], [sflag:$0x1] =	stream.linear.gather [hbm4b:s0+s2], $0x95, $0x38;
	[tilespmem:$0x7980] =	vst v63  }
0x11: {  	_ =	swait.ge [sflag:s11], $0x95  }
0x12: {  	s29 =	sshll.u32 s17, $0x2;
	[sflag:s11] =	ssyncset.done $0x0  }
0x13: {  	s0 =	sadd.s32 s6, s29;
	[sflag:s11] =	ssyncadd.s32 $0xFFFFFF6B  }
0x14: {  	[tilespmem:s12], [sflag:$0x1] =	stream.linear.gather [hbm4b:s0+s2], $0xFA0, $0x38;
	[tilespmem:$0x7980] =	vst v63  }
0x15: {  	_ =	swait.ge [sflag:s11], $0xFA0  }
0x16: {  	[sflag:s11] =	ssyncset.done $0x0  }
0x17: {  	s0 =	sand.u32 $0x7, s17;
	[sflag:s11] =	ssyncadd.s32 $0xFFFFF060  }
0x18: {  	v1 =	vld [tilespmem:s0+$0x7880]  }
0x19: {  	v2 =	vld [tilespmem:s0+$0x78FD];
	_ =	sdelay $0x3  }
0x1a: {  	(v2sf) =	vpush v1, $0x0  }
0x1b: {  	(v2sf) =	vpush v2, $0x0;
	_ =	sdelay $0xd  }
0x1c: {  	s18 =	spop (v2sf)  }
0x1d: {  	s19 =	spop (v2sf)  }
0x1e: {  	s30 =	ssub.s32 s19, s18  }
0x1f: {  	s3 =	sadd.s32 $0x1FF, s30  }
0x20: {  	s9 =	sand.u32 $0x1FF, s3  }
0x21: {  	s31 =	sshra.s32 s3, $0x1F;
	p1 =	slt.s32 s3, $0x1;
	p0 =	sne.s32 s9, $0x0  }
0x22: {  	s9 =	sshrl.u32 s31, $0x17;
	p0 =	por !p1, !p0  }
0x23: {  	s3 =	sadd.s32 s9, s3;
	s9 =	simm.s32 $0x1;
	p0 =	por !p0, !p0  }
0x24: {  	s3 =	sshra.s32 s3, $0x9;
	s9 =	simm.s32 @!p0 $0x0  }
0x25: {  	s20 =	ssub.s32 s3, s9  }
0x26: {  	p0 =	slt.s32 s20, $0x1  }
.Ltmp0:
0x27: {  	_ = 	snop;
	(pc) =	sbr.rel @p0 .LBB2_14-.Ltmp0, $2  }
0x28: {  	_ =	sdelay $0x2  }
0x29: {  	s21 =	smov.u32 s17  }
.Ltmp1:
0x2a: {  	(pc) =	sbr.rel .LBB2_4-.Ltmp1, $3  }
0x2b: {  	_ =	sdelay $0x1  }
0x2c: {  	s0 =	sor.u32 $0x7880, s0  }
0x2d: {  	s22 =	ssub.s32 $0x0, s18;
	s21 =	smov.u32 s17;
	s24 =	simm.s32 $0x0;
	v1 =	vmov s0  }
.LBB2_13:
0x2e: {  	s26 =	ssub.s32 s26, s25  }
0x2f: {  	s0 =	sand.u32 $0x200, s26  }
0x30: {  	p0 =	seq.s32 s0, $0x0  }
0x31: {  	s31 =	sand.u32 $0x100, s26;
	s3 =	sshll.u32 @!p0 s25, $0x2  }
0x32: {  	p1 =	seq.s32 s31, $0x0;
	s3 =	sand.u32 @!p0 $0x1FFFFFFC, s3  }
0x33: {  	s9 =	simm.s32 @!p0 $0x0;
	s10 =	simm.s32 @!p0 $0x2000;
	s3 =	sadd.s32 @!p0 s1, s3  }
0x34: {  	[hbm4b:s3+s9] =	stream.linear.scatter @!p0 [tilespmem:s10], [sflag:$0x2], $0x4000, $0x38;
	[tilespmem:$0x7980] =	vst v63  }
0x35: {  	s9 =	simm.s32 @!p0 $0x2;
	s3 =	sadd.s32 @!p1 s25, s0  }
0x36: {  	s0 =	sshll.u32 @!p1 s0, $0x5;
	_ =	swait.ge @!p0 [sflag:s9], $0x4000;
	s3 =	sshll.u32 @!p1 s3, $0x2  }
0x37: {  	s0 =	sadd.s32 @!p1 $0x2000, s0;
	[sflag:s9] =	ssyncset.done @!p0 $0x0;
	s3 =	sand.u32 @!p1 $0x1FFFFFFC, s3  }
0x38: {  	[sflag:s9] =	ssyncadd.s32 @!p0 $0xFFFFC000;
	s3 =	sadd.s32 @!p1 s1, s3;
	s9 =	simm.s32 @!p1 $0x0  }
0x39: {  	[hbm4b:s3+s9] =	stream.linear.scatter @!p1 [tilespmem:s0], [sflag:$0x2], $0x2000, $0x38;
	[tilespmem:$0x7980] =	vst v63  }
0x3a: {  	s3 =	sand.u32 $0x80, s26  }
0x3b: {  	p0 =	seq.s32 s3, $0x0  }
0x3c: {  	s0 =	simm.s32 @!p1 $0x2;
	s3 =	sand.u32 @!p0 $0x300, s26  }
0x3d: {  	_ =	swait.ge @!p1 [sflag:s0], $0x2000;
	s9 =	sadd.s32 @!p0 s25, s3  }
0x3e: {  	[sflag:s0] =	ssyncset.done @!p1 $0x0;
	s9 =	sshll.u32 @!p0 s9, $0x2  }
0x3f: {  	[sflag:s0] =	ssyncadd.s32 @!p1 $0xFFFFE000;
	s3 =	sshll.u32 @!p0 s3, $0x5;
	s0 =	sand.u32 @!p0 $0x1FFFFFFC, s9  }
0x40: {  	s3 =	sadd.s32 @!p0 $0x2000, s3;
	s9 =	simm.s32 @!p0 $0x0;
	s0 =	sadd.s32 @!p0 s1, s0  }
0x41: {  	[hbm4b:s0+s9] =	stream.linear.scatter @!p0 [tilespmem:s3], [sflag:$0x2], $0x1000, $0x38;
	[tilespmem:$0x7980] =	vst v63  }
0x42: {  	s9 =	sand.u32 $0x40, s26  }
0x43: {  	s0 =	simm.s32 @!p0 $0x2;
	p1 =	seq.s32 s9, $0x0  }
0x44: {  	_ =	swait.ge @!p0 [sflag:s0], $0x1000;
	s3 =	sand.u32 @!p1 $0x380, s26  }
0x45: {  	[sflag:s0] =	ssyncset.done @!p0 $0x0;
	s9 =	sadd.s32 @!p1 s25, s3  }
0x46: {  	s10 =	sand.u32 $0x20, s26;
	[sflag:s0] =	ssyncadd.s32 @!p0 $0xFFFFF000;
	s9 =	sshll.u32 @!p1 s9, $0x2  }
0x47: {  	s3 =	sshll.u32 @!p1 s3, $0x5;
	p0 =	seq.s32 s10, $0x0;
	s0 =	sand.u32 @!p1 $0x1FFFFFFC, s9  }
0x48: {  	s3 =	sadd.s32 @!p1 $0x2000, s3;
	s9 =	simm.s32 @!p1 $0x0;
	s0 =	sadd.s32 @!p1 s1, s0  }
0x49: {  	[hbm4b:s0+s9] =	stream.linear.scatter @!p1 [tilespmem:s3], [sflag:$0x2], $0x800, $0x38;
	[tilespmem:$0x7980] =	vst v63  }
0x4a: {  	s0 =	simm.s32 @!p1 $0x2;
	s3 =	sand.u32 @!p0 $0x3C0, s26  }
0x4b: {  	s15 =	sand.u32 $0x10, s26;
	_ =	swait.ge @!p1 [sflag:s0], $0x800;
	s9 =	sadd.s32 @!p0 s25, s3  }
0x4c: {  	s3 =	sshll.u32 @!p0 s3, $0x5;
	[sflag:s0] =	ssyncset.done @!p1 $0x0;
	s9 =	sshll.u32 @!p0 s9, $0x2  }
0x4d: {  	s3 =	sadd.s32 @!p0 $0x2000, s3;
	[sflag:s0] =	ssyncadd.s32 @!p1 $0xFFFFF800;
	s0 =	sand.u32 @!p0 $0x1FFFFFFC, s9  }
0x4e: {  	s9 =	simm.s32 @!p0 $0x0;
	p1 =	seq.s32 s15, $0x0;
	s0 =	sadd.s32 @!p0 s1, s0  }
0x4f: {  	[hbm4b:s0+s9] =	stream.linear.scatter @!p0 [tilespmem:s3], [sflag:$0x2], $0x400, $0x38;
	[tilespmem:$0x7980] =	vst v63  }
0x50: {  	s0 =	simm.s32 @!p0 $0x2;
	s3 =	sand.u32 @!p1 $0x3E0, s26  }
0x51: {  	s28 =	sand.u32 $0x8, s26;
	_ =	swait.ge @!p0 [sflag:s0], $0x400;
	s9 =	sadd.s32 @!p1 s25, s3  }
0x52: {  	s3 =	sshll.u32 @!p1 s3, $0x5;
	[sflag:s0] =	ssyncset.done @!p0 $0x0;
	s9 =	sshll.u32 @!p1 s9, $0x2  }
0x53: {  	s3 =	sadd.s32 @!p1 $0x2000, s3;
	[sflag:s0] =	ssyncadd.s32 @!p0 $0xFFFFFC00;
	s0 =	sand.u32 @!p1 $0x1FFFFFFC, s9  }
0x54: {  	s9 =	simm.s32 @!p1 $0x0;
	p0 =	seq.s32 s28, $0x0;
	s0 =	sadd.s32 @!p1 s1, s0  }
0x55: {  	[hbm4b:s0+s9] =	stream.linear.scatter @!p1 [tilespmem:s3], [sflag:$0x2], $0x200, $0x38;
	[tilespmem:$0x7980] =	vst v63  }
0x56: {  	s0 =	simm.s32 @!p1 $0x2;
	s3 =	sand.u32 @!p0 $0x3F0, s26  }
0x57: {  	s29 =	sand.u32 $0x4, s26;
	_ =	swait.ge @!p1 [sflag:s0], $0x200;
	s9 =	sadd.s32 @!p0 s25, s3  }
0x58: {  	s3 =	sshll.u32 @!p0 s3, $0x5;
	[sflag:s0] =	ssyncset.done @!p1 $0x0;
	s9 =	sshll.u32 @!p0 s9, $0x2  }
0x59: {  	s3 =	sadd.s32 @!p0 $0x2000, s3;
	[sflag:s0] =	ssyncadd.s32 @!p1 $0xFFFFFE00;
	s0 =	sand.u32 @!p0 $0x1FFFFFFC, s9  }
0x5a: {  	s9 =	simm.s32 @!p0 $0x0;
	p1 =	seq.s32 s29, $0x0;
	s0 =	sadd.s32 @!p0 s1, s0  }
0x5b: {  	[hbm4b:s0+s9] =	stream.linear.scatter @!p0 [tilespmem:s3], [sflag:$0x2], $0x100, $0x38;
	[tilespmem:$0x7980] =	vst v63  }
0x5c: {  	s0 =	simm.s32 @!p0 $0x2;
	s3 =	sand.u32 @!p1 $0x3F8, s26  }
0x5d: {  	s30 =	sand.u32 $0x2, s26;
	_ =	swait.ge @!p0 [sflag:s0], $0x100;
	s9 =	sadd.s32 @!p1 s25, s3  }
0x5e: {  	s3 =	sshll.u32 @!p1 s3, $0x5;
	[sflag:s0] =	ssyncset.done @!p0 $0x0;
	s9 =	sshll.u32 @!p1 s9, $0x2  }
0x5f: {  	s3 =	sadd.s32 @!p1 $0x2000, s3;
	[sflag:s0] =	ssyncadd.s32 @!p0 $0xFFFFFF00;
	s0 =	sand.u32 @!p1 $0x1FFFFFFC, s9  }
0x60: {  	s9 =	simm.s32 @!p1 $0x0;
	p0 =	seq.s32 s30, $0x0;
	s0 =	sadd.s32 @!p1 s1, s0  }
0x61: {  	[hbm4b:s0+s9] =	stream.linear.scatter @!p1 [tilespmem:s3], [sflag:$0x2], $0x80, $0x38;
	[tilespmem:$0x7980] =	vst v63  }
0x62: {  	s0 =	simm.s32 @!p1 $0x2;
	s3 =	sand.u32 @!p0 $0x3FC, s26  }
0x63: {  	s31 =	sand.u32 $0x1, s26;
	_ =	swait.ge @!p1 [sflag:s0], $0x80;
	s9 =	sadd.s32 @!p0 s25, s3  }
0x64: {  	s3 =	sshll.u32 @!p0 s3, $0x5;
	[sflag:s0] =	ssyncset.done @!p1 $0x0;
	s9 =	sshll.u32 @!p0 s9, $0x2  }
0x65: {  	s3 =	sadd.s32 @!p0 $0x2000, s3;
	[sflag:s0] =	ssyncadd.s32 @!p1 $0xFFFFFF80;
	s0 =	sand.u32 @!p0 $0x1FFFFFFC, s9  }
0x66: {  	s9 =	simm.s32 @!p0 $0x0;
	p1 =	seq.s32 s31, $0x0;
	s0 =	sadd.s32 @!p0 s1, s0  }
0x67: {  	[hbm4b:s0+s9] =	stream.linear.scatter @!p0 [tilespmem:s3], [sflag:$0x2], $0x40, $0x38;
	[tilespmem:$0x7980] =	vst v63  }
0x68: {  	s0 =	simm.s32 @!p0 $0x2;
	s3 =	sand.u32 @!p1 $0x3FE, s26  }
0x69: {  	s24 =	sadd.s32 $0x1, s24;
	_ =	swait.ge @!p0 [sflag:s0], $0x40;
	s9 =	sadd.s32 @!p1 s25, s3  }
0x6a: {  	s3 =	sshll.u32 @!p1 s3, $0x5;
	[sflag:s0] =	ssyncset.done @!p0 $0x0;
	s9 =	sshll.u32 @!p1 s9, $0x2  }
0x6b: {  	s3 =	sadd.s32 @!p1 $0x2000, s3;
	[sflag:s0] =	ssyncadd.s32 @!p0 $0xFFFFFFC0;
	s0 =	sand.u32 @!p1 $0x1FFFFFFC, s9  }
0x6c: {  	s9 =	simm.s32 @!p1 $0x0;
	p0 =	sne.s32 s24, s20;
	s0 =	sadd.s32 @!p1 s1, s0  }
0x6d: {  	[hbm4b:s0+s9] =	stream.linear.scatter @!p1 [tilespmem:s3], [sflag:$0x1], $0x20, $0x38;
	[tilespmem:$0x7980] =	vst v63  }
.Ltmp2:
0x6e: {  	_ = 	snop;
	(pc) =	sbr.rel @!p0 .LBB2_14-.Ltmp2, $4  }
0x6f: {  	s0 =	simm.s32 @!p1 $0x1  }
0x70: {  	_ =	swait.ge @!p1 [sflag:s0], $0x20  }
0x71: {  	[sflag:s0] =	ssyncset.done @!p1 $0x0  }
0x72: {  	s22 =	sadd.s32 $0xFFFFFE00, s22;
	[sflag:s0] =	ssyncadd.s32 @!p1 $0xFFFFFFE0  }
.LBB2_4:
0x73: {  	s0 =	sshll.u32 s24, $0x9  }
0x74: {  	s25 =	sadd.s32 s18, s0  }
0x75: {  	s0 =	sshll.u32 s25, $0x1  }
0x76: {  	s0 =	sand.u32 $0x1FFFFFFE, s0  }
.Ltmp3:
0x77: {  	s0 =	sadd.s32 s4, s0;
	(pc) =	sbr.rel .LBB2_5-.Ltmp3, $4  }
0x78: {  	[tilespmem:s23], [sflag:$0x2] =	stream.linear.gather [hbm4b:s0+s23], $0x2000, $0x38;
	[tilespmem:$0x7980] =	vst v63  }
0x79: {  	s26 =	smov.u32 s19;
	s0 =	sadd.s32 $0x200, s25;
	_ =	swait.ge [sflag:s13], $0x2000  }
0x7a: {  	s29 =	simm.s32 $0x0;
	p0 =	slt.s32 s0, s19;
	[sflag:s13] =	ssyncset.done $0x0  }
0x7b: {  	s28 =	smov.u32 s25;
	s26 =	smov.u32 @p0 s0;
	[sflag:s13] =	ssyncadd.s32 $0xFFFFE000  }
.LBB2_7:
0x7c: {  	s3 =	smov.u32 s9  }
.LBB2_11:
0x7d: {  	v4 =	vadd.f32 v4, v5  }
0x7e: {  	s3 =	sadd.s32 @p1 $0x20, s3  }
0x7f: {  	s9 =	smov.u32 @p1 s3;
	[tilespmem:$0x7800] =	vst v4  }
0x80: {  	[tilespmem:s9+$0xFFFFFFF0] =	vst v2  }
0x81: {  	[tilespmem:s9+$0x0] =	vst v3  }
.LBB2_12:
0x82: {  	s28 =	sadd.s32 s28, s0;
	v2 =	vld [tilespmem:$0x7800]  }
0x83: {  	p1 =	seq.s32 s28, s31  }
0x84: {  	p0 =	por !p0, !p1  }
0x85: {  	s0 =	simm.f32 $0.0e+00;
	p0 =	por !p0, !p0  }
0x86: {  	s0 =	simm.s32 @!p0 $0x3F800000  }
0x87: {  	s3 =	sshll.u32 s30, $0x4;
	s29 =	sadd.s32 $0x1, s29;
	v3 =	vmul.f32 s0, v2;
	s0 =	simm.s32 $0x1  }
0x88: {  	s3 =	simm.s32 @!p0 $0x7D0;
	s0 =	simm.s32 @!p0 $0x0;
	p0 =	sne.s32 s29, $0x7E  }
.Ltmp4:
0x89: {  	_ = 	snop;
	(pc) =	sbr.rel @!p0 .LBB2_13-.Ltmp4, $3  }
0x8a: {  	_ =	sdelay $0x1  }
0x8b: {  	[tilespmem:s3+$0x7000] =	vst v2  }
0x8c: {  	[tilespmem:$0x7800] =	vst v3;
	s21 =	sadd.s32 s0, s21  }
.LBB2_5:
0x8d: {  	_ = 	snop  }
0x8e: {  	s30 =	ssub.s32 s21, s17  }
0x8f: {  	p0 =	slt.s32 s30, $0x7D  }
0x90: {  	s30 =	simm.s32 @!p0 $0x7D  }
0x91: {  	v2 =	vld.idx.msk [tilespmem:v1+s30+$0x1 ss:$0x1], $0xffff;
	_ =	sdelay $0x4  }
0x92: {  	(v2sf) =	vpush v2, $0x0;
	_ =	sdelay $0xe  }
0x93: {  	s31 =	spop (v2sf)  }
0x94: {  	s0 =	smov.u32 s26;
	p0 =	slt.s32 s31, s26  }
0x95: {  	s0 =	smov.u32 @p0 s31  }
0x96: {  	s0 =	ssub.s32 s0, s28  }
0x97: {  	p1 =	sgt.s32 s0, $0x0  }
0x98: {  	p0 =	slt.s32 s28, s26;
	s0 =	simm.s32 @!p1 $0x0  }
0x99: {  	s0 =	simm.s32 @!p0 $0x0  }
0x9a: {  	p1 =	seq.s32 s0, $0x0  }
.Ltmp5:
0x9b: {  	_ = 	snop;
	(pc) =	sbr.rel @p1 .LBB2_12-.Ltmp5, $1  }
0x9c: {  	_ =	sdelay $0x3  }
0x9d: {  	s3 =	sshll.u32 s30, $0x7  }
0x9e: {  	s9 =	sadd.s32 s28, s22;
	v5 =	vld [tilespmem:$0x7800];
	s3 =	sshra.s32 s3, $0x2  }
0x9f: {  	s10 =	sshll.u32 s9, $0x6;
	v2 =	vld [tilespmem:s3+$0x6000]  }
0xa0: {  	p2 =	sne.s32 s0, $0x1;
	v3 =	vld [tilespmem:s3+$0x6010];
	s3 =	sshra.s32 s10, $0x2  }
.Ltmp6:
0xa1: {  	v4 =	vld [tilespmem:s3+$0x0];
	(pc) =	sbr.rel @!p2 .LBB2_7-.Ltmp6, $4  }
0xa2: {  	_ = 	snop  }
0xa3: {  	s9 =	sshll.u32 s9, $0x7  }
0xa4: {  	s9 =	sshra.s32 s9, $0x2  }
0xa5: {  	p1 =	por $0x0, $0x0;
	s10 =	sadd.s32 $0xFFFFFFFF, s0;
	s9 =	sadd.s32 $0x2010, s9  }
0xa6: {  	v4 =	vadd.f32 v4, v5;
	_ =	sdelay $0x1  }
0xa7: {  	[tilespmem:$0x7800] =	vst v4  }
0xa8: {  	[tilespmem:s9+$0xFFFFFFF0] =	vst v2  }
0xa9: {  	s15 =	sadd.s32 $0x10, s3;
	[tilespmem:s9+$0x0] =	vst v3  }
0xaa: {  	p2 =	sne.s32 s10, $0x1;
	v4 =	vld [tilespmem:s15+$0x0]  }
.Ltmp7:
0xab: {  	v5 =	vld [tilespmem:$0x7800];
	(pc) =	sbr.rel @!p2 .LBB2_9-.Ltmp7, $2  }
0xac: {  	_ =	sdelay $0x2  }
0xad: {  	s10 =	sadd.s32 $0xFFFFFFFF, s10;
	p1 =	por $0x1, $0x1;
	s3 =	smov.u32 s9  }
.LBB2_10:
0xae: {  	p2 =	sne.s32 s10, $0x1;
	_ =	sdelay $0x2  }
0xaf: {  	v4 =	vadd.f32 v4, v5;
	_ =	sdelay $0x1  }
0xb0: {  	s3 =	sadd.s32 $0x20, s3;
	[tilespmem:$0x7800] =	vst v4  }
.Ltmp8:
0xb1: {  	[tilespmem:s3+$0xFFFFFFF0] =	vst v2;
	(pc) =	sbr.rel @p2 .LBB2_10-.Ltmp8, $4  }
0xb2: {  	s15 =	sadd.s32 $0x10, s15;
	[tilespmem:s3+$0x0] =	vst v3  }
0xb3: {  	v4 =	vld [tilespmem:s15+$0x0]  }
0xb4: {  	v5 =	vld [tilespmem:$0x7800]  }
0xb5: {  	s10 =	sadd.s32 $0xFFFFFFFF, s10  }
.Ltmp9:
0xb6: {  	_ = 	snop;
	(pc) =	sbr.rel .LBB2_11-.Ltmp9, $1  }
0xb7: {  	_ =	sdelay $0x3  }
.LBB2_9:
.Ltmp10:
0xb8: {  	(pc) =	sbr.rel .LBB2_11-.Ltmp10, $2  }
0xb9: {  	_ =	sdelay $0x2  }
0xba: {  	s3 =	smov.u32 s9  }
.LBB2_14:
0xbb: {  	s0 =	ssub.s32 s21, s17  }
0xbc: {  	s10 =	simm.s32 $0x0;
	p0 =	sgt.s32 s0, $0x0  }
0xbd: {  	s3 =	simm.s32 $0x0;
	s9 =	simm.s32 $0x1;
	s10 =	simm.s32 @p0 $0x7D0  }
.LBB2_15:
0xbe: {  	p0 =	sne.s32 s9, $0x7C  }
0xbf: {  	[tilespmem:s10+$0x7000] =	vst v0;
	s3 =	sadd.s32 $0x10, s3;
	s10 =	smov.u32 s9;
	s9 =	sadd.s32 $0x1, s9  }
.Ltmp11:
0xc0: {  	(pc) =	sbr.rel @p0 .LBB2_15-.Ltmp11, $3  }
0xc1: {  	_ =	sdelay $0x1  }
0xc2: {  	p1 =	slt.s32 s10, s0;
	s10 =	smov.u32 s3  }
0xc3: {  	s10 =	simm.s32 @p1 $0x7D0  }
0xc4: {  	s16 =	sadd.s32 $0x1, s16  }
0xc5: {  	s0 =	sshll.u32 s17, $0x1;
	p0 =	sne.s32 s16, $0x19  }
.Ltmp12:
0xc6: {  	[tilespmem:s10+$0x7000] =	vst v0;
	s0 =	sadd.s32 s7, s0;
	(pc) =	sbr.rel @p0 .LBB2_2-.Ltmp12, $4  }
0xc7: {  	[hbm4b:s0+s2] =	stream.linear.scatter [tilespmem:s14], [sflag:$0x1], $0x7D0, $0x38;
	[tilespmem:$0x7980] =	vst v63  }
0xc8: {  	_ =	swait.ge [sflag:s11], $0x7D0  }
0xc9: {  	[sflag:s11] =	ssyncset.done $0x0  }
0xca: {  	[sflag:s11] =	ssyncadd.s32 $0xFFFFF830  }
0xcb: {  	s3 =	rddreg [dreg:$0x4]  }
0xcc: {  	s0 =	rddreg [dreg:$0x3];
	s3 =	sadd.s32 $0x1, s3  }
0xcd: {  	p0 =	sne.s32 s3, s0  }
.Ltmp13:
0xce: {  	_ = 	snop;
	(pc) =	sbr.rel @p0 .LBB2_1-.Ltmp13, $1  }
0xcf: {  	_ =	sdelay $0x3  }
0xd0: {  	_ =	sfence.sel $0x180000  }
0xd1: {  	[bflag:$0x0] =	sbarrier.arrive $0xFFFF  }
0xd2: {  	_ =	strace $0x9000004A  }
0xd3: {  	s0 =	stileid.u32;
	[bflag:$0x2] =	sbarrier.arrive $0xFFFF  }
0xd4: {  	p0 =	sne.s32 s0, $0x0;
	s0 =	rddreg [dreg:$0x2]  }
0xd5: {  	s0 =	sadd.s32 @!p0 $0x100000, s0  }
0xd6: {  	[sflag:s0] =	ssyncadd.tile.s32 @!p0 $0x1;
	_ =	shalt  }
.Lfunc_end2:
_tile_overlayer_lowered:
.L_overlay_start_2:
0xd7: {  	(tag) =	ssettag $0x2  }
0xd8: {  	s0 =	rddreg [dreg:$0x0];
	s2 =	stileid.u32  }
0xd9: {  	s1 =	rddreg [dreg:$0x1];
	p0 =	sne.s32 s2, $0x0  }
0xda: {  	s3 =	rddreg [dreg:$0x2];
	[bflag:$0x3] =	sbarrier.arrive $0xFFFF;
	s2 =	simm.s32 @!p0 $0x1C01  }
0xdb: {  	[timem:s3], [sflag:s2] =	dma.local @!p0 [hbm:s0], s1  }
0xdc: {  	s0 =	simm.s32 @!p0 $0x1  }
0xdd: {  	_ =	swait.ge @!p0 [sflag:s0], s1  }
0xde: {  	s1 =	ssub.s32 @!p0 $0x0, s1;
	[sflag:s0] =	ssyncset.done @!p0 $0x0  }
0xdf: {  	[sflag:s0] =	ssyncadd.s32 @!p0 s1  }
0xe0: {  	[bflag:$0x3] =	sbarrier.arrive $0xFFFF  }
0xe1: {  	_ =	shalt  }

// kernel: kernel.16.cloned.1.call-start
scs
__scs_entry_jumppad:
0x0: {  	(pc) =	sbr.rel $0x88, $3  }
0x1: {  	(tag) =	ssettag $0x0;
	lr =	simm.s32 $0x1  }
0x2: {  	[smem:$0x3F9B] =	sst lr;
	_ =	strace $0xD0000000  }
0x3: {  	_ = 	snop  }
0x4: {  	_ = 	snop  }
0x5: {  	_ = 	snop  }
0x6: {  	_ = 	snop  }
0x7: {  	_ = 	snop  }
__scs_overlays_trampoline_lowered:
0x8: {  	[smem:$0x3FAA] =	sst s0  }
0x9: {  	[smem:$0x3FAB] =	sst s1  }
0xa: {  	[smem:$0x3FAC] =	sst s2  }
0xb: {  	[smem:$0x3FAD] =	sst s3  }
0xc: {  	[smem:$0x3FAE] =	sst s4  }
0xd: {  	[smem:$0x3FAF] =	sst s5  }
0xe: {  	[smem:$0x3FB0] =	sst s6  }
0xf: {  	[smem:$0x3FB1] =	sst s7  }
0x10: {  	[smem:$0x3FB2] =	sst s8  }
0x11: {  	[smem:$0x3FB3] =	sst s9;
	s0 =	simm.s32 @!p0 $0x0  }
0x12: {  	s1 =	sld [smem:$0x3F99];
	s0 =	simm.s32 @p0 $0x1  }
0x13: {  	[smem:$0x3FB4] =	sst s0;
	s0 =	simm.s32 @!p1 $0x0  }
0x14: {  	s2 =	sld [smem:$0x3F98];
	s0 =	simm.s32 @p1 $0x1  }
0x15: {  	[smem:$0x3FB5] =	sst s0;
	s0 =	simm.s32 @!p2 $0x0  }
0x16: {  	s3 =	sld [smem:$0x3FDB];
	s0 =	simm.s32 @p2 $0x1  }
0x17: {  	s4 =	simm.s32 $0x1BF5;
	[smem:$0x3FB7] =	sst s0  }
0x18: {  	s0 =	sld [smem:$0x3F9A];
	_ =	swait.ge [sflag:s4], $0x0  }
0x19: {  	s7 =	sld [smem:$0x3F9B]  }
0x1a: {  	s8 =	sadd.s32 $0xFFFFE003, lr  }
0x1b: {  	s9 =	sadd.s32 $0xFFFFFEF7, lr;
	s5 =	simm.s32 $0xFFFFFFFF;
	p2 =	slt.u32 s8, $0xFFFFF086  }
0x1c: {  	p1 =	slt.u32 s9, $0xF7A;
	s5 =	simm.s32 @!p2 $0x0  }
0x1d: {  	s5 =	simm.s32 @p1 $0x1;
	p0 =	seq.s32 s7, s2  }
0x1e: {  	s7 =	smul.u32 @!p0 $0xF7A, s2;
	p2 =	seq.s32 @!p0 s5, $0x0  }
0x1f: {  	s9 =	smul.u32 $0xF7A, s1;
	s8 =	simm.s32 @!p0 $0x1BF5;
	p2 =	por !p2, p0  }
0x20: {  	[sflag:s8] =	ssyncset.s32 @!p0 $0xFFFFF086;
	s6 =	sadd.s32 @!p0 s3, s7;
	s7 =	simm.s32 @!p0 $0x108  }
0x21: {  	s3 =	sadd.s32 s3, s9;
	s6 =	sadd.s32 @!p0 $0x88, s6;
	s7 =	simm.s32 @p2 $0x1082  }
0x22: {  	[simem:s7], [sflag:s8] =	dma.local @!p0 [hbm:s6], $0xF7A  }
0x23: {  	s9 =	sor.u32 $0xD0000000, s2;
	s6 =	simm.s32 $0x108;
	_ =	swait.ge @!p0 [sflag:s8], $0x0  }
0x24: {  	s3 =	sadd.s32 $0x88, s3;
	s6 =	simm.s32 @!p1 $0x1082;
	[sflag:s4] =	ssyncset.s32 $0xFFFFF086  }
0x25: {  	[simem:s6], [sflag:s4] =	dma.local [hbm:s3], $0xF7A  }
0x26: {  	[smem:$0x3F9B] =	sst s1;
	(tag) =	ssettag s2;
	_ =	strace s9  }
0x27: {  	s1 =	sld [smem:$0x3FAB]  }
0x28: {  	s2 =	sld [smem:$0x3FAC]  }
0x29: {  	s4 =	sld [smem:$0x3FAE]  }
0x2a: {  	p0 =	seq.s32 s5, $0x0;
	s5 =	sld [smem:$0x3FAF]  }
0x2b: {  	s6 =	sld [smem:$0x3FB0]  }
0x2c: {  	s7 =	sld [smem:$0x3FB1]  }
0x2d: {  	s3 =	simm.s32 $0x108;
	s8 =	sld [smem:$0x3FB2]  }
0x2e: {  	s3 =	simm.s32 @!p0 $0x1082;
	s9 =	sld [smem:$0x3FB3]  }
0x2f: {  	lr =	sadd.s32 s0, s3;
	s0 =	sld [smem:$0x3FAA]  }
0x30: {  	s3 =	sld [smem:$0x3FAD]  }
0x31: {  	[smem:$0x3FB6] =	sst s10  }
0x32: {  	s10 =	sld [smem:$0x3FB4];
	_ =	sdelay $0x3  }
0x33: {  	p0 =	seq.s32 s10, $0x1;
	s10 =	sld [smem:$0x3FB6];
	_ =	sdelay $0x3  }
0x34: {  	[smem:$0x3FB6] =	sst s10  }
0x35: {  	s10 =	sld [smem:$0x3FB5];
	_ =	sdelay $0x3  }
0x36: {  	p1 =	seq.s32 s10, $0x1;
	s10 =	sld [smem:$0x3FB6];
	_ =	sdelay $0x3  }
0x37: {  	[smem:$0x3FB6] =	sst s10  }
0x38: {  	s10 =	sld [smem:$0x3FB7]  }
0x39: {  	_ = 	snop;
	(pc) =	sbr.ind lr, $3  }
0x3a: {  	_ = 	snop  }
0x3b: {  	_ = 	snop  }
0x3c: {  	p2 =	seq.s32 s10, $0x1;
	s10 =	sld [smem:$0x3FB6]  }
0x3d: {  	_ =	shalt  }
0x3e: {  	_ =	shalt  }
0x3f: {  	_ =	shalt  }
0x40: {  	_ =	shalt  }
0x41: {  	_ =	shalt  }
0x42: {  	_ =	shalt  }
0x43: {  	_ =	shalt  }
0x44: {  	_ =	shalt  }
0x45: {  	_ =	shalt  }
0x46: {  	_ =	shalt  }
0x47: {  	_ =	shalt  }
0x48: {  	_ =	shalt  }
0x49: {  	_ =	shalt  }
0x4a: {  	_ =	shalt  }
0x4b: {  	_ =	shalt  }
0x4c: {  	_ =	shalt  }
0x4d: {  	_ =	shalt  }
0x4e: {  	_ =	shalt  }
0x4f: {  	_ =	shalt  }
0x50: {  	_ =	shalt  }
0x51: {  	_ =	shalt  }
0x52: {  	_ =	shalt  }
0x53: {  	_ =	shalt  }
0x54: {  	_ =	shalt  }
0x55: {  	_ =	shalt  }
0x56: {  	_ =	shalt  }
0x57: {  	_ =	shalt  }
0x58: {  	_ =	shalt  }
0x59: {  	_ =	shalt  }
0x5a: {  	_ =	shalt  }
0x5b: {  	_ =	shalt  }
0x5c: {  	_ =	shalt  }
0x5d: {  	_ =	shalt  }
0x5e: {  	_ =	shalt  }
0x5f: {  	_ =	shalt  }
0x60: {  	_ =	shalt  }
0x61: {  	_ =	shalt  }
0x62: {  	_ =	shalt  }
0x63: {  	_ =	shalt  }
0x64: {  	_ =	shalt  }
0x65: {  	_ =	shalt  }
0x66: {  	_ =	shalt  }
0x67: {  	_ =	shalt  }
0x68: {  	_ =	shalt  }
0x69: {  	_ =	shalt  }
0x6a: {  	_ =	shalt  }
0x6b: {  	_ =	shalt  }
0x6c: {  	_ =	shalt  }
0x6d: {  	_ =	shalt  }
0x6e: {  	_ =	shalt  }
0x6f: {  	_ =	shalt  }
0x70: {  	_ =	shalt  }
0x71: {  	_ =	shalt  }
0x72: {  	_ =	shalt  }
0x73: {  	_ =	shalt  }
0x74: {  	_ =	shalt  }
0x75: {  	_ =	shalt  }
0x76: {  	_ =	shalt  }
0x77: {  	_ =	shalt  }
0x78: {  	_ =	shalt  }
0x79: {  	_ =	shalt  }
0x7a: {  	_ =	shalt  }
0x7b: {  	_ =	shalt  }
0x7c: {  	_ =	shalt  }
0x7d: {  	_ =	shalt  }
0x7e: {  	_ =	shalt  }
0x7f: {  	_ =	shalt  }
0x80: {  	_ =	shalt  }
0x81: {  	_ =	shalt  }
0x82: {  	_ =	shalt  }
0x83: {  	_ =	shalt  }
0x84: {  	_ =	shalt  }
0x85: {  	_ =	shalt  }
0x86: {  	_ =	shalt  }
0x87: {  	_ =	shalt  }
.Lfunc_end0:
.L_simem_size_0:
called_computation.2_lowered:
.L_overlay_start_0:
0x88: {  	s2 =	sld [smem:$0x3FD9]  }
0x89: {  	s3 =	sld [smem:$0x3FFE];
	_ =	sdelay $0x1  }
0x8a: {  	s1 =	srdreg.scid  }
0x8b: {  	s0 =	sand.u32 $0x1, s1  }
0x8c: {  	s17 =	sshll.u32 s0, $0xA;
	s2 =	sadd.s32 s3, s2  }
0x8d: {  	s2 =	sadd.s32 s2, s17  }
0x8e: {  	[smem:$0x3FC2] =	sst s2  }
0x8f: {  	_ = 	snop  }
0x90: {  	s2 =	sld [smem:$0x3FC6];
	(tm) =	ssettm $0x1  }
0x91: {  	s18 =	sld [smem:$0x3FFB];
	_ =	sdelay $0x3  }
0x92: {  	_ =	strace s18  }
0x93: {  	s3 =	sld [smem:$0x3FFC];
	_ =	sdelay $0x3  }
0x94: {  	_ =	strace s3  }
0x95: {  	s3 =	sld [smem:$0x3FFD];
	_ =	sdelay $0x3  }
0x96: {  	_ =	strace s3  }
0x97: {  	_ =	strace $0x8FFFFFFF  }
0x98: {  	s19 =	sld [smem:$0x3FDB];
	_ =	sdelay $0x1  }
0x99: {  	s4 =	simm.s32 $_scs_section_size  }
0x9a: {  	s5 =	simm.s32 $_size__tile_overlayer_lowered;
	s6 =	simm.s32 $_tile_overlayer_lowered  }
0x9b: {  	s22 =	simm.s32 $0x1BFF;
	s21 =	sshll.u32 s6, $0x1;
	s3 =	sadd.s32 s4, s19  }
0x9c: {  	s7 =	simm.s32 $0x0;
	s20 =	sshll.u32 s5, $0x1;
	s5 =	sadd.s32 s21, s3  }
0x9d: {  	[timem:s7], [sflag:s22] =	dma.local [hbm:s5], s20  }
0x9e: {  	_ =	swait.ge [sflag:s22], s20  }
0x9f: {  	s4 =	ssub.s32 $0x0, s20;
	[sflag:s22] =	ssyncset.done $0x0  }
0xa0: {  	[sflag:s22] =	ssyncadd.s32 s4;
	_ =	sdelay $0x1  }
0xa1: {  	s23 =	simm.s32 $0x1B8B  }
0xa2: {  	_ =	swait.ge [sflag:s23], $0x1  }
0xa3: {  	[sflag:s23] =	ssyncset.done $0x0  }
0xa4: {  	s25 =	simm.s32 $0x1B8E;
	s24 =	sld [smem:$0x3FFE];
	[sflag:s23] =	ssyncadd.s32 $0xFFFFFFFF  }
0xa5: {  	s26 =	simm.s32 $execute0_lowered;
	[smem:$0x3FD2] =	sst s25  }
0xa6: {  	s5 =	sshll.u32 s26, $0x1;
	_ =	strace $0x8000004C;
	[dreg:$0x1] =	wrdreg $0xFFFFFFFF  }
0xa7: {  	s28 =	simm.s32 $_size_execute0_lowered;
	s3 =	sadd.s32 s3, s5;
	[dreg:$0x0] =	wrdreg $0x0  }
0xa8: {  	s5 =	sshll.u32 s28, $0x1;
	[dreg:$0x2] =	wrdreg s3  }
0xa9: {  	[dreg:$0x3] =	wrdreg s5  }
0xaa: {  	[dreg:$0x4] =	wrdreg $0xC0  }
0xab: {  	_ =	task [dreg:s7], $0x5FFFF  }
0xac: {  	[dreg:$0x1] =	wrdreg $0xFFFFFFFF  }
0xad: {  	[dreg:$0x0] =	wrdreg $0x60  }
0xae: {  	[dreg:$0x2] =	wrdreg s2  }
0xaf: {  	[dreg:$0x3] =	wrdreg s24  }
0xb0: {  	[dreg:$0x4] =	wrdreg $0x9  }
0xb1: {  	_ =	task.clear_ibuf [dreg:s7], $0x5FFFF;
	_ =	strace $0x9000004C  }
0xb2: {  	s29 =	simm.s32 $0x9;
	_ =	strace $0x8000004E  }
0xb3: {  	_ =	swait.ge [sflag:s29], $0x1  }
0xb4: {  	[sflag:s29] =	ssyncadd.s32 $0xFFFFFFFF  }
0xb5: {  	_ =	strace $0x9000004E  }
0xb6: {  	_ =	sfence  }
0xb7: {  	s30 =	sld [smem:$0x0];
	_ =	sdelay $0x2  }
0xb8: {  	s31 =	sshll.u32 s1, $0xD;
	s1 =	sshrl.u32 s1, $0x2  }
0xb9: {  	s3 =	sand.u32 $0x4000, s31;
	s1 =	sadd.s32 s1, s30  }
0xba: {  	s0 =	sor.u32 s3, s0;
	s1 =	sshll.u32 s1, $0x11  }
0xbb: {  	s0 =	sor.u32 s1, s0  }
0xbc: {  	s0 =	sadd.s32 $0x8F2B, s0  }
0xbd: {  	[sflag:s0] =	ssyncadd.remote.s32 $0x1  }
0xbe: {  	_ =	sfence.sel $0xFFFF  }
0xbf: {  	[dreg:$0x0] =	wrdreg $0xFFFFFFFF;
	(pc) =	sbr.abs _section_cstart, $3  }
0xc0: {  	[dreg:$0x1] =	wrdreg $0xFFFFFFFF  }
0xc1: {  	_ =	task.clear_ibuf [dreg:s7], $0x2FFFF;
	_ =	strace $0x9FFFFFFF  }
0xc2: {  	(tm) =	ssettm $0x7FFFFFFF  }
0xc3: {  	_ =	shalt  }
tec
execute0_lowered:
.L_overlay_start_1:
0x0: {  	(tag) =	ssettag $0x1  }
0x1: {  	s2 =	rddreg [dreg:$0x0]  }
0x2: {  	s5 =	rddreg [dreg:$0x1]  }
0x3: {  	s0 =	rddreg [dreg:$0x2];
	s3 =	srdreg.scid  }
0x4: {  	s1 =	stileid.u32;
	s10 =	simm.s32 $0x80;
	s11 =	simm.s32 $0x19D0  }
0x5: {  	s13 =	simm.s32 $0x1;
	s14 =	simm.s32 $0x0;
	s6 =	sand.u32 $0x1, s3  }
0x6: {  	s7 =	smul.u32 $0x48000, s1;
	s4 =	sshll.u32 s1, $0x1;
	s3 =	simm.s32 $0x0  }
0x7: {  	s8 =	smul.u32 $0x24000, s6;
	s4 =	sor.u32 s6, s4;
	[smem:$0x7FF] =	sst s3  }
0x8: {  	s6 =	ssub.s32 $0x2, s6;
	s9 =	smul.u32 $0x1200, s4;
	_ =	strace $0x8000004D  }
0x9: {  	s4 =	sadd.s32 $0x97C00, s5;
	s31 =	sshrl.u32 s6, $0x1;
	s7 =	sadd.s32 s8, s7  }
0xa: {  	s6 =	ssub.s32 s6, s31;
	s8 =	simm.s32 $0x1200;
	s7 =	sshrl.u32 s7, $0x3  }
0xb: {  	s30 =	sshrl.u32 s9, $0x3;
	s12 =	sadd.s32 $0x1200, s9;
	s6 =	smax.u32 s6, $0x1  }
0xc: {  	v0 =	vmov s9;
	s9 =	simm.s32 $0x2;
	s7 =	sadd.s32 s7, s5;
	s5 =	sadd.s32 s30, s5  }
0xd: {  	v2 =	vimm.s32 $0x0;
	v3 =	vlaneseq.u32;
	v1 =	vmov s12;
	s12 =	simm.s32 $0x1A50;
	s5 =	sadd.s32 $0x92C00, s5;
	s7 =	sadd.s32 $0x2C00, s7  }
.LBB2_1:
0xe: {  	s15 =	simm.s32 $0x0  }
.LBB2_2:
0xf: {  	p0 =	sne.s32 s15, $0x47C0  }
.Ltmp0:
0x10: {  	_ = 	snop;
	(pc) =	sbr.rel @p0 .LBB2_2-.Ltmp0, $3  }
0x11: {  	_ =	sdelay $0x1  }
0x12: {  	s16 =	sshra.s32 s15, $0x2  }
0x13: {  	s15 =	sadd.s32 $0x40, s15;
	[tilespmem:s16+$0x0] =	vst v2  }
0x14: {  	s15 =	simm.s32 $0x0;
	s16 =	simm.s32 $0x1;
	s17 =	simm.s32 $0x0  }
.LBB2_4:
0x15: {  	s18 =	smul.u32 $0x7D0, s17;
	_ =	sdelay $0x1  }
0x16: {  	s18 =	sshrl.u32 s18, $0x3  }
0x17: {  	s18 =	sadd.s32 s2, s18  }
0x18: {  	[tilespmem:s8], [sflag:$0x2] =	stream.linear.gather [hbm4b:s18+s15], $0x7D0, $0x38;
	[tilespmem:$0x2A50] =	vst v63  }
0x19: {  	_ =	swait.ge [sflag:s9], $0x7D0  }
0x1a: {  	[sflag:s9] =	ssyncset.done $0x0  }
0x1b: {  	s31 =	simm.s32 $0x0;
	[sflag:s9] =	ssyncadd.s32 $0xFFFFF830  }
0x1c: {  	v4 =	vld [tilespmem:s31+$0x1200];
	_ =	sdelay $0x4  }
0x1d: {  	vm0 =	vge.s32 v4, v0;
	vm1 =	vlt.s32 v4, v1  }
0x1e: {  	v4 =	vsub.s32 v4, v0;
	vm0 =	vmand vm0, vm1  }
0x1f: {  	v4 =	vnsel vm0, $0x0, v4;
	_ =	sdelay $0x3  }
0x20: {  	v5 =	vadd.s32 s16, v3  }
0x21: {  	s20 =	simm.s32 $0x10;
	s19 =	simm.s32 $0x80;
	s18 =	smov.u32 s16;
	[tilespmem:v4+s3+$0x0] =	vst.idx.msk vm0, v5  }
.LBB2_5:
0x22: {  	p0 =	sne.s32 s19, $0x1F00;
	v4 =	vld [tilespmem:s20+$0x1200];
	_ =	sdelay $0x4  }
0x23: {  	vm0 =	vge.s32 v4, v0;
	vm1 =	vlt.s32 v4, v1  }
0x24: {  	v4 =	vsub.s32 v4, v0;
	vm0 =	vmand vm0, vm1  }
0x25: {  	v4 =	vnsel vm0, $0x0, v4  }
.Ltmp1:
0x26: {  	(pc) =	sbr.rel @p0 .LBB2_5-.Ltmp1, $4  }
0x27: {  	_ = 	snop  }
0x28: {  	s18 =	sadd.s32 $0x10, s18  }
0x29: {  	v5 =	vadd.s32 s18, v3  }
0x2a: {  	s20 =	sshra.s32 s19, $0x2;
	s19 =	sadd.s32 $0x40, s19;
	[tilespmem:v4+s3+$0x0] =	vst.idx.msk vm0, v5  }
0x2b: {  	v4 =	vld [tilespmem:s20+$0x1200];
	_ =	sdelay $0x4  }
0x2c: {  	vm0 =	vge.s32 v4, v0;
	vm1 =	vlt.s32 v4, v1  }
0x2d: {  	s17 =	sadd.s32 $0x1, s17;
	v4 =	vsub.s32 v4, v0;
	vm0 =	vmand vm0, vm1  }
0x2e: {  	p0 =	sne.s32 s17, $0x32;
	v4 =	vnsel vm0, $0x0, v4  }
.Ltmp2:
0x2f: {  	_ = 	snop;
	(pc) =	sbr.rel @p0 .LBB2_4-.Ltmp2, $4  }
0x30: {  	_ = 	snop  }
0x31: {  	s18 =	sadd.s32 $0x10, s18  }
0x32: {  	v5 =	vadd.s32 s18, v3  }
0x33: {  	s16 =	sadd.s32 $0x7D0, s16;
	[tilespmem:v4+s3+$0x0] =	vst.idx.msk vm0, v5  }
0x34: {  	s15 =	simm.s32 $0x0  }
0x35: {  	v4 =	vld [tilespmem:s15+$0x0];
	_ =	sdelay $0x4  }
0x36: {  	v4 =	vadd.s32 $0xFFFFFFFF, v4  }
0x37: {  	vm0 =	vgt.s32 v4, $0x0  }
0x38: {  	v4 =	vnsel vm0, $0x0, v4  }
0x39: {  	[tilespmem:$0x19D0] =	vst v4  }
0x3a: {  	v4 =	vld [tilespmem:s15+$0x10];
	_ =	sdelay $0x4  }
0x3b: {  	v4 =	vadd.s32 $0xFFFFFFFF, v4  }
0x3c: {  	vm9 =	vgt.s32 v4, $0x0  }
0x3d: {  	v4 =	vnsel vm9, $0x0, v4  }
0x3e: {  	[tilespmem:$0x19E0] =	vst v4  }
0x3f: {  	v4 =	vld [tilespmem:s15+$0x20];
	_ =	sdelay $0x4  }
0x40: {  	v4 =	vadd.s32 $0xFFFFFFFF, v4  }
0x41: {  	vm10 =	vgt.s32 v4, $0x0  }
0x42: {  	v4 =	vnsel vm10, $0x0, v4  }
0x43: {  	[tilespmem:$0x19F0] =	vst v4  }
0x44: {  	v4 =	vld [tilespmem:s15+$0x30];
	_ =	sdelay $0x4  }
0x45: {  	v4 =	vadd.s32 $0xFFFFFFFF, v4  }
0x46: {  	vm11 =	vgt.s32 v4, $0x0  }
0x47: {  	v4 =	vnsel vm11, $0x0, v4  }
0x48: {  	[tilespmem:$0x1A00] =	vst v4  }
0x49: {  	v4 =	vld [tilespmem:s15+$0x40];
	_ =	sdelay $0x4  }
0x4a: {  	v4 =	vadd.s32 $0xFFFFFFFF, v4  }
0x4b: {  	vm12 =	vgt.s32 v4, $0x0  }
0x4c: {  	v4 =	vnsel vm12, $0x0, v4  }
0x4d: {  	[tilespmem:$0x1A10] =	vst v4  }
0x4e: {  	v4 =	vld [tilespmem:s15+$0x50];
	_ =	sdelay $0x4  }
0x4f: {  	v4 =	vadd.s32 $0xFFFFFFFF, v4  }
0x50: {  	vm13 =	vgt.s32 v4, $0x0  }
0x51: {  	v4 =	vnsel vm13, $0x0, v4  }
0x52: {  	[tilespmem:$0x1A20] =	vst v4  }
0x53: {  	v4 =	vld [tilespmem:s15+$0x60];
	_ =	sdelay $0x4  }
0x54: {  	v4 =	vadd.s32 $0xFFFFFFFF, v4  }
0x55: {  	vm14 =	vgt.s32 v4, $0x0  }
0x56: {  	v4 =	vnsel vm14, $0x0, v4  }
0x57: {  	[tilespmem:$0x1A30] =	vst v4  }
0x58: {  	v4 =	vld [tilespmem:s15+$0x70];
	_ =	sdelay $0x4  }
0x59: {  	v4 =	vadd.s32 $0xFFFFFFFF, v4  }
0x5a: {  	vm15 =	vgt.s32 v4, $0x0  }
0x5b: {  	v4 =	vnsel vm15, $0x0, v4  }
0x5c: {  	[tilespmem:$0x1A40] =	vst v4  }
0x5d: {  	[tilespmem:s12], [sflag:$0x1] =	stream.indirect.gather [hbm4b:s4+s10], $0x20, s11, s10, $0xb8;
	[tilespmem:$0x2A50] =	vst v63  }
0x5e: {  	_ =	swait.ge [sflag:s13], $0x1000  }
0x5f: {  	[sflag:s13] =	ssyncset.done $0x0  }
0x60: {  	s31 =	sadd.s32 $0x0, s7;
	[sflag:s13] =	ssyncadd.s32 $0xFFFFF000  }
0x61: {  	[hbm4b:s31+s3] =	stream.linear.scatter [tilespmem:s12], [sflag:$0x2], $0x1000, $0x38;
	[tilespmem:$0x2A50] =	vst v63  }
0x62: {  	_ =	swait.ge [sflag:s9], $0x1000  }
0x63: {  	s19 =	simm.s32 $0x400;
	s15 =	simm.s32 $0x200;
	[sflag:s9] =	ssyncset.done $0x0  }
.LBB2_8:
0x64: {  	s18 =	sshra.s32 s15, $0x2  }
0x65: {  	[sflag:s9] =	ssyncadd.s32 $0xFFFFF000;
	s17 =	smov.u32 s19;
	s16 =	sadd.s32 $0x200, s19  }
0x66: {  	p0 =	sne.s32 s19, $0x4600;
	v4 =	vld [tilespmem:s18+$0x0];
	_ =	sdelay $0x4  }
0x67: {  	v4 =	vadd.s32 $0xFFFFFFFF, v4  }
0x68: {  	vm0 =	vgt.s32 v4, $0x0  }
0x69: {  	v4 =	vnsel vm0, $0x0, v4  }
0x6a: {  	[tilespmem:$0x19D0] =	vst v4  }
0x6b: {  	v4 =	vld [tilespmem:s18+$0x10];
	_ =	sdelay $0x4  }
0x6c: {  	v4 =	vadd.s32 $0xFFFFFFFF, v4  }
0x6d: {  	vm0 =	vgt.s32 v4, $0x0  }
0x6e: {  	v4 =	vnsel vm0, $0x0, v4  }
0x6f: {  	[tilespmem:$0x19E0] =	vst v4  }
0x70: {  	v4 =	vld [tilespmem:s18+$0x20];
	_ =	sdelay $0x4  }
0x71: {  	v4 =	vadd.s32 $0xFFFFFFFF, v4  }
0x72: {  	vm0 =	vgt.s32 v4, $0x0  }
0x73: {  	v4 =	vnsel vm0, $0x0, v4  }
0x74: {  	[tilespmem:$0x19F0] =	vst v4  }
0x75: {  	v4 =	vld [tilespmem:s18+$0x30];
	_ =	sdelay $0x4  }
0x76: {  	v4 =	vadd.s32 $0xFFFFFFFF, v4  }
0x77: {  	vm0 =	vgt.s32 v4, $0x0  }
0x78: {  	v4 =	vnsel vm0, $0x0, v4  }
0x79: {  	[tilespmem:$0x1A00] =	vst v4  }
0x7a: {  	v4 =	vld [tilespmem:s18+$0x40];
	_ =	sdelay $0x4  }
0x7b: {  	v4 =	vadd.s32 $0xFFFFFFFF, v4  }
0x7c: {  	vm0 =	vgt.s32 v4, $0x0  }
0x7d: {  	v4 =	vnsel vm0, $0x0, v4  }
0x7e: {  	[tilespmem:$0x1A10] =	vst v4  }
0x7f: {  	v4 =	vld [tilespmem:s18+$0x50];
	_ =	sdelay $0x4  }
0x80: {  	v4 =	vadd.s32 $0xFFFFFFFF, v4  }
0x81: {  	vm0 =	vgt.s32 v4, $0x0  }
0x82: {  	v4 =	vnsel vm0, $0x0, v4  }
0x83: {  	[tilespmem:$0x1A20] =	vst v4  }
0x84: {  	v4 =	vld [tilespmem:s18+$0x60];
	_ =	sdelay $0x4  }
0x85: {  	v4 =	vadd.s32 $0xFFFFFFFF, v4  }
0x86: {  	vm0 =	vgt.s32 v4, $0x0  }
0x87: {  	v4 =	vnsel vm0, $0x0, v4  }
0x88: {  	[tilespmem:$0x1A30] =	vst v4  }
0x89: {  	v4 =	vld [tilespmem:s18+$0x70];
	_ =	sdelay $0x4  }
0x8a: {  	v4 =	vadd.s32 $0xFFFFFFFF, v4  }
0x8b: {  	vm0 =	vgt.s32 v4, $0x0  }
0x8c: {  	v4 =	vnsel vm0, $0x0, v4  }
0x8d: {  	[tilespmem:$0x1A40] =	vst v4  }
0x8e: {  	[tilespmem:s12], [sflag:$0x1] =	stream.indirect.gather [hbm4b:s4+s10], $0x20, s11, s10, $0xb8;
	[tilespmem:$0x2A50] =	vst v63  }
0x8f: {  	_ =	swait.ge [sflag:s13], $0x1000  }
.Ltmp3:
0x90: {  	[sflag:s13] =	ssyncset.done $0x0;
	(pc) =	sbr.rel @p0 .LBB2_8-.Ltmp3, $4  }
0x91: {  	s18 =	sadd.s32 s15, s7;
	s15 =	smov.u32 s17;
	[sflag:s13] =	ssyncadd.s32 $0xFFFFF000  }
0x92: {  	[hbm4b:s18+s3] =	stream.linear.scatter [tilespmem:s12], [sflag:$0x2], $0x1000, $0x38;
	[tilespmem:$0x2A50] =	vst v63  }
0x93: {  	_ =	swait.ge [sflag:s9], $0x1000  }
0x94: {  	s19 =	smov.u32 s16;
	[sflag:s9] =	ssyncset.done $0x0  }
0x95: {  	s16 =	sshra.s32 s15, $0x2;
	[sflag:s9] =	ssyncadd.s32 $0xFFFFF000  }
0x96: {  	v4 =	vld [tilespmem:s16+$0x0];
	_ =	sdelay $0x4  }
0x97: {  	v4 =	vadd.s32 $0xFFFFFFFF, v4  }
0x98: {  	vm0 =	vgt.s32 v4, $0x0  }
0x99: {  	v4 =	vnsel vm0, $0x0, v4  }
0x9a: {  	[tilespmem:$0x19D0] =	vst v4  }
0x9b: {  	v4 =	vld [tilespmem:s16+$0x10];
	_ =	sdelay $0x4  }
0x9c: {  	v4 =	vadd.s32 $0xFFFFFFFF, v4  }
0x9d: {  	vm9 =	vgt.s32 v4, $0x0  }
0x9e: {  	v4 =	vnsel vm9, $0x0, v4  }
0x9f: {  	[tilespmem:$0x19E0] =	vst v4  }
0xa0: {  	v4 =	vld [tilespmem:s16+$0x20];
	_ =	sdelay $0x4  }
0xa1: {  	v4 =	vadd.s32 $0xFFFFFFFF, v4  }
0xa2: {  	vm10 =	vgt.s32 v4, $0x0  }
0xa3: {  	v4 =	vnsel vm10, $0x0, v4  }
0xa4: {  	[tilespmem:$0x19F0] =	vst v4  }
0xa5: {  	v4 =	vld [tilespmem:s16+$0x30];
	_ =	sdelay $0x4  }
0xa6: {  	v4 =	vadd.s32 $0xFFFFFFFF, v4  }
0xa7: {  	vm11 =	vgt.s32 v4, $0x0  }
0xa8: {  	v4 =	vnsel vm11, $0x0, v4  }
0xa9: {  	[tilespmem:$0x1A00] =	vst v4  }
0xaa: {  	v4 =	vld [tilespmem:s16+$0x40];
	_ =	sdelay $0x4  }
0xab: {  	v4 =	vadd.s32 $0xFFFFFFFF, v4  }
0xac: {  	vm12 =	vgt.s32 v4, $0x0  }
0xad: {  	v4 =	vnsel vm12, $0x0, v4  }
0xae: {  	[tilespmem:$0x1A10] =	vst v4  }
0xaf: {  	v4 =	vld [tilespmem:s16+$0x50];
	_ =	sdelay $0x4  }
0xb0: {  	v4 =	vadd.s32 $0xFFFFFFFF, v4  }
0xb1: {  	vm13 =	vgt.s32 v4, $0x0  }
0xb2: {  	v4 =	vnsel vm13, $0x0, v4  }
0xb3: {  	[tilespmem:$0x1A20] =	vst v4  }
0xb4: {  	v4 =	vld [tilespmem:s16+$0x60];
	_ =	sdelay $0x4  }
0xb5: {  	v4 =	vadd.s32 $0xFFFFFFFF, v4  }
0xb6: {  	vm14 =	vgt.s32 v4, $0x0  }
0xb7: {  	v4 =	vnsel vm14, $0x0, v4  }
0xb8: {  	[tilespmem:$0x1A30] =	vst v4  }
0xb9: {  	v4 =	vld [tilespmem:s16+$0x70];
	_ =	sdelay $0x4  }
0xba: {  	v4 =	vadd.s32 $0xFFFFFFFF, v4  }
0xbb: {  	vm15 =	vgt.s32 v4, $0x0  }
0xbc: {  	v4 =	vnsel vm15, $0x0, v4  }
0xbd: {  	[tilespmem:$0x1A40] =	vst v4  }
0xbe: {  	[tilespmem:s12], [sflag:$0x1] =	stream.indirect.gather [hbm4b:s4+s10], $0x20, s11, s10, $0xb8;
	[tilespmem:$0x2A50] =	vst v63  }
0xbf: {  	_ =	swait.ge [sflag:s13], $0x1000  }
0xc0: {  	[sflag:s13] =	ssyncset.done $0x0  }
0xc1: {  	s31 =	sadd.s32 s15, s7;
	[sflag:s13] =	ssyncadd.s32 $0xFFFFF000  }
0xc2: {  	[hbm4b:s31+s3] =	stream.linear.scatter [tilespmem:s12], [sflag:$0x2], $0x1000, $0x38;
	[tilespmem:$0x2A50] =	vst v63  }
0xc3: {  	s14 =	sadd.s32 $0x1, s14;
	_ =	swait.ge [sflag:s9], $0x1000  }
0xc4: {  	p0 =	sne.s32 s14, s6;
	[sflag:s9] =	ssyncset.done $0x0  }
.Ltmp4:
0xc5: {  	[sflag:s9] =	ssyncadd.s32 $0xFFFFF000;
	(pc) =	sbr.rel @p0 .LBB2_1-.Ltmp4, $4  }
0xc6: {  	[hbm4b:s5+s3] =	stream.linear.scatter [tilespmem:s3], [sflag:$0x2], $0x1200, $0x38;
	[tilespmem:$0x2A50] =	vst v63  }
0xc7: {  	_ =	swait.ge [sflag:s9], $0x1200  }
0xc8: {  	[sflag:s9] =	ssyncset.done $0x0  }
0xc9: {  	[sflag:s9] =	ssyncadd.s32 $0xFFFFEE00  }
0xca: {  	_ =	sfence.sel $0x180000  }
0xcb: {  	[bflag:$0x0] =	sbarrier.arrive $0xFFFF  }
0xcc: {  	p0 =	sne.s32 s1, $0x0;
	_ =	strace $0x9000004D  }
0xcd: {  	s0 =	sadd.s32 @!p0 $0x100000, s0;
	[bflag:$0x2] =	sbarrier.arrive $0xFFFF  }
0xce: {  	[sflag:s0] =	ssyncadd.tile.s32 @!p0 $0x1;
	_ =	shalt  }
.Lfunc_end2:
_tile_overlayer_lowered:
.L_overlay_start_2:
0xcf: {  	(tag) =	ssettag $0x2  }
0xd0: {  	s0 =	rddreg [dreg:$0x0];
	s2 =	stileid.u32  }
0xd1: {  	s1 =	rddreg [dreg:$0x1];
	p0 =	sne.s32 s2, $0x0  }
0xd2: {  	s3 =	rddreg [dreg:$0x2];
	[bflag:$0x3] =	sbarrier.arrive $0xFFFF;
	s2 =	simm.s32 @!p0 $0x1C02  }
0xd3: {  	[timem:s3], [sflag:s2] =	dma.local @!p0 [hbm:s0], s1  }
0xd4: {  	s0 =	simm.s32 @!p0 $0x2  }
0xd5: {  	_ =	swait.ge @!p0 [sflag:s0], s1  }
0xd6: {  	s1 =	ssub.s32 @!p0 $0x0, s1;
	[sflag:s0] =	ssyncset.done @!p0 $0x0  }
0xd7: {  	[sflag:s0] =	ssyncadd.s32 @!p0 s1  }
0xd8: {  	[bflag:$0x3] =	sbarrier.arrive $0xFFFF  }
0xd9: {  	_ =	shalt  }

</sc_bundles>
